<compile_context>
chip_gen: v7x
topology: tpu7x:2x2x1
jax: 0.10.2.dev20260603
libtpu: 0.0.44.dev20260713+nightly
codegen_flags: <defaults>
</compile_context>

<pallas_src>
import functools

import jax
import jax.numpy as jnp
from jax import lax
from jax.experimental import pallas as pl
from jax.experimental.pallas import tpu as pltpu
from jax.experimental.pallas import tpu_sc as plsc

N = 10000
D = 128
E = 320000

NC = 2
NS = 16
CH = 128
NCHUNK = E // CH
CHUNKS_PER_TILE = -(-NCHUNK // NS)
RCH = 80
NRCH = N // RCH
RCH_PER_TILE = -(-NRCH // NS)
RCH_PER_WORKER = -(-NRCH // (NC * NS))

_mesh = plsc.VectorSubcoreMesh(core_axis_name="c", subcore_axis_name="s")


def _zero_rows(rows, nrows):
  z16 = jnp.zeros((16,), jnp.float32)
  def body(r, _):
    for j in range(8):
      rows[r, pl.ds(j * 16, 16)] = z16
    return 0
  lax.fori_loop(0, nrows, body, 0)


@functools.partial(
    pl.kernel,
    out_type=(
        jax.ShapeDtypeStruct((N, D), jnp.float32),
        jax.ShapeDtypeStruct((N,), jnp.float32),
        jax.ShapeDtypeStruct((N,), jnp.float32),
    ),
    mesh=_mesh,
    scratch_types=[
        pltpu.VMEM((RCH,), jnp.int32),
        pltpu.VMEM((RCH, D), jnp.float32),
        pltpu.VMEM((CH,), jnp.int32),
        pltpu.VMEM((CH,), jnp.float32),
        pltpu.VMEM((RCH,), jnp.float32),
        pltpu.VMEM_SHARED((N,), jnp.float32),
        pltpu.SemaphoreType.DMA,
    ],
)
def _sc_embed_deg(x_hbm, emb_hbm, dst0_hbm, dst1_hbm,
                  h_hbm, cnt0_hbm, cnt1_hbm,
                  xidx, erows, didx, ones_v, stage, acc1, sem):
  c = lax.axis_index("c")
  s = lax.axis_index("s")
  w = c * NS + s

  o16 = jnp.ones((16,), jnp.float32)
  for j in range(CH // 16):
    ones_v[pl.ds(j * 16, 16)] = o16
  z16 = jnp.zeros((16,), jnp.float32)
  for j in range(RCH // 16):
    stage[pl.ds(j * 16, 16)] = z16

  def zbody(k, _):
    ch = s + NS * k
    @pl.when(ch < NRCH)
    def _():
      off = pl.multiple_of(ch * RCH, 8)
      pltpu.sync_copy(stage, acc1.at[pl.ds(off, RCH)])
    return 0
  lax.fori_loop(0, RCH_PER_TILE, zbody, 0)

  def ebody(k, _):
    ch = w + NC * NS * k
    @pl.when(ch < NRCH)
    def _():
      off = pl.multiple_of(ch * RCH, 8)
      pltpu.sync_copy(x_hbm.at[pl.ds(off, RCH)], xidx)
      pltpu.async_copy(emb_hbm.at[xidx], erows, sem).wait()
      pltpu.sync_copy(erows, h_hbm.at[pl.ds(off, RCH)])
    return 0
  lax.fori_loop(0, RCH_PER_WORKER, ebody, 0)

  plsc.subcore_barrier()

  def dbody(dst_hbm):
    def body(k, _):
      ch = s + NS * k
      @pl.when(ch < NCHUNK)
      def _():
        off = pl.multiple_of(ch * CH, 8)
        pltpu.sync_copy(dst_hbm.at[pl.ds(off, CH)], didx)
        pltpu.sync_copy(ones_v, acc1.at[didx], add=True)
      return 0
    lax.fori_loop(0, CHUNKS_PER_TILE, body, 0)

  @pl.when(c == 0)
  def _():
    dbody(dst0_hbm)
  @pl.when(c == 1)
  def _():
    dbody(dst1_hbm)

  plsc.subcore_barrier()

  def obody(cnt_hbm):
    def body(k, _):
      ch = s + NS * k
      @pl.when(ch < NRCH)
      def _():
        off = pl.multiple_of(ch * RCH, 8)
        pltpu.sync_copy(acc1.at[pl.ds(off, RCH)], stage)
        pltpu.sync_copy(stage, cnt_hbm.at[pl.ds(off, RCH)])
      return 0
    lax.fori_loop(0, RCH_PER_TILE, body, 0)

  @pl.when(c == 0)
  def _():
    obody(cnt0_hbm)
  @pl.when(c == 1)
  def _():
    obody(cnt1_hbm)


NKP = 160
EPAD = NS * NKP
K4 = 2
SCH = K4 * CH
C4_VALID = NCHUNK // K4
C4_PER_TILE = EPAD // K4 // NS


@functools.partial(
    pl.kernel,
    out_type=(
        jax.ShapeDtypeStruct((N, D), jnp.float32),
        jax.ShapeDtypeStruct((N, D), jnp.float32),
    ),
    mesh=_mesh,
    scratch_types=[
        pltpu.VMEM((SCH,), jnp.int32),
        pltpu.VMEM((SCH,), jnp.int32),
        pltpu.VMEM((SCH, D), jnp.float32),
        pltpu.VMEM_SHARED((N, D), jnp.float32),
        pltpu.SemaphoreType.DMA,
    ],
)
def _sc_edge_agg(y0_hbm, y1_hbm, src0_hbm, dst0_hbm, src1_hbm, dst1_hbm,
                 agg0_hbm, agg1_hbm,
                 sidx4, didx4, rows, acc, sem):
  c = lax.axis_index("c")
  s = lax.axis_index("s")

  z16 = jnp.zeros((16,), jnp.float32)
  def zrow(r, _):
    for j in range(D // 16):
      rows[r, pl.ds(j * 16, 16)] = z16
    return 0
  lax.fori_loop(0, RCH, zrow, 0)

  def zbody(k, _):
    ch = s + NS * k
    @pl.when(ch < NRCH)
    def _():
      off = pl.multiple_of(ch * RCH, 8)
      pltpu.sync_copy(rows.at[pl.ds(0, RCH)], acc.at[pl.ds(off, RCH)])
    return 0
  lax.fori_loop(0, RCH_PER_TILE, zbody, 0)

  plsc.subcore_barrier()

  def ebody(y_hbm, srcF, dstF):
    def body(k, _):
      c4 = s * C4_PER_TILE + k
      off = pl.multiple_of(c4 * SCH, 8)
      pltpu.sync_copy(srcF.at[pl.ds(off, SCH)], sidx4)
      pltpu.sync_copy(dstF.at[pl.ds(off, SCH)], didx4)
      pltpu.async_copy(y_hbm.at[sidx4], rows, sem).wait()
      @pl.when(c4 < C4_VALID)
      def _():
        pltpu.sync_copy(rows, acc.at[didx4], add=True)
      return 0
    lax.fori_loop(0, C4_PER_TILE, body, 0)

  @pl.when(c == 0)
  def _():
    ebody(y0_hbm, src0_hbm, dst0_hbm)
  @pl.when(c == 1)
  def _():
    ebody(y1_hbm, src1_hbm, dst1_hbm)

  plsc.subcore_barrier()

  def obody(agg_hbm):
    def body(k, _):
      ch = s + NS * k
      @pl.when(ch < NRCH)
      def _():
        off = pl.multiple_of(ch * RCH, 8)
        pltpu.sync_copy(acc.at[pl.ds(off, RCH)], rows.at[pl.ds(0, RCH)])
        pltpu.sync_copy(rows.at[pl.ds(0, RCH)], agg_hbm.at[pl.ds(off, RCH)])
      return 0
    lax.fori_loop(0, RCH_PER_TILE, body, 0)

  @pl.when(c == 0)
  def _():
    obody(agg0_hbm)
  @pl.when(c == 1)
  def _():
    obody(agg1_hbm)


BLK = 1000

def _mm(a, w):
  return lax.dot_general(a, w, (((1,), (1,)), ((), ())),
                         preferred_element_type=jnp.float32)


def _tc_pre_body(h_ref, cnt0_ref, cnt1_ref, w00_ref, w01_ref,
                 y0_ref, y1_ref, dinv0_ref, dinv1_ref):
  h = h_ref[...]
  dinv0 = lax.rsqrt(cnt0_ref[...] + 1.0)
  dinv1 = lax.rsqrt(cnt1_ref[...] + 1.0)
  dinv0_ref[...] = dinv0
  dinv1_ref[...] = dinv1
  y0_ref[...] = _mm(h, w00_ref[...]) * dinv0
  y1_ref[...] = _mm(h, w01_ref[...]) * dinv1


def _attention(e0, e1, aw1, ab1, aw2):
  t0 = jnp.tanh(_mm(e0, aw1) + ab1)
  t1 = jnp.tanh(_mm(e1, aw1) + ab1)
  w0 = _mm(t0, aw2)
  w1 = _mm(t1, aw2)
  m = jnp.maximum(w0, w1)
  s0 = jnp.exp(w0 - m)
  s1 = jnp.exp(w1 - m)
  return (s0 * e0 + s1 * e1) / (s0 + s1)


def _tc_mid_body(agg0_ref, agg1_ref, y0_ref, y1_ref, dinv0_ref, dinv1_ref,
                 b00_ref, b01_ref, aw1_ref, ab1_ref, aw2_ref,
                 w10_ref, w11_ref,
                 yn0_ref, yn1_ref):
  dinv0 = dinv0_ref[...]
  dinv1 = dinv1_ref[...]
  e0 = (agg0_ref[...] + y0_ref[...]) * dinv0 + b00_ref[...]
  e1 = (agg1_ref[...] + y1_ref[...]) * dinv1 + b01_ref[...]
  h1 = _attention(e0, e1, aw1_ref[...], ab1_ref[...], aw2_ref[...])
  yn0_ref[...] = _mm(h1, w10_ref[...]) * dinv0
  yn1_ref[...] = _mm(h1, w11_ref[...]) * dinv1


def _tc_post_body(agg0_ref, agg1_ref, y0_ref, y1_ref, dinv0_ref, dinv1_ref,
                  b10_ref, b11_ref, aw1_ref, ab1_ref, aw2_ref,
                  out_ref):
  e0 = (agg0_ref[...] + y0_ref[...]) * dinv0_ref[...] + b10_ref[...]
  e1 = (agg1_ref[...] + y1_ref[...]) * dinv1_ref[...] + b11_ref[...]
  h2 = _attention(e0, e1, aw1_ref[...], ab1_ref[...], aw2_ref[...])
  m = jnp.max(h2, axis=1, keepdims=True)
  lse = m + jnp.log(jnp.sum(jnp.exp(h2 - m), axis=1, keepdims=True))
  out_ref[...] = h2 - lse


def _row_spec():
  return pl.BlockSpec((BLK, D), lambda i: (i, 0))


def _col_spec():
  return pl.BlockSpec((BLK, 1), lambda i: (i, 0))


def _full_spec(shape):
  return pl.BlockSpec(shape, lambda i: tuple(0 for _ in shape))


def _tc_pre(h, cnt0, cnt1, w00, w01):
  grid = (N // BLK,)
  return pl.pallas_call(
      _tc_pre_body,
      grid=grid,
      in_specs=[_row_spec(), _col_spec(), _col_spec(),
                _full_spec((D, D)), _full_spec((D, D))],
      out_specs=(_row_spec(), _row_spec(), _col_spec(), _col_spec()),
      out_shape=(
          jax.ShapeDtypeStruct((N, D), jnp.float32),
          jax.ShapeDtypeStruct((N, D), jnp.float32),
          jax.ShapeDtypeStruct((N, 1), jnp.float32),
          jax.ShapeDtypeStruct((N, 1), jnp.float32),
      ),
  )(h, cnt0, cnt1, w00, w01)


def _tc_mid(agg0, agg1, y0, y1, dinv0, dinv1, b00, b01, aw1, ab1, aw2,
            w10, w11):
  grid = (N // BLK,)
  return pl.pallas_call(
      _tc_mid_body,
      grid=grid,
      in_specs=[_row_spec(), _row_spec(), _row_spec(), _row_spec(),
                _col_spec(), _col_spec(),
                _full_spec((1, D)), _full_spec((1, D)),
                _full_spec((D, D)), _full_spec((1, D)), _full_spec((1, D)),
                _full_spec((D, D)), _full_spec((D, D))],
      out_specs=(_row_spec(), _row_spec()),
      out_shape=(
          jax.ShapeDtypeStruct((N, D), jnp.float32),
          jax.ShapeDtypeStruct((N, D), jnp.float32),
      ),
  )(agg0, agg1, y0, y1, dinv0, dinv1, b00, b01, aw1, ab1, aw2, w10, w11)


def _tc_post(agg0, agg1, y0, y1, dinv0, dinv1, b10, b11, aw1, ab1, aw2):
  grid = (N // BLK,)
  return pl.pallas_call(
      _tc_post_body,
      grid=grid,
      in_specs=[_row_spec(), _row_spec(), _row_spec(), _row_spec(),
                _col_spec(), _col_spec(),
                _full_spec((1, D)), _full_spec((1, D)),
                _full_spec((D, D)), _full_spec((1, D)), _full_spec((1, D))],
      out_specs=_row_spec(),
      out_shape=jax.ShapeDtypeStruct((N, D), jnp.float32),
  )(agg0, agg1, y0, y1, dinv0, dinv1, b10, b11, aw1, ab1, aw2)


def kernel(x, edge_index_0, edge_index_1, embed_table,
           W_0_0, b_0_0, W_0_1, b_0_1, attW1_0, attb1_0, attW2_0,
           W_1_0, b_1_0, W_1_1, b_1_1, attW1_1, attb1_1, attW2_1):
  s0, d0 = edge_index_0[0], edge_index_0[1]
  s1, d1 = edge_index_1[0], edge_index_1[1]

  def _chunked(v):
    return jnp.pad(v, (0, EPAD * CH - E))

  s0c, d0c = _chunked(s0), _chunked(d0)
  s1c, d1c = _chunked(s1), _chunked(d1)

  h, cnt0, cnt1 = _sc_embed_deg(x, embed_table, d0, d1)

  y0, y1, dinv0, dinv1 = _tc_pre(
      h, cnt0.reshape(N, 1), cnt1.reshape(N, 1), W_0_0, W_0_1)

  agg0, agg1 = _sc_edge_agg(y0, y1, s0c, d0c, s1c, d1c)

  yn0, yn1 = _tc_mid(agg0, agg1, y0, y1, dinv0, dinv1,
                     b_0_0.reshape(1, D), b_0_1.reshape(1, D),
                     attW1_0, attb1_0.reshape(1, D), attW2_0,
                     W_1_0, W_1_1)

  agg0b, agg1b = _sc_edge_agg(yn0, yn1, s0c, d0c, s1c, d1c)

  return _tc_post(agg0b, agg1b, yn0, yn1, dinv0, dinv1,
                  b_1_0.reshape(1, D), b_1_1.reshape(1, D),
                  attW1_1, attb1_1.reshape(1, D), attW2_1)

# --- scband reference (transcript-rebuilt; emitter-appended) ---
"""Pipeline reference for scband-hgcnfor-text-classification-40879498723409 (READ-ONLY COPY).

The authoritative reference and input builder live on the scoring server;
editing this copy changes nothing except your own understanding.
"""

import jax, jax.numpy as jnp
import numpy as np

N = 10000
E = 320000
D = 128
H = 128
ATT_H = 128


def setup_inputs(seed: int = 0) -> dict:
    key = jax.random.key(seed)
    ks = jax.random.split(key, 24)
    inp = {}
    inp['x'] = jnp.arange(N, dtype=jnp.int32)
    inp['edge_index_0'] = jax.random.randint(ks[0], (2, E), 0, N, dtype=jnp.int32)
    inp['edge_index_1'] = jax.random.randint(ks[1], (2, E), 0, N, dtype=jnp.int32)
    inp['embed_table'] = jax.random.normal(ks[2], (N, D), dtype=jnp.float32) * 0.05
    # layer 0 GCN weights (one per meta-path): W [out,in], b [out]
    inp['W_0_0'] = jax.random.normal(ks[3], (H, D), dtype=jnp.float32) * 0.05
    inp['b_0_0'] = jnp.zeros((H,), dtype=jnp.float32)
    inp['W_0_1'] = jax.random.normal(ks[4], (H, D), dtype=jnp.float32) * 0.05
    inp['b_0_1'] = jnp.zeros((H,), dtype=jnp.float32)
    # layer 0 semantic attention: Linear(H->ATT_H) with bias, Linear(ATT_H->1) no bias
    inp['attW1_0'] = jax.random.normal(ks[5], (ATT_H, H), dtype=jnp.float32) * 0.05
    inp['attb1_0'] = jnp.zeros((ATT_H,), dtype=jnp.float32)
    inp['attW2_0'] = jax.random.normal(ks[6], (1, ATT_H), dtype=jnp.float32) * 0.05
    # layer 1
    inp['W_1_0'] = jax.random.normal(ks[7], (H, H), dtype=jnp.float32) * 0.05
    inp['b_1_0'] = jnp.zeros((H,), dtype=jnp.float32)
    inp['W_1_1'] = jax.random.normal(ks[8], (H, H), dtype=jnp.float32) * 0.05
    inp['b_1_1'] = jnp.zeros((H,), dtype=jnp.float32)
    inp['attW1_1'] = jax.random.normal(ks[9], (ATT_H, H), dtype=jnp.float32) * 0.05
    inp['attb1_1'] = jnp.zeros((ATT_H,), dtype=jnp.float32)
    inp['attW2_1'] = jax.random.normal(ks[10], (1, ATT_H), dtype=jnp.float32) * 0.05
    return inp


def _gcn_conv(h, src, dst, W, b):
    # PyG GCNConv with normalize=True: add self-loops, symmetric norm, linear, scatter-add, bias
    n = h.shape[0]
    loops = jnp.arange(n, dtype=src.dtype)
    s = jnp.concatenate([src, loops])
    d = jnp.concatenate([dst, loops])
    deg = jnp.zeros((n,), h.dtype).at[d].add(1.0)
    dinv = jnp.where(deg > 0, 1.0 / jnp.sqrt(deg), 0.0)
    norm = dinv[s] * dinv[d]
    xl = h @ W.T
    msg = jnp.take(xl, s, axis=0) * norm[:, None]
    out = jnp.zeros((n, W.shape[0]), h.dtype).at[d].add(msg)
    return out + b


def _semantic_attention(z, W1, b1, W2):
    # z: [N, P, H]
    w = jnp.tanh(z @ W1.T + b1) @ W2.T  # [N, P, 1]
    beta = jax.nn.softmax(w, axis=1)
    return (beta * z).sum(axis=1)


def reference(x, edge_index_0, edge_index_1, embed_table,
              W_0_0, b_0_0, W_0_1, b_0_1, attW1_0, attb1_0, attW2_0,
              W_1_0, b_1_0, W_1_1, b_1_1, attW1_1, attb1_1, attW2_1):
    h = jnp.take(embed_table, x, axis=0)  # embed(x).squeeze() -> [N, D]
    # HGCN layer 0
    e0 = _gcn_conv(h, edge_index_0[0], edge_index_0[1], W_0_0, b_0_0)
    e1 = _gcn_conv(h, edge_index_1[0], edge_index_1[1], W_0_1, b_0_1)
    z = jnp.stack([e0, e1], axis=1)
    h = _semantic_attention(z, attW1_0, attb1_0, attW2_0)
    # HGCN layer 1
    e0 = _gcn_conv(h, edge_index_0[0], edge_index_0[1], W_1_0, b_1_0)
    e1 = _gcn_conv(h, edge_index_1[0], edge_index_1[1], W_1_1, b_1_1)
    z = jnp.stack([e0, e1], axis=1)
    h = _semantic_attention(z, attW1_1, attb1_1, attW2_1)
    return jax.nn.log_softmax(h, axis=1)

if __name__ == "__main__":
    import jax
    _d = setup_inputs()
    print(jax.jit(kernel)(*tuple(_d.values())))

</pallas_src>

<mosaic_0001>
#map = affine_map<(d0, d1) -> (0, 0)>
#map1 = affine_map<(d0, d1) -> (0)>
module attributes {stable_mosaic.version = 14 : i64} {
  func.func @_sc_edge_agg(%arg0: i32, %arg1: i32, %arg2: memref<10000x128xf32, #tpu.memory_space<hbm>>, %arg3: memref<10000x128xf32, #tpu.memory_space<hbm>>, %arg4: memref<327680xi32, #tpu.memory_space<hbm>>, %arg5: memref<327680xi32, #tpu.memory_space<hbm>>, %arg6: memref<327680xi32, #tpu.memory_space<hbm>>, %arg7: memref<327680xi32, #tpu.memory_space<hbm>>, %arg8: memref<10000x128xf32, #tpu.memory_space<hbm>>, %arg9: memref<10000x128xf32, #tpu.memory_space<hbm>>, %arg10: memref<256xi32, #tpu.memory_space<vmem>>, %arg11: memref<256xi32, #tpu.memory_space<vmem>>, %arg12: memref<256x128xf32, #tpu.memory_space<vmem>>, %arg13: memref<10000x128xf32, #tpu.memory_space<vmem_shared>>, %arg14: memref<!tpu.dma_semaphore, #tpu.memory_space<semaphore_mem>>) attributes {dimension_semantics = [#tpu.dimension_semantics<core_parallel>, #tpu.dimension_semantics<subcore_parallel>], iteration_bounds = array<i64: 2, 16>, scalar_prefetch = 0 : i64, scratch_operands = 5 : i64, tpu.core_type = #tpu.core_type<sc_vector_subcore>, window_params = [{transform_indices = #map}, {transform_indices = #map}, {transform_indices = #map1}, {transform_indices = #map1}, {transform_indices = #map1}, {transform_indices = #map1}, {transform_indices = #map}, {transform_indices = #map}]} {
    %broadcast_in_dim3A = arith.constant 0.000000e+00 : f32
    %broadcast_in_dim3A_0 = vector.broadcast %broadcast_in_dim3A : f32 to vector<16xf32>
    %scan3A = arith.constant 0 : i32
    %scan3A_1 = arith.constant 0 : i32
    %scan3A_2 = arith.constant 80 : i32
    %scan3A_3 = arith.addi %scan3A_1, %scan3A_2 : i32
    %scan3A_4 = arith.constant 1 : i32
    %scan3A_5 = scf.for %scan3A_32 = %scan3A_1 to %scan3A_3 step %scan3A_4 iter_args(%scan3A_33 = %scan3A) -> (i32)  : i32 {
      %swap3A = arith.index_cast %scan3A_32 : i32 to index
      %swap3A_34 = arith.constant 0 : index
      %swap3A_35 = tpu.vector_load %arg12[%swap3A, %swap3A_34] {strides = array<i32>} : memref<256x128xf32, #tpu.memory_space<vmem>>, vector<1x16xf32>,
      %swap3A_36 = vector.shape_cast %swap3A_35 : vector<1x16xf32> to vector<16xf32>
      %swap3A_37 = vector.shape_cast %broadcast_in_dim3A_0 : vector<16xf32> to vector<1x16xf32>
      tpu.vector_store %arg12[%swap3A, %swap3A_34], %swap3A_37 {strides = array<i32>} : memref<256x128xf32, #tpu.memory_space<vmem>>, vector<1x16xf32>,
      %swap3A_38 = arith.index_cast %scan3A_32 : i32 to index
      %swap3A_39 = arith.constant 16 : index
      %swap3A_40 = tpu.vector_load %arg12[%swap3A_38, %swap3A_39] {strides = array<i32>} : memref<256x128xf32, #tpu.memory_space<vmem>>, vector<1x16xf32>,
      %swap3A_41 = vector.shape_cast %swap3A_40 : vector<1x16xf32> to vector<16xf32>
      %swap3A_42 = vector.shape_cast %broadcast_in_dim3A_0 : vector<16xf32> to vector<1x16xf32>
      tpu.vector_store %arg12[%swap3A_38, %swap3A_39], %swap3A_42 {strides = array<i32>} : memref<256x128xf32, #tpu.memory_space<vmem>>, vector<1x16xf32>,
      %swap3A_43 = arith.index_cast %scan3A_32 : i32 to index
      %swap3A_44 = arith.constant 32 : index
      %swap3A_45 = tpu.vector_load %arg12[%swap3A_43, %swap3A_44] {strides = array<i32>} : memref<256x128xf32, #tpu.memory_space<vmem>>, vector<1x16xf32>,
      %swap3A_46 = vector.shape_cast %swap3A_45 : vector<1x16xf32> to vector<16xf32>
      %swap3A_47 = vector.shape_cast %broadcast_in_dim3A_0 : vector<16xf32> to vector<1x16xf32>
      tpu.vector_store %arg12[%swap3A_43, %swap3A_44], %swap3A_47 {strides = array<i32>} : memref<256x128xf32, #tpu.memory_space<vmem>>, vector<1x16xf32>,
      %swap3A_48 = arith.index_cast %scan3A_32 : i32 to index
      %swap3A_49 = arith.constant 48 : index
      %swap3A_50 = tpu.vector_load %arg12[%swap3A_48, %swap3A_49] {strides = array<i32>} : memref<256x128xf32, #tpu.memory_space<vmem>>, vector<1x16xf32>,
      %swap3A_51 = vector.shape_cast %swap3A_50 : vector<1x16xf32> to vector<16xf32>
      %swap3A_52 = vector.shape_cast %broadcast_in_dim3A_0 : vector<16xf32> to vector<1x16xf32>
      tpu.vector_store %arg12[%swap3A_48, %swap3A_49], %swap3A_52 {strides = array<i32>} : memref<256x128xf32, #tpu.memory_space<vmem>>, vector<1x16xf32>,
      %swap3A_53 = arith.index_cast %scan3A_32 : i32 to index
      %swap3A_54 = arith.constant 64 : index
      %swap3A_55 = tpu.vector_load %arg12[%swap3A_53, %swap3A_54] {strides = array<i32>} : memref<256x128xf32, #tpu.memory_space<vmem>>, vector<1x16xf32>,
      %swap3A_56 = vector.shape_cast %swap3A_55 : vector<1x16xf32> to vector<16xf32>
      %swap3A_57 = vector.shape_cast %broadcast_in_dim3A_0 : vector<16xf32> to vector<1x16xf32>
      tpu.vector_store %arg12[%swap3A_53, %swap3A_54], %swap3A_57 {strides = array<i32>} : memref<256x128xf32, #tpu.memory_space<vmem>>, vector<1x16xf32>,
      %swap3A_58 = arith.index_cast %scan3A_32 : i32 to index
      %swap3A_59 = arith.constant 80 : index
      %swap3A_60 = tpu.vector_load %arg12[%swap3A_58, %swap3A_59] {strides = array<i32>} : memref<256x128xf32, #tpu.memory_space<vmem>>, vector<1x16xf32>,
      %swap3A_61 = vector.shape_cast %swap3A_60 : vector<1x16xf32> to vector<16xf32>
      %swap3A_62 = vector.shape_cast %broadcast_in_dim3A_0 : vector<16xf32> to vector<1x16xf32>
      tpu.vector_store %arg12[%swap3A_58, %swap3A_59], %swap3A_62 {strides = array<i32>} : memref<256x128xf32, #tpu.memory_space<vmem>>, vector<1x16xf32>,
      %swap3A_63 = arith.index_cast %scan3A_32 : i32 to index
      %swap3A_64 = arith.constant 96 : index
      %swap3A_65 = tpu.vector_load %arg12[%swap3A_63, %swap3A_64] {strides = array<i32>} : memref<256x128xf32, #tpu.memory_space<vmem>>, vector<1x16xf32>,
      %swap3A_66 = vector.shape_cast %swap3A_65 : vector<1x16xf32> to vector<16xf32>
      %swap3A_67 = vector.shape_cast %broadcast_in_dim3A_0 : vector<16xf32> to vector<1x16xf32>
      tpu.vector_store %arg12[%swap3A_63, %swap3A_64], %swap3A_67 {strides = array<i32>} : memref<256x128xf32, #tpu.memory_space<vmem>>, vector<1x16xf32>,
      %swap3A_68 = arith.index_cast %scan3A_32 : i32 to index
      %swap3A_69 = arith.constant 112 : index
      %swap3A_70 = tpu.vector_load %arg12[%swap3A_68, %swap3A_69] {strides = array<i32>} : memref<256x128xf32, #tpu.memory_space<vmem>>, vector<1x16xf32>,
      %swap3A_71 = vector.shape_cast %swap3A_70 : vector<1x16xf32> to vector<16xf32>
      %swap3A_72 = vector.shape_cast %broadcast_in_dim3A_0 : vector<16xf32> to vector<1x16xf32>
      tpu.vector_store %arg12[%swap3A_68, %swap3A_69], %swap3A_72 {strides = array<i32>} : memref<256x128xf32, #tpu.memory_space<vmem>>, vector<1x16xf32>,
      %scan3A_73 = arith.constant 0 : i32
      scf.yield %scan3A_73 : i32
    }
    %scan3A_6 = arith.constant 80 : i32
    %scan3A_7 = arith.constant 0 : i32
    %scan3A_8 = arith.constant 0 : i32
    %scan3A_9 = arith.constant 8 : i32
    %scan3A_10 = arith.addi %scan3A_8, %scan3A_9 : i32
    %scan3A_11 = arith.constant 1 : i32
    %scan3A_12 = scf.for %scan3A_32 = %scan3A_8 to %scan3A_10 step %scan3A_11 iter_args(%scan3A_33 = %scan3A_7) -> (i32)  : i32 {
      %mul3A = arith.constant 16 : i32
      %mul3A_34 = arith.muli %mul3A, %scan3A_32 : i32
      %add3A = arith.addi %arg1, %mul3A_34 : i32
      %lt3A = arith.constant 125 : i32
      %lt3A_35 = arith.cmpi slt, %add3A, %lt3A : i32
      %convert_element_type3A_36 = arith.extui %lt3A_35 : i1 to i32
      %cond3A_37 = arith.constant 0 : i32
      %cond3A_38 = arith.cmpi ne, %convert_element_type3A_36, %cond3A_37 : i32
      scf.if %cond3A_38 {
        %mul3A_40 = arith.constant 80 : i32
        %mul3A_41 = arith.muli %add3A, %mul3A_40 : i32
        %multiple_of3A = tpu.assume_multiple %mul3A_41, 8 : i32
        "tpu.region"() ({
          %run_scoped3A = tpu.sem_alloc : memref<!tpu.dma_semaphore, #tpu.memory_space<semaphore_mem>>
          %dma_start3A = arith.constant 0 : i32
          %dma_start3A_42 = arith.constant 0 : i32
          %dma_start3A_43 = tpu.memref_slice %arg12[%dma_start3A, %dma_start3A_42] : memref<256x128xf32, #tpu.memory_space<vmem>> -> memref<80x128xf32, #tpu.memory_space<vmem>>
          %dma_start3A_44 = arith.constant 0 : i32
          %dma_start3A_45 = tpu.memref_slice %arg13[%multiple_of3A, %dma_start3A_44] : memref<10000x128xf32, #tpu.memory_space<vmem_shared>> -> memref<80x128xf32, #tpu.memory_space<vmem_shared>>
          %dma_start3A_46 = arith.constant 0 : i32
          %dma_start3A_47 = tpu.memref_slice %arg13[%multiple_of3A, %dma_start3A_46] : memref<10000x128xf32, #tpu.memory_space<vmem_shared>> -> memref<80x128xf32, #tpu.memory_space<vmem_shared>>
          %dma_start3A_48 = arith.constant 0 : i32
          %dma_start3A_49 = arith.constant 0 : i32
          %dma_start3A_50 = tpu.memref_slice %arg12[%dma_start3A_48, %dma_start3A_49] : memref<256x128xf32, #tpu.memory_space<vmem>> -> memref<80x128xf32, #tpu.memory_space<vmem>>
          tpu.enqueue_dma source(%dma_start3A_50 : memref<80x128xf32, #tpu.memory_space<vmem>>) target(%dma_start3A_47 : memref<80x128xf32, #tpu.memory_space<vmem_shared>>) target_semaphore(%run_scoped3A : memref<!tpu.dma_semaphore, #tpu.memory_space<semaphore_mem>>)
          %dma_wait3A = arith.constant 0 : i32
          %dma_wait3A_51 = arith.constant 0 : i32
          %dma_wait3A_52 = tpu.memref_slice %arg12[%dma_wait3A, %dma_wait3A_51] : memref<256x128xf32, #tpu.memory_space<vmem>> -> memref<80x128xf32, #tpu.memory_space<vmem>>
          %dma_wait3A_53 = arith.constant 0 : i32
          %dma_wait3A_54 = tpu.memref_slice %arg13[%multiple_of3A, %dma_wait3A_53] : memref<10000x128xf32, #tpu.memory_space<vmem_shared>> -> memref<80x128xf32, #tpu.memory_space<vmem_shared>>
          %dma_wait3A_55 = arith.constant 0 : i32
          %dma_wait3A_56 = tpu.memref_slice %arg13[%multiple_of3A, %dma_wait3A_55] : memref<10000x128xf32, #tpu.memory_space<vmem_shared>> -> memref<80x128xf32, #tpu.memory_space<vmem_shared>>
          %dma_wait3A_57 = arith.constant 0 : i32
          %dma_wait3A_58 = arith.constant 0 : i32
          %dma_wait3A_59 = tpu.memref_slice %arg12[%dma_wait3A_57, %dma_wait3A_58] : memref<256x128xf32, #tpu.memory_space<vmem>> -> memref<80x128xf32, #tpu.memory_space<vmem>>
          tpu.wait_dma2 semaphore(%run_scoped3A : memref<!tpu.dma_semaphore, #tpu.memory_space<semaphore_mem>>) src(%dma_wait3A_59 : memref<80x128xf32, #tpu.memory_space<vmem>>) dst(%dma_wait3A_56 : memref<80x128xf32, #tpu.memory_space<vmem_shared>>)
          tpu.yield
        }) : () -> ()
      } else {
      }
      %scan3A_39 = arith.constant 0 : i32
      scf.yield %scan3A_39 : i32
    }
    %scan3A_13 = arith.constant 8 : i32
    %barrier3A = arith.constant 0 : index
    tpu.barrier barrier_id(%barrier3A)
    %eq3A = arith.constant 0 : i32
    %eq3A_14 = arith.cmpi eq, %arg0, %eq3A : i32
    %convert_element_type3A = arith.extui %eq3A_14 : i1 to i32
    %cond3A = arith.constant 0 : i32
    %cond3A_15 = arith.cmpi ne, %convert_element_type3A, %cond3A : i32
    scf.if %cond3A_15 {
      %scan3A_32 = arith.constant 0 : i32
      %scan3A_33 = arith.constant 0 : i32
      %scan3A_34 = arith.constant 80 : i32
      %scan3A_35 = arith.addi %scan3A_33, %scan3A_34 : i32
      %scan3A_36 = arith.constant 1 : i32
      %scan3A_37 = scf.for %scan3A_39 = %scan3A_33 to %scan3A_35 step %scan3A_36 iter_args(%scan3A_40 = %scan3A_32) -> (i32)  : i32 {
        %mul3A = arith.constant 80 : i32
        %mul3A_41 = arith.muli %arg1, %mul3A : i32
        %add3A = arith.addi %mul3A_41, %scan3A_39 : i32
        %mul3A_42 = arith.constant 256 : i32
        %mul3A_43 = arith.muli %add3A, %mul3A_42 : i32
        %multiple_of3A = tpu.assume_multiple %mul3A_43, 8 : i32
        "tpu.region"() ({
          %run_scoped3A = tpu.sem_alloc : memref<!tpu.dma_semaphore, #tpu.memory_space<semaphore_mem>>
          %dma_start3A_53 = tpu.memref_slice %arg4[%multiple_of3A] : memref<327680xi32, #tpu.memory_space<hbm>> -> memref<256xi32, #tpu.memory_space<hbm>>
          %dma_start3A_54 = tpu.memref_slice %arg4[%multiple_of3A] : memref<327680xi32, #tpu.memory_space<hbm>> -> memref<256xi32, #tpu.memory_space<hbm>>
          tpu.enqueue_dma source(%dma_start3A_54 : memref<256xi32, #tpu.memory_space<hbm>>) target(%arg10 : memref<256xi32, #tpu.memory_space<vmem>>) target_semaphore(%run_scoped3A : memref<!tpu.dma_semaphore, #tpu.memory_space<semaphore_mem>>)
          %dma_wait3A_55 = tpu.memref_slice %arg4[%multiple_of3A] : memref<327680xi32, #tpu.memory_space<hbm>> -> memref<256xi32, #tpu.memory_space<hbm>>
          %dma_wait3A_56 = tpu.memref_slice %arg4[%multiple_of3A] : memref<327680xi32, #tpu.memory_space<hbm>> -> memref<256xi32, #tpu.memory_space<hbm>>
          tpu.wait_dma2 semaphore(%run_scoped3A : memref<!tpu.dma_semaphore, #tpu.memory_space<semaphore_mem>>) src(%dma_wait3A_56 : memref<256xi32, #tpu.memory_space<hbm>>) dst(%arg10 : memref<256xi32, #tpu.memory_space<vmem>>)
          tpu.yield
        }) : () -> ()
        "tpu.region"() ({
          %run_scoped3A = tpu.sem_alloc : memref<!tpu.dma_semaphore, #tpu.memory_space<semaphore_mem>>
          %dma_start3A_53 = tpu.memref_slice %arg5[%multiple_of3A] : memref<327680xi32, #tpu.memory_space<hbm>> -> memref<256xi32, #tpu.memory_space<hbm>>
          %dma_start3A_54 = tpu.memref_slice %arg5[%multiple_of3A] : memref<327680xi32, #tpu.memory_space<hbm>> -> memref<256xi32, #tpu.memory_space<hbm>>
          tpu.enqueue_dma source(%dma_start3A_54 : memref<256xi32, #tpu.memory_space<hbm>>) target(%arg11 : memref<256xi32, #tpu.memory_space<vmem>>) target_semaphore(%run_scoped3A : memref<!tpu.dma_semaphore, #tpu.memory_space<semaphore_mem>>)
          %dma_wait3A_55 = tpu.memref_slice %arg5[%multiple_of3A] : memref<327680xi32, #tpu.memory_space<hbm>> -> memref<256xi32, #tpu.memory_space<hbm>>
          %dma_wait3A_56 = tpu.memref_slice %arg5[%multiple_of3A] : memref<327680xi32, #tpu.memory_space<hbm>> -> memref<256xi32, #tpu.memory_space<hbm>>
          tpu.wait_dma2 semaphore(%run_scoped3A : memref<!tpu.dma_semaphore, #tpu.memory_space<semaphore_mem>>) src(%dma_wait3A_56 : memref<256xi32, #tpu.memory_space<hbm>>) dst(%arg11 : memref<256xi32, #tpu.memory_space<vmem>>)
          tpu.yield
        }) : () -> ()
        %dma_start3A = arith.constant 0 : i32
        %dma_start3A_44 = arith.constant 0 : i32
        %dma_start3A_45 = tpu.memref_slice %arg2[%dma_start3A, %dma_start3A_44] : memref<10000x128xf32, #tpu.memory_space<hbm>> -> memref<10000x128xf32, #tpu.memory_space<hbm>>
        tpu.enqueue_indirect_dma source(%dma_start3A_45 : memref<10000x128xf32, #tpu.memory_space<hbm>>) target(%arg12 : memref<256x128xf32, #tpu.memory_space<vmem>>) offsets(%arg10 : memref<256xi32, #tpu.memory_space<vmem>>) semaphore(%arg14 : memref<!tpu.dma_semaphore, #tpu.memory_space<semaphore_mem>>)
        %dma_wait3A = arith.constant 0 : i32
        %dma_wait3A_46 = arith.constant 0 : i32
        %dma_wait3A_47 = tpu.memref_slice %arg2[%dma_wait3A, %dma_wait3A_46] : memref<10000x128xf32, #tpu.memory_space<hbm>> -> memref<10000x128xf32, #tpu.memory_space<hbm>>
        tpu.wait_indirect_dma semaphore(%arg14 : memref<!tpu.dma_semaphore, #tpu.memory_space<semaphore_mem>>) src(%dma_wait3A_47 : memref<10000x128xf32, #tpu.memory_space<hbm>>) dst(%arg12 : memref<256x128xf32, #tpu.memory_space<vmem>>)
        %lt3A = arith.constant 1250 : i32
        %lt3A_48 = arith.cmpi slt, %add3A, %lt3A : i32
        %convert_element_type3A_49 = arith.extui %lt3A_48 : i1 to i32
        %cond3A_50 = arith.constant 0 : i32
        %cond3A_51 = arith.cmpi ne, %convert_element_type3A_49, %cond3A_50 : i32
        scf.if %cond3A_51 {
          "tpu.region"() ({
            %run_scoped3A = tpu.sem_alloc : memref<!tpu.dma_semaphore, #tpu.memory_space<semaphore_mem>>
            %dma_start3A_53 = arith.constant 0 : i32
            %dma_start3A_54 = arith.constant 0 : i32
            %dma_start3A_55 = tpu.memref_slice %arg13[%dma_start3A_53, %dma_start3A_54] : memref<10000x128xf32, #tpu.memory_space<vmem_shared>> -> memref<10000x128xf32, #tpu.memory_space<vmem_shared>>
            tpu.enqueue_indirect_dma source(%arg12 : memref<256x128xf32, #tpu.memory_space<vmem>>) target(%dma_start3A_55 : memref<10000x128xf32, #tpu.memory_space<vmem_shared>>) offsets(%arg11 : memref<256xi32, #tpu.memory_space<vmem>>) semaphore(%run_scoped3A : memref<!tpu.dma_semaphore, #tpu.memory_space<semaphore_mem>>) {add = true}
            %dma_wait3A_56 = arith.constant 0 : i32
            %dma_wait3A_57 = arith.constant 0 : i32
            %dma_wait3A_58 = tpu.memref_slice %arg13[%dma_wait3A_56, %dma_wait3A_57] : memref<10000x128xf32, #tpu.memory_space<vmem_shared>> -> memref<10000x128xf32, #tpu.memory_space<vmem_shared>>
            tpu.wait_indirect_dma semaphore(%run_scoped3A : memref<!tpu.dma_semaphore, #tpu.memory_space<semaphore_mem>>) src(%arg12 : memref<256x128xf32, #tpu.memory_space<vmem>>) dst(%dma_wait3A_58 : memref<10000x128xf32, #tpu.memory_space<vmem_shared>>)
            tpu.yield
          }) : () -> ()
        } else {
        }
        %scan3A_52 = arith.constant 0 : i32
        scf.yield %scan3A_52 : i32
      }
      %scan3A_38 = arith.constant 80 : i32
    } else {
    }
    %eq3A_16 = arith.constant 1 : i32
    %eq3A_17 = arith.cmpi eq, %arg0, %eq3A_16 : i32
    %convert_element_type3A_18 = arith.extui %eq3A_17 : i1 to i32
    %cond3A_19 = arith.constant 0 : i32
    %cond3A_20 = arith.cmpi ne, %convert_element_type3A_18, %cond3A_19 : i32
    scf.if %cond3A_20 {
      %scan3A_32 = arith.constant 0 : i32
      %scan3A_33 = arith.constant 0 : i32
      %scan3A_34 = arith.constant 80 : i32
      %scan3A_35 = arith.addi %scan3A_33, %scan3A_34 : i32
      %scan3A_36 = arith.constant 1 : i32
      %scan3A_37 = scf.for %scan3A_39 = %scan3A_33 to %scan3A_35 step %scan3A_36 iter_args(%scan3A_40 = %scan3A_32) -> (i32)  : i32 {
        %mul3A = arith.constant 80 : i32
        %mul3A_41 = arith.muli %arg1, %mul3A : i32
        %add3A = arith.addi %mul3A_41, %scan3A_39 : i32
        %mul3A_42 = arith.constant 256 : i32
        %mul3A_43 = arith.muli %add3A, %mul3A_42 : i32
        %multiple_of3A = tpu.assume_multiple %mul3A_43, 8 : i32
        "tpu.region"() ({
          %run_scoped3A = tpu.sem_alloc : memref<!tpu.dma_semaphore, #tpu.memory_space<semaphore_mem>>
          %dma_start3A_53 = tpu.memref_slice %arg6[%multiple_of3A] : memref<327680xi32, #tpu.memory_space<hbm>> -> memref<256xi32, #tpu.memory_space<hbm>>
          %dma_start3A_54 = tpu.memref_slice %arg6[%multiple_of3A] : memref<327680xi32, #tpu.memory_space<hbm>> -> memref<256xi32, #tpu.memory_space<hbm>>
          tpu.enqueue_dma source(%dma_start3A_54 : memref<256xi32, #tpu.memory_space<hbm>>) target(%arg10 : memref<256xi32, #tpu.memory_space<vmem>>) target_semaphore(%run_scoped3A : memref<!tpu.dma_semaphore, #tpu.memory_space<semaphore_mem>>)
          %dma_wait3A_55 = tpu.memref_slice %arg6[%multiple_of3A] : memref<327680xi32, #tpu.memory_space<hbm>> -> memref<256xi32, #tpu.memory_space<hbm>>
          %dma_wait3A_56 = tpu.memref_slice %arg6[%multiple_of3A] : memref<327680xi32, #tpu.memory_space<hbm>> -> memref<256xi32, #tpu.memory_space<hbm>>
          tpu.wait_dma2 semaphore(%run_scoped3A : memref<!tpu.dma_semaphore, #tpu.memory_space<semaphore_mem>>) src(%dma_wait3A_56 : memref<256xi32, #tpu.memory_space<hbm>>) dst(%arg10 : memref<256xi32, #tpu.memory_space<vmem>>)
          tpu.yield
        }) : () -> ()
        "tpu.region"() ({
          %run_scoped3A = tpu.sem_alloc : memref<!tpu.dma_semaphore, #tpu.memory_space<semaphore_mem>>
          %dma_start3A_53 = tpu.memref_slice %arg7[%multiple_of3A] : memref<327680xi32, #tpu.memory_space<hbm>> -> memref<256xi32, #tpu.memory_space<hbm>>
          %dma_start3A_54 = tpu.memref_slice %arg7[%multiple_of3A] : memref<327680xi32, #tpu.memory_space<hbm>> -> memref<256xi32, #tpu.memory_space<hbm>>
          tpu.enqueue_dma source(%dma_start3A_54 : memref<256xi32, #tpu.memory_space<hbm>>) target(%arg11 : memref<256xi32, #tpu.memory_space<vmem>>) target_semaphore(%run_scoped3A : memref<!tpu.dma_semaphore, #tpu.memory_space<semaphore_mem>>)
          %dma_wait3A_55 = tpu.memref_slice %arg7[%multiple_of3A] : memref<327680xi32, #tpu.memory_space<hbm>> -> memref<256xi32, #tpu.memory_space<hbm>>
          %dma_wait3A_56 = tpu.memref_slice %arg7[%multiple_of3A] : memref<327680xi32, #tpu.memory_space<hbm>> -> memref<256xi32, #tpu.memory_space<hbm>>
          tpu.wait_dma2 semaphore(%run_scoped3A : memref<!tpu.dma_semaphore, #tpu.memory_space<semaphore_mem>>) src(%dma_wait3A_56 : memref<256xi32, #tpu.memory_space<hbm>>) dst(%arg11 : memref<256xi32, #tpu.memory_space<vmem>>)
          tpu.yield
        }) : () -> ()
        %dma_start3A = arith.constant 0 : i32
        %dma_start3A_44 = arith.constant 0 : i32
        %dma_start3A_45 = tpu.memref_slice %arg3[%dma_start3A, %dma_start3A_44] : memref<10000x128xf32, #tpu.memory_space<hbm>> -> memref<10000x128xf32, #tpu.memory_space<hbm>>
        tpu.enqueue_indirect_dma source(%dma_start3A_45 : memref<10000x128xf32, #tpu.memory_space<hbm>>) target(%arg12 : memref<256x128xf32, #tpu.memory_space<vmem>>) offsets(%arg10 : memref<256xi32, #tpu.memory_space<vmem>>) semaphore(%arg14 : memref<!tpu.dma_semaphore, #tpu.memory_space<semaphore_mem>>)
        %dma_wait3A = arith.constant 0 : i32
        %dma_wait3A_46 = arith.constant 0 : i32
        %dma_wait3A_47 = tpu.memref_slice %arg3[%dma_wait3A, %dma_wait3A_46] : memref<10000x128xf32, #tpu.memory_space<hbm>> -> memref<10000x128xf32, #tpu.memory_space<hbm>>
        tpu.wait_indirect_dma semaphore(%arg14 : memref<!tpu.dma_semaphore, #tpu.memory_space<semaphore_mem>>) src(%dma_wait3A_47 : memref<10000x128xf32, #tpu.memory_space<hbm>>) dst(%arg12 : memref<256x128xf32, #tpu.memory_space<vmem>>)
        %lt3A = arith.constant 1250 : i32
        %lt3A_48 = arith.cmpi slt, %add3A, %lt3A : i32
        %convert_element_type3A_49 = arith.extui %lt3A_48 : i1 to i32
        %cond3A_50 = arith.constant 0 : i32
        %cond3A_51 = arith.cmpi ne, %convert_element_type3A_49, %cond3A_50 : i32
        scf.if %cond3A_51 {
          "tpu.region"() ({
            %run_scoped3A = tpu.sem_alloc : memref<!tpu.dma_semaphore, #tpu.memory_space<semaphore_mem>>
            %dma_start3A_53 = arith.constant 0 : i32
            %dma_start3A_54 = arith.constant 0 : i32
            %dma_start3A_55 = tpu.memref_slice %arg13[%dma_start3A_53, %dma_start3A_54] : memref<10000x128xf32, #tpu.memory_space<vmem_shared>> -> memref<10000x128xf32, #tpu.memory_space<vmem_shared>>
            tpu.enqueue_indirect_dma source(%arg12 : memref<256x128xf32, #tpu.memory_space<vmem>>) target(%dma_start3A_55 : memref<10000x128xf32, #tpu.memory_space<vmem_shared>>) offsets(%arg11 : memref<256xi32, #tpu.memory_space<vmem>>) semaphore(%run_scoped3A : memref<!tpu.dma_semaphore, #tpu.memory_space<semaphore_mem>>) {add = true}
            %dma_wait3A_56 = arith.constant 0 : i32
            %dma_wait3A_57 = arith.constant 0 : i32
            %dma_wait3A_58 = tpu.memref_slice %arg13[%dma_wait3A_56, %dma_wait3A_57] : memref<10000x128xf32, #tpu.memory_space<vmem_shared>> -> memref<10000x128xf32, #tpu.memory_space<vmem_shared>>
            tpu.wait_indirect_dma semaphore(%run_scoped3A : memref<!tpu.dma_semaphore, #tpu.memory_space<semaphore_mem>>) src(%arg12 : memref<256x128xf32, #tpu.memory_space<vmem>>) dst(%dma_wait3A_58 : memref<10000x128xf32, #tpu.memory_space<vmem_shared>>)
            tpu.yield
          }) : () -> ()
        } else {
        }
        %scan3A_52 = arith.constant 0 : i32
        scf.yield %scan3A_52 : i32
      }
      %scan3A_38 = arith.constant 80 : i32
    } else {
    }
    %barrier3A_21 = arith.constant 0 : index
    tpu.barrier barrier_id(%barrier3A_21)
    %eq3A_22 = arith.constant 0 : i32
    %eq3A_23 = arith.cmpi eq, %arg0, %eq3A_22 : i32
    %convert_element_type3A_24 = arith.extui %eq3A_23 : i1 to i32
    %cond3A_25 = arith.constant 0 : i32
    %cond3A_26 = arith.cmpi ne, %convert_element_type3A_24, %cond3A_25 : i32
    scf.if %cond3A_26 {
      %scan3A_32 = arith.constant 0 : i32
      %scan3A_33 = arith.constant 0 : i32
      %scan3A_34 = arith.constant 8 : i32
      %scan3A_35 = arith.addi %scan3A_33, %scan3A_34 : i32
      %scan3A_36 = arith.constant 1 : i32
      %scan3A_37 = scf.for %scan3A_39 = %scan3A_33 to %scan3A_35 step %scan3A_36 iter_args(%scan3A_40 = %scan3A_32) -> (i32)  : i32 {
        %mul3A = arith.constant 16 : i32
        %mul3A_41 = arith.muli %mul3A, %scan3A_39 : i32
        %add3A = arith.addi %arg1, %mul3A_41 : i32
        %lt3A = arith.constant 125 : i32
        %lt3A_42 = arith.cmpi slt, %add3A, %lt3A : i32
        %convert_element_type3A_43 = arith.extui %lt3A_42 : i1 to i32
        %cond3A_44 = arith.constant 0 : i32
        %cond3A_45 = arith.cmpi ne, %convert_element_type3A_43, %cond3A_44 : i32
        scf.if %cond3A_45 {
          %mul3A_47 = arith.constant 80 : i32
          %mul3A_48 = arith.muli %add3A, %mul3A_47 : i32
          %multiple_of3A = tpu.assume_multiple %mul3A_48, 8 : i32
          "tpu.region"() ({
            %run_scoped3A = tpu.sem_alloc : memref<!tpu.dma_semaphore, #tpu.memory_space<semaphore_mem>>
            %dma_start3A = arith.constant 0 : i32
            %dma_start3A_49 = arith.constant 0 : i32
            %dma_start3A_50 = tpu.memref_slice %arg12[%dma_start3A, %dma_start3A_49] : memref<256x128xf32, #tpu.memory_space<vmem>> -> memref<80x128xf32, #tpu.memory_space<vmem>>
            %dma_start3A_51 = arith.constant 0 : i32
            %dma_start3A_52 = tpu.memref_slice %arg13[%multiple_of3A, %dma_start3A_51] : memref<10000x128xf32, #tpu.memory_space<vmem_shared>> -> memref<80x128xf32, #tpu.memory_space<vmem_shared>>
            %dma_start3A_53 = arith.constant 0 : i32
            %dma_start3A_54 = arith.constant 0 : i32
            %dma_start3A_55 = tpu.memref_slice %arg12[%dma_start3A_53, %dma_start3A_54] : memref<256x128xf32, #tpu.memory_space<vmem>> -> memref<80x128xf32, #tpu.memory_space<vmem>>
            %dma_start3A_56 = arith.constant 0 : i32
            %dma_start3A_57 = tpu.memref_slice %arg13[%multiple_of3A, %dma_start3A_56] : memref<10000x128xf32, #tpu.memory_space<vmem_shared>> -> memref<80x128xf32, #tpu.memory_space<vmem_shared>>
            tpu.enqueue_dma source(%dma_start3A_57 : memref<80x128xf32, #tpu.memory_space<vmem_shared>>) target(%dma_start3A_55 : memref<80x128xf32, #tpu.memory_space<vmem>>) target_semaphore(%run_scoped3A : memref<!tpu.dma_semaphore, #tpu.memory_space<semaphore_mem>>)
            %dma_wait3A = arith.constant 0 : i32
            %dma_wait3A_58 = arith.constant 0 : i32
            %dma_wait3A_59 = tpu.memref_slice %arg12[%dma_wait3A, %dma_wait3A_58] : memref<256x128xf32, #tpu.memory_space<vmem>> -> memref<80x128xf32, #tpu.memory_space<vmem>>
            %dma_wait3A_60 = arith.constant 0 : i32
            %dma_wait3A_61 = tpu.memref_slice %arg13[%multiple_of3A, %dma_wait3A_60] : memref<10000x128xf32, #tpu.memory_space<vmem_shared>> -> memref<80x128xf32, #tpu.memory_space<vmem_shared>>
            %dma_wait3A_62 = arith.constant 0 : i32
            %dma_wait3A_63 = arith.constant 0 : i32
            %dma_wait3A_64 = tpu.memref_slice %arg12[%dma_wait3A_62, %dma_wait3A_63] : memref<256x128xf32, #tpu.memory_space<vmem>> -> memref<80x128xf32, #tpu.memory_space<vmem>>
            %dma_wait3A_65 = arith.constant 0 : i32
            %dma_wait3A_66 = tpu.memref_slice %arg13[%multiple_of3A, %dma_wait3A_65] : memref<10000x128xf32, #tpu.memory_space<vmem_shared>> -> memref<80x128xf32, #tpu.memory_space<vmem_shared>>
            tpu.wait_dma2 semaphore(%run_scoped3A : memref<!tpu.dma_semaphore, #tpu.memory_space<semaphore_mem>>) src(%dma_wait3A_66 : memref<80x128xf32, #tpu.memory_space<vmem_shared>>) dst(%dma_wait3A_64 : memref<80x128xf32, #tpu.memory_space<vmem>>)
            tpu.yield
          }) : () -> ()
          "tpu.region"() ({
            %run_scoped3A = tpu.sem_alloc : memref<!tpu.dma_semaphore, #tpu.memory_space<semaphore_mem>>
            %dma_start3A = arith.constant 0 : i32
            %dma_start3A_49 = arith.constant 0 : i32
            %dma_start3A_50 = tpu.memref_slice %arg12[%dma_start3A, %dma_start3A_49] : memref<256x128xf32, #tpu.memory_space<vmem>> -> memref<80x128xf32, #tpu.memory_space<vmem>>
            %dma_start3A_51 = arith.constant 0 : i32
            %dma_start3A_52 = tpu.memref_slice %arg8[%multiple_of3A, %dma_start3A_51] : memref<10000x128xf32, #tpu.memory_space<hbm>> -> memref<80x128xf32, #tpu.memory_space<hbm>>
            %dma_start3A_53 = arith.constant 0 : i32
            %dma_start3A_54 = tpu.memref_slice %arg8[%multiple_of3A, %dma_start3A_53] : memref<10000x128xf32, #tpu.memory_space<hbm>> -> memref<80x128xf32, #tpu.memory_space<hbm>>
            %dma_start3A_55 = arith.constant 0 : i32
            %dma_start3A_56 = arith.constant 0 : i32
            %dma_start3A_57 = tpu.memref_slice %arg12[%dma_start3A_55, %dma_start3A_56] : memref<256x128xf32, #tpu.memory_space<vmem>> -> memref<80x128xf32, #tpu.memory_space<vmem>>
            tpu.enqueue_dma source(%dma_start3A_57 : memref<80x128xf32, #tpu.memory_space<vmem>>) target(%dma_start3A_54 : memref<80x128xf32, #tpu.memory_space<hbm>>) target_semaphore(%run_scoped3A : memref<!tpu.dma_semaphore, #tpu.memory_space<semaphore_mem>>)
            %dma_wait3A = arith.constant 0 : i32
            %dma_wait3A_58 = arith.constant 0 : i32
            %dma_wait3A_59 = tpu.memref_slice %arg12[%dma_wait3A, %dma_wait3A_58] : memref<256x128xf32, #tpu.memory_space<vmem>> -> memref<80x128xf32, #tpu.memory_space<vmem>>
            %dma_wait3A_60 = arith.constant 0 : i32
            %dma_wait3A_61 = tpu.memref_slice %arg8[%multiple_of3A, %dma_wait3A_60] : memref<10000x128xf32, #tpu.memory_space<hbm>> -> memref<80x128xf32, #tpu.memory_space<hbm>>
            %dma_wait3A_62 = arith.constant 0 : i32
            %dma_wait3A_63 = tpu.memref_slice %arg8[%multiple_of3A, %dma_wait3A_62] : memref<10000x128xf32, #tpu.memory_space<hbm>> -> memref<80x128xf32, #tpu.memory_space<hbm>>
            %dma_wait3A_64 = arith.constant 0 : i32
            %dma_wait3A_65 = arith.constant 0 : i32
            %dma_wait3A_66 = tpu.memref_slice %arg12[%dma_wait3A_64, %dma_wait3A_65] : memref<256x128xf32, #tpu.memory_space<vmem>> -> memref<80x128xf32, #tpu.memory_space<vmem>>
            tpu.wait_dma2 semaphore(%run_scoped3A : memref<!tpu.dma_semaphore, #tpu.memory_space<semaphore_mem>>) src(%dma_wait3A_66 : memref<80x128xf32, #tpu.memory_space<vmem>>) dst(%dma_wait3A_63 : memref<80x128xf32, #tpu.memory_space<hbm>>)
            tpu.yield
          }) : () -> ()
        } else {
        }
        %scan3A_46 = arith.constant 0 : i32
        scf.yield %scan3A_46 : i32
      }
      %scan3A_38 = arith.constant 8 : i32
    } else {
    }
    %eq3A_27 = arith.constant 1 : i32
    %eq3A_28 = arith.cmpi eq, %arg0, %eq3A_27 : i32
    %convert_element_type3A_29 = arith.extui %eq3A_28 : i1 to i32
    %cond3A_30 = arith.constant 0 : i32
    %cond3A_31 = arith.cmpi ne, %convert_element_type3A_29, %cond3A_30 : i32
    scf.if %cond3A_31 {
      %scan3A_32 = arith.constant 0 : i32
      %scan3A_33 = arith.constant 0 : i32
      %scan3A_34 = arith.constant 8 : i32
      %scan3A_35 = arith.addi %scan3A_33, %scan3A_34 : i32
      %scan3A_36 = arith.constant 1 : i32
      %scan3A_37 = scf.for %scan3A_39 = %scan3A_33 to %scan3A_35 step %scan3A_36 iter_args(%scan3A_40 = %scan3A_32) -> (i32)  : i32 {
        %mul3A = arith.constant 16 : i32
        %mul3A_41 = arith.muli %mul3A, %scan3A_39 : i32
        %add3A = arith.addi %arg1, %mul3A_41 : i32
        %lt3A = arith.constant 125 : i32
        %lt3A_42 = arith.cmpi slt, %add3A, %lt3A : i32
        %convert_element_type3A_43 = arith.extui %lt3A_42 : i1 to i32
        %cond3A_44 = arith.constant 0 : i32
        %cond3A_45 = arith.cmpi ne, %convert_element_type3A_43, %cond3A_44 : i32
        scf.if %cond3A_45 {
          %mul3A_47 = arith.constant 80 : i32
          %mul3A_48 = arith.muli %add3A, %mul3A_47 : i32
          %multiple_of3A = tpu.assume_multiple %mul3A_48, 8 : i32
          "tpu.region"() ({
            %run_scoped3A = tpu.sem_alloc : memref<!tpu.dma_semaphore, #tpu.memory_space<semaphore_mem>>
            %dma_start3A = arith.constant 0 : i32
            %dma_start3A_49 = arith.constant 0 : i32
            %dma_start3A_50 = tpu.memref_slice %arg12[%dma_start3A, %dma_start3A_49] : memref<256x128xf32, #tpu.memory_space<vmem>> -> memref<80x128xf32, #tpu.memory_space<vmem>>
            %dma_start3A_51 = arith.constant 0 : i32
            %dma_start3A_52 = tpu.memref_slice %arg13[%multiple_of3A, %dma_start3A_51] : memref<10000x128xf32, #tpu.memory_space<vmem_shared>> -> memref<80x128xf32, #tpu.memory_space<vmem_shared>>
            %dma_start3A_53 = arith.constant 0 : i32
            %dma_start3A_54 = arith.constant 0 : i32
            %dma_start3A_55 = tpu.memref_slice %arg12[%dma_start3A_53, %dma_start3A_54] : memref<256x128xf32, #tpu.memory_space<vmem>> -> memref<80x128xf32, #tpu.memory_space<vmem>>
            %dma_start3A_56 = arith.constant 0 : i32
            %dma_start3A_57 = tpu.memref_slice %arg13[%multiple_of3A, %dma_start3A_56] : memref<10000x128xf32, #tpu.memory_space<vmem_shared>> -> memref<80x128xf32, #tpu.memory_space<vmem_shared>>
            tpu.enqueue_dma source(%dma_start3A_57 : memref<80x128xf32, #tpu.memory_space<vmem_shared>>) target(%dma_start3A_55 : memref<80x128xf32, #tpu.memory_space<vmem>>) target_semaphore(%run_scoped3A : memref<!tpu.dma_semaphore, #tpu.memory_space<semaphore_mem>>)
            %dma_wait3A = arith.constant 0 : i32
            %dma_wait3A_58 = arith.constant 0 : i32
            %dma_wait3A_59 = tpu.memref_slice %arg12[%dma_wait3A, %dma_wait3A_58] : memref<256x128xf32, #tpu.memory_space<vmem>> -> memref<80x128xf32, #tpu.memory_space<vmem>>
            %dma_wait3A_60 = arith.constant 0 : i32
            %dma_wait3A_61 = tpu.memref_slice %arg13[%multiple_of3A, %dma_wait3A_60] : memref<10000x128xf32, #tpu.memory_space<vmem_shared>> -> memref<80x128xf32, #tpu.memory_space<vmem_shared>>
            %dma_wait3A_62 = arith.constant 0 : i32
            %dma_wait3A_63 = arith.constant 0 : i32
            %dma_wait3A_64 = tpu.memref_slice %arg12[%dma_wait3A_62, %dma_wait3A_63] : memref<256x128xf32, #tpu.memory_space<vmem>> -> memref<80x128xf32, #tpu.memory_space<vmem>>
            %dma_wait3A_65 = arith.constant 0 : i32
            %dma_wait3A_66 = tpu.memref_slice %arg13[%multiple_of3A, %dma_wait3A_65] : memref<10000x128xf32, #tpu.memory_space<vmem_shared>> -> memref<80x128xf32, #tpu.memory_space<vmem_shared>>
            tpu.wait_dma2 semaphore(%run_scoped3A : memref<!tpu.dma_semaphore, #tpu.memory_space<semaphore_mem>>) src(%dma_wait3A_66 : memref<80x128xf32, #tpu.memory_space<vmem_shared>>) dst(%dma_wait3A_64 : memref<80x128xf32, #tpu.memory_space<vmem>>)
            tpu.yield
          }) : () -> ()
          "tpu.region"() ({
            %run_scoped3A = tpu.sem_alloc : memref<!tpu.dma_semaphore, #tpu.memory_space<semaphore_mem>>
            %dma_start3A = arith.constant 0 : i32
            %dma_start3A_49 = arith.constant 0 : i32
            %dma_start3A_50 = tpu.memref_slice %arg12[%dma_start3A, %dma_start3A_49] : memref<256x128xf32, #tpu.memory_space<vmem>> -> memref<80x128xf32, #tpu.memory_space<vmem>>
            %dma_start3A_51 = arith.constant 0 : i32
            %dma_start3A_52 = tpu.memref_slice %arg9[%multiple_of3A, %dma_start3A_51] : memref<10000x128xf32, #tpu.memory_space<hbm>> -> memref<80x128xf32, #tpu.memory_space<hbm>>
            %dma_start3A_53 = arith.constant 0 : i32
            %dma_start3A_54 = tpu.memref_slice %arg9[%multiple_of3A, %dma_start3A_53] : memref<10000x128xf32, #tpu.memory_space<hbm>> -> memref<80x128xf32, #tpu.memory_space<hbm>>
            %dma_start3A_55 = arith.constant 0 : i32
            %dma_start3A_56 = arith.constant 0 : i32
            %dma_start3A_57 = tpu.memref_slice %arg12[%dma_start3A_55, %dma_start3A_56] : memref<256x128xf32, #tpu.memory_space<vmem>> -> memref<80x128xf32, #tpu.memory_space<vmem>>
            tpu.enqueue_dma source(%dma_start3A_57 : memref<80x128xf32, #tpu.memory_space<vmem>>) target(%dma_start3A_54 : memref<80x128xf32, #tpu.memory_space<hbm>>) target_semaphore(%run_scoped3A : memref<!tpu.dma_semaphore, #tpu.memory_space<semaphore_mem>>)
            %dma_wait3A = arith.constant 0 : i32
            %dma_wait3A_58 = arith.constant 0 : i32
            %dma_wait3A_59 = tpu.memref_slice %arg12[%dma_wait3A, %dma_wait3A_58] : memref<256x128xf32, #tpu.memory_space<vmem>> -> memref<80x128xf32, #tpu.memory_space<vmem>>
            %dma_wait3A_60 = arith.constant 0 : i32
            %dma_wait3A_61 = tpu.memref_slice %arg9[%multiple_of3A, %dma_wait3A_60] : memref<10000x128xf32, #tpu.memory_space<hbm>> -> memref<80x128xf32, #tpu.memory_space<hbm>>
            %dma_wait3A_62 = arith.constant 0 : i32
            %dma_wait3A_63 = tpu.memref_slice %arg9[%multiple_of3A, %dma_wait3A_62] : memref<10000x128xf32, #tpu.memory_space<hbm>> -> memref<80x128xf32, #tpu.memory_space<hbm>>
            %dma_wait3A_64 = arith.constant 0 : i32
            %dma_wait3A_65 = arith.constant 0 : i32
            %dma_wait3A_66 = tpu.memref_slice %arg12[%dma_wait3A_64, %dma_wait3A_65] : memref<256x128xf32, #tpu.memory_space<vmem>> -> memref<80x128xf32, #tpu.memory_space<vmem>>
            tpu.wait_dma2 semaphore(%run_scoped3A : memref<!tpu.dma_semaphore, #tpu.memory_space<semaphore_mem>>) src(%dma_wait3A_66 : memref<80x128xf32, #tpu.memory_space<vmem>>) dst(%dma_wait3A_63 : memref<80x128xf32, #tpu.memory_space<hbm>>)
            tpu.yield
          }) : () -> ()
        } else {
        }
        %scan3A_46 = arith.constant 0 : i32
        scf.yield %scan3A_46 : i32
      }
      %scan3A_38 = arith.constant 8 : i32
    } else {
    }
    return
  }
}

#map = affine_map<(d0, d1) -> (0)>
#map1 = affine_map<(d0, d1) -> (0, 0)>
module attributes {stable_mosaic.version = 14 : i64} {
  func.func @_sc_embed_deg(%arg0: i32, %arg1: i32, %arg2: memref<10000xi32, #tpu.memory_space<hbm>>, %arg3: memref<10000x128xf32, #tpu.memory_space<hbm>>, %arg4: memref<320000xi32, #tpu.memory_space<hbm>>, %arg5: memref<320000xi32, #tpu.memory_space<hbm>>, %arg6: memref<10000x128xf32, #tpu.memory_space<hbm>>, %arg7: memref<10000xf32, #tpu.memory_space<hbm>>, %arg8: memref<10000xf32, #tpu.memory_space<hbm>>, %arg9: memref<80xi32, #tpu.memory_space<vmem>>, %arg10: memref<80x128xf32, #tpu.memory_space<vmem>>, %arg11: memref<128xi32, #tpu.memory_space<vmem>>, %arg12: memref<128xf32, #tpu.memory_space<vmem>>, %arg13: memref<80xf32, #tpu.memory_space<vmem>>, %arg14: memref<10000xf32, #tpu.memory_space<vmem_shared>>, %arg15: memref<!tpu.dma_semaphore, #tpu.memory_space<semaphore_mem>>) attributes {dimension_semantics = [#tpu.dimension_semantics<core_parallel>, #tpu.dimension_semantics<subcore_parallel>], iteration_bounds = array<i64: 2, 16>, scalar_prefetch = 0 : i64, scratch_operands = 7 : i64, tpu.core_type = #tpu.core_type<sc_vector_subcore>, window_params = [{transform_indices = #map}, {transform_indices = #map1}, {transform_indices = #map}, {transform_indices = #map}, {transform_indices = #map1}, {transform_indices = #map}, {transform_indices = #map}]} {
    %mul3A = arith.constant 16 : i32
    %mul3A_0 = arith.muli %arg0, %mul3A : i32
    %add3A = arith.addi %mul3A_0, %arg1 : i32
    %broadcast_in_dim3A = arith.constant 1.000000e+00 : f32
    %broadcast_in_dim3A_1 = vector.broadcast %broadcast_in_dim3A : f32 to vector<16xf32>
    %swap3A = arith.constant 0 : index
    %swap3A_2 = tpu.vector_load %arg12[%swap3A] {strides = array<i32>} : memref<128xf32, #tpu.memory_space<vmem>>, vector<16xf32>,
    %swap3A_3 = vector.shape_cast %swap3A_2 : vector<16xf32> to vector<16xf32>
    %swap3A_4 = vector.shape_cast %broadcast_in_dim3A_1 : vector<16xf32> to vector<16xf32>
    tpu.vector_store %arg12[%swap3A], %swap3A_4 {strides = array<i32>} : memref<128xf32, #tpu.memory_space<vmem>>, vector<16xf32>,
    %swap3A_5 = arith.constant 16 : index
    %swap3A_6 = tpu.vector_load %arg12[%swap3A_5] {strides = array<i32>} : memref<128xf32, #tpu.memory_space<vmem>>, vector<16xf32>,
    %swap3A_7 = vector.shape_cast %swap3A_6 : vector<16xf32> to vector<16xf32>
    %swap3A_8 = vector.shape_cast %broadcast_in_dim3A_1 : vector<16xf32> to vector<16xf32>
    tpu.vector_store %arg12[%swap3A_5], %swap3A_8 {strides = array<i32>} : memref<128xf32, #tpu.memory_space<vmem>>, vector<16xf32>,
    %swap3A_9 = arith.constant 32 : index
    %swap3A_10 = tpu.vector_load %arg12[%swap3A_9] {strides = array<i32>} : memref<128xf32, #tpu.memory_space<vmem>>, vector<16xf32>,
    %swap3A_11 = vector.shape_cast %swap3A_10 : vector<16xf32> to vector<16xf32>
    %swap3A_12 = vector.shape_cast %broadcast_in_dim3A_1 : vector<16xf32> to vector<16xf32>
    tpu.vector_store %arg12[%swap3A_9], %swap3A_12 {strides = array<i32>} : memref<128xf32, #tpu.memory_space<vmem>>, vector<16xf32>,
    %swap3A_13 = arith.constant 48 : index
    %swap3A_14 = tpu.vector_load %arg12[%swap3A_13] {strides = array<i32>} : memref<128xf32, #tpu.memory_space<vmem>>, vector<16xf32>,
    %swap3A_15 = vector.shape_cast %swap3A_14 : vector<16xf32> to vector<16xf32>
    %swap3A_16 = vector.shape_cast %broadcast_in_dim3A_1 : vector<16xf32> to vector<16xf32>
    tpu.vector_store %arg12[%swap3A_13], %swap3A_16 {strides = array<i32>} : memref<128xf32, #tpu.memory_space<vmem>>, vector<16xf32>,
    %swap3A_17 = arith.constant 64 : index
    %swap3A_18 = tpu.vector_load %arg12[%swap3A_17] {strides = array<i32>} : memref<128xf32, #tpu.memory_space<vmem>>, vector<16xf32>,
    %swap3A_19 = vector.shape_cast %swap3A_18 : vector<16xf32> to vector<16xf32>
    %swap3A_20 = vector.shape_cast %broadcast_in_dim3A_1 : vector<16xf32> to vector<16xf32>
    tpu.vector_store %arg12[%swap3A_17], %swap3A_20 {strides = array<i32>} : memref<128xf32, #tpu.memory_space<vmem>>, vector<16xf32>,
    %swap3A_21 = arith.constant 80 : index
    %swap3A_22 = tpu.vector_load %arg12[%swap3A_21] {strides = array<i32>} : memref<128xf32, #tpu.memory_space<vmem>>, vector<16xf32>,
    %swap3A_23 = vector.shape_cast %swap3A_22 : vector<16xf32> to vector<16xf32>
    %swap3A_24 = vector.shape_cast %broadcast_in_dim3A_1 : vector<16xf32> to vector<16xf32>
    tpu.vector_store %arg12[%swap3A_21], %swap3A_24 {strides = array<i32>} : memref<128xf32, #tpu.memory_space<vmem>>, vector<16xf32>,
    %swap3A_25 = arith.constant 96 : index
    %swap3A_26 = tpu.vector_load %arg12[%swap3A_25] {strides = array<i32>} : memref<128xf32, #tpu.memory_space<vmem>>, vector<16xf32>,
    %swap3A_27 = vector.shape_cast %swap3A_26 : vector<16xf32> to vector<16xf32>
    %swap3A_28 = vector.shape_cast %broadcast_in_dim3A_1 : vector<16xf32> to vector<16xf32>
    tpu.vector_store %arg12[%swap3A_25], %swap3A_28 {strides = array<i32>} : memref<128xf32, #tpu.memory_space<vmem>>, vector<16xf32>,
    %swap3A_29 = arith.constant 112 : index
    %swap3A_30 = tpu.vector_load %arg12[%swap3A_29] {strides = array<i32>} : memref<128xf32, #tpu.memory_space<vmem>>, vector<16xf32>,
    %swap3A_31 = vector.shape_cast %swap3A_30 : vector<16xf32> to vector<16xf32>
    %swap3A_32 = vector.shape_cast %broadcast_in_dim3A_1 : vector<16xf32> to vector<16xf32>
    tpu.vector_store %arg12[%swap3A_29], %swap3A_32 {strides = array<i32>} : memref<128xf32, #tpu.memory_space<vmem>>, vector<16xf32>,
    %broadcast_in_dim3A_33 = arith.constant 0.000000e+00 : f32
    %broadcast_in_dim3A_34 = vector.broadcast %broadcast_in_dim3A_33 : f32 to vector<16xf32>
    %swap3A_35 = arith.constant 0 : index
    %swap3A_36 = tpu.vector_load %arg13[%swap3A_35] {strides = array<i32>} : memref<80xf32, #tpu.memory_space<vmem>>, vector<16xf32>,
    %swap3A_37 = vector.shape_cast %swap3A_36 : vector<16xf32> to vector<16xf32>
    %swap3A_38 = vector.shape_cast %broadcast_in_dim3A_34 : vector<16xf32> to vector<16xf32>
    tpu.vector_store %arg13[%swap3A_35], %swap3A_38 {strides = array<i32>} : memref<80xf32, #tpu.memory_space<vmem>>, vector<16xf32>,
    %swap3A_39 = arith.constant 16 : index
    %swap3A_40 = tpu.vector_load %arg13[%swap3A_39] {strides = array<i32>} : memref<80xf32, #tpu.memory_space<vmem>>, vector<16xf32>,
    %swap3A_41 = vector.shape_cast %swap3A_40 : vector<16xf32> to vector<16xf32>
    %swap3A_42 = vector.shape_cast %broadcast_in_dim3A_34 : vector<16xf32> to vector<16xf32>
    tpu.vector_store %arg13[%swap3A_39], %swap3A_42 {strides = array<i32>} : memref<80xf32, #tpu.memory_space<vmem>>, vector<16xf32>,
    %swap3A_43 = arith.constant 32 : index
    %swap3A_44 = tpu.vector_load %arg13[%swap3A_43] {strides = array<i32>} : memref<80xf32, #tpu.memory_space<vmem>>, vector<16xf32>,
    %swap3A_45 = vector.shape_cast %swap3A_44 : vector<16xf32> to vector<16xf32>
    %swap3A_46 = vector.shape_cast %broadcast_in_dim3A_34 : vector<16xf32> to vector<16xf32>
    tpu.vector_store %arg13[%swap3A_43], %swap3A_46 {strides = array<i32>} : memref<80xf32, #tpu.memory_space<vmem>>, vector<16xf32>,
    %swap3A_47 = arith.constant 48 : index
    %swap3A_48 = tpu.vector_load %arg13[%swap3A_47] {strides = array<i32>} : memref<80xf32, #tpu.memory_space<vmem>>, vector<16xf32>,
    %swap3A_49 = vector.shape_cast %swap3A_48 : vector<16xf32> to vector<16xf32>
    %swap3A_50 = vector.shape_cast %broadcast_in_dim3A_34 : vector<16xf32> to vector<16xf32>
    tpu.vector_store %arg13[%swap3A_47], %swap3A_50 {strides = array<i32>} : memref<80xf32, #tpu.memory_space<vmem>>, vector<16xf32>,
    %swap3A_51 = arith.constant 64 : index
    %swap3A_52 = tpu.vector_load %arg13[%swap3A_51] {strides = array<i32>} : memref<80xf32, #tpu.memory_space<vmem>>, vector<16xf32>,
    %swap3A_53 = vector.shape_cast %swap3A_52 : vector<16xf32> to vector<16xf32>
    %swap3A_54 = vector.shape_cast %broadcast_in_dim3A_34 : vector<16xf32> to vector<16xf32>
    tpu.vector_store %arg13[%swap3A_51], %swap3A_54 {strides = array<i32>} : memref<80xf32, #tpu.memory_space<vmem>>, vector<16xf32>,
    %scan3A = arith.constant 0 : i32
    %scan3A_55 = arith.constant 0 : i32
    %scan3A_56 = arith.constant 8 : i32
    %scan3A_57 = arith.addi %scan3A_55, %scan3A_56 : i32
    %scan3A_58 = arith.constant 1 : i32
    %scan3A_59 = scf.for %scan3A_86 = %scan3A_55 to %scan3A_57 step %scan3A_58 iter_args(%scan3A_87 = %scan3A) -> (i32)  : i32 {
      %mul3A_88 = arith.constant 16 : i32
      %mul3A_89 = arith.muli %mul3A_88, %scan3A_86 : i32
      %add3A_90 = arith.addi %arg1, %mul3A_89 : i32
      %lt3A = arith.constant 125 : i32
      %lt3A_91 = arith.cmpi slt, %add3A_90, %lt3A : i32
      %convert_element_type3A_92 = arith.extui %lt3A_91 : i1 to i32
      %cond3A_93 = arith.constant 0 : i32
      %cond3A_94 = arith.cmpi ne, %convert_element_type3A_92, %cond3A_93 : i32
      scf.if %cond3A_94 {
        %mul3A_96 = arith.constant 80 : i32
        %mul3A_97 = arith.muli %add3A_90, %mul3A_96 : i32
        %multiple_of3A = tpu.assume_multiple %mul3A_97, 8 : i32
        "tpu.region"() ({
          %run_scoped3A = tpu.sem_alloc : memref<!tpu.dma_semaphore, #tpu.memory_space<semaphore_mem>>
          %dma_start3A = tpu.memref_slice %arg14[%multiple_of3A] : memref<10000xf32, #tpu.memory_space<vmem_shared>> -> memref<80xf32, #tpu.memory_space<vmem_shared>>
          %dma_start3A_98 = tpu.memref_slice %arg14[%multiple_of3A] : memref<10000xf32, #tpu.memory_space<vmem_shared>> -> memref<80xf32, #tpu.memory_space<vmem_shared>>
          tpu.enqueue_dma source(%arg13 : memref<80xf32, #tpu.memory_space<vmem>>) target(%dma_start3A_98 : memref<80xf32, #tpu.memory_space<vmem_shared>>) target_semaphore(%run_scoped3A : memref<!tpu.dma_semaphore, #tpu.memory_space<semaphore_mem>>)
          %dma_wait3A = tpu.memref_slice %arg14[%multiple_of3A] : memref<10000xf32, #tpu.memory_space<vmem_shared>> -> memref<80xf32, #tpu.memory_space<vmem_shared>>
          %dma_wait3A_99 = tpu.memref_slice %arg14[%multiple_of3A] : memref<10000xf32, #tpu.memory_space<vmem_shared>> -> memref<80xf32, #tpu.memory_space<vmem_shared>>
          tpu.wait_dma2 semaphore(%run_scoped3A : memref<!tpu.dma_semaphore, #tpu.memory_space<semaphore_mem>>) src(%arg13 : memref<80xf32, #tpu.memory_space<vmem>>) dst(%dma_wait3A_99 : memref<80xf32, #tpu.memory_space<vmem_shared>>)
          tpu.yield
        }) : () -> ()
      } else {
      }
      %scan3A_95 = arith.constant 0 : i32
      scf.yield %scan3A_95 : i32
    }
    %scan3A_60 = arith.constant 8 : i32
    %scan3A_61 = arith.constant 0 : i32
    %scan3A_62 = arith.constant 0 : i32
    %scan3A_63 = arith.constant 4 : i32
    %scan3A_64 = arith.addi %scan3A_62, %scan3A_63 : i32
    %scan3A_65 = arith.constant 1 : i32
    %scan3A_66 = scf.for %scan3A_86 = %scan3A_62 to %scan3A_64 step %scan3A_65 iter_args(%scan3A_87 = %scan3A_61) -> (i32)  : i32 {
      %mul3A_88 = arith.constant 32 : i32
      %mul3A_89 = arith.muli %mul3A_88, %scan3A_86 : i32
      %add3A_90 = arith.addi %add3A, %mul3A_89 : i32
      %lt3A = arith.constant 125 : i32
      %lt3A_91 = arith.cmpi slt, %add3A_90, %lt3A : i32
      %convert_element_type3A_92 = arith.extui %lt3A_91 : i1 to i32
      %cond3A_93 = arith.constant 0 : i32
      %cond3A_94 = arith.cmpi ne, %convert_element_type3A_92, %cond3A_93 : i32
      scf.if %cond3A_94 {
        %mul3A_96 = arith.constant 80 : i32
        %mul3A_97 = arith.muli %add3A_90, %mul3A_96 : i32
        %multiple_of3A = tpu.assume_multiple %mul3A_97, 8 : i32
        "tpu.region"() ({
          %run_scoped3A = tpu.sem_alloc : memref<!tpu.dma_semaphore, #tpu.memory_space<semaphore_mem>>
          %dma_start3A_102 = tpu.memref_slice %arg2[%multiple_of3A] : memref<10000xi32, #tpu.memory_space<hbm>> -> memref<80xi32, #tpu.memory_space<hbm>>
          %dma_start3A_103 = tpu.memref_slice %arg2[%multiple_of3A] : memref<10000xi32, #tpu.memory_space<hbm>> -> memref<80xi32, #tpu.memory_space<hbm>>
          tpu.enqueue_dma source(%dma_start3A_103 : memref<80xi32, #tpu.memory_space<hbm>>) target(%arg9 : memref<80xi32, #tpu.memory_space<vmem>>) target_semaphore(%run_scoped3A : memref<!tpu.dma_semaphore, #tpu.memory_space<semaphore_mem>>)
          %dma_wait3A_104 = tpu.memref_slice %arg2[%multiple_of3A] : memref<10000xi32, #tpu.memory_space<hbm>> -> memref<80xi32, #tpu.memory_space<hbm>>
          %dma_wait3A_105 = tpu.memref_slice %arg2[%multiple_of3A] : memref<10000xi32, #tpu.memory_space<hbm>> -> memref<80xi32, #tpu.memory_space<hbm>>
          tpu.wait_dma2 semaphore(%run_scoped3A : memref<!tpu.dma_semaphore, #tpu.memory_space<semaphore_mem>>) src(%dma_wait3A_105 : memref<80xi32, #tpu.memory_space<hbm>>) dst(%arg9 : memref<80xi32, #tpu.memory_space<vmem>>)
          tpu.yield
        }) : () -> ()
        %dma_start3A = arith.constant 0 : i32
        %dma_start3A_98 = arith.constant 0 : i32
        %dma_start3A_99 = tpu.memref_slice %arg3[%dma_start3A, %dma_start3A_98] : memref<10000x128xf32, #tpu.memory_space<hbm>> -> memref<10000x128xf32, #tpu.memory_space<hbm>>
        tpu.enqueue_indirect_dma source(%dma_start3A_99 : memref<10000x128xf32, #tpu.memory_space<hbm>>) target(%arg10 : memref<80x128xf32, #tpu.memory_space<vmem>>) offsets(%arg9 : memref<80xi32, #tpu.memory_space<vmem>>) semaphore(%arg15 : memref<!tpu.dma_semaphore, #tpu.memory_space<semaphore_mem>>)
        %dma_wait3A = arith.constant 0 : i32
        %dma_wait3A_100 = arith.constant 0 : i32
        %dma_wait3A_101 = tpu.memref_slice %arg3[%dma_wait3A, %dma_wait3A_100] : memref<10000x128xf32, #tpu.memory_space<hbm>> -> memref<10000x128xf32, #tpu.memory_space<hbm>>
        tpu.wait_indirect_dma semaphore(%arg15 : memref<!tpu.dma_semaphore, #tpu.memory_space<semaphore_mem>>) src(%dma_wait3A_101 : memref<10000x128xf32, #tpu.memory_space<hbm>>) dst(%arg10 : memref<80x128xf32, #tpu.memory_space<vmem>>)
        "tpu.region"() ({
          %run_scoped3A = tpu.sem_alloc : memref<!tpu.dma_semaphore, #tpu.memory_space<semaphore_mem>>
          %dma_start3A_102 = arith.constant 0 : i32
          %dma_start3A_103 = tpu.memref_slice %arg6[%multiple_of3A, %dma_start3A_102] : memref<10000x128xf32, #tpu.memory_space<hbm>> -> memref<80x128xf32, #tpu.memory_space<hbm>>
          %dma_start3A_104 = arith.constant 0 : i32
          %dma_start3A_105 = tpu.memref_slice %arg6[%multiple_of3A, %dma_start3A_104] : memref<10000x128xf32, #tpu.memory_space<hbm>> -> memref<80x128xf32, #tpu.memory_space<hbm>>
          tpu.enqueue_dma source(%arg10 : memref<80x128xf32, #tpu.memory_space<vmem>>) target(%dma_start3A_105 : memref<80x128xf32, #tpu.memory_space<hbm>>) target_semaphore(%run_scoped3A : memref<!tpu.dma_semaphore, #tpu.memory_space<semaphore_mem>>)
          %dma_wait3A_106 = arith.constant 0 : i32
          %dma_wait3A_107 = tpu.memref_slice %arg6[%multiple_of3A, %dma_wait3A_106] : memref<10000x128xf32, #tpu.memory_space<hbm>> -> memref<80x128xf32, #tpu.memory_space<hbm>>
          %dma_wait3A_108 = arith.constant 0 : i32
          %dma_wait3A_109 = tpu.memref_slice %arg6[%multiple_of3A, %dma_wait3A_108] : memref<10000x128xf32, #tpu.memory_space<hbm>> -> memref<80x128xf32, #tpu.memory_space<hbm>>
          tpu.wait_dma2 semaphore(%run_scoped3A : memref<!tpu.dma_semaphore, #tpu.memory_space<semaphore_mem>>) src(%arg10 : memref<80x128xf32, #tpu.memory_space<vmem>>) dst(%dma_wait3A_109 : memref<80x128xf32, #tpu.memory_space<hbm>>)
          tpu.yield
        }) : () -> ()
      } else {
      }
      %scan3A_95 = arith.constant 0 : i32
      scf.yield %scan3A_95 : i32
    }
    %scan3A_67 = arith.constant 4 : i32
    %barrier3A = arith.constant 0 : index
    tpu.barrier barrier_id(%barrier3A)
    %eq3A = arith.constant 0 : i32
    %eq3A_68 = arith.cmpi eq, %arg0, %eq3A : i32
    %convert_element_type3A = arith.extui %eq3A_68 : i1 to i32
    %cond3A = arith.constant 0 : i32
    %cond3A_69 = arith.cmpi ne, %convert_element_type3A, %cond3A : i32
    scf.if %cond3A_69 {
      %scan3A_86 = arith.constant 0 : i32
      %scan3A_87 = arith.constant 0 : i32
      %scan3A_88 = arith.constant 157 : i32
      %scan3A_89 = arith.addi %scan3A_87, %scan3A_88 : i32
      %scan3A_90 = arith.constant 1 : i32
      %scan3A_91 = scf.for %scan3A_93 = %scan3A_87 to %scan3A_89 step %scan3A_90 iter_args(%scan3A_94 = %scan3A_86) -> (i32)  : i32 {
        %mul3A_95 = arith.constant 16 : i32
        %mul3A_96 = arith.muli %mul3A_95, %scan3A_93 : i32
        %add3A_97 = arith.addi %arg1, %mul3A_96 : i32
        %lt3A = arith.constant 2500 : i32
        %lt3A_98 = arith.cmpi slt, %add3A_97, %lt3A : i32
        %convert_element_type3A_99 = arith.extui %lt3A_98 : i1 to i32
        %cond3A_100 = arith.constant 0 : i32
        %cond3A_101 = arith.cmpi ne, %convert_element_type3A_99, %cond3A_100 : i32
        scf.if %cond3A_101 {
          %mul3A_103 = arith.constant 128 : i32
          %mul3A_104 = arith.muli %add3A_97, %mul3A_103 : i32
          %multiple_of3A = tpu.assume_multiple %mul3A_104, 8 : i32
          "tpu.region"() ({
            %run_scoped3A = tpu.sem_alloc : memref<!tpu.dma_semaphore, #tpu.memory_space<semaphore_mem>>
            %dma_start3A = tpu.memref_slice %arg4[%multiple_of3A] : memref<320000xi32, #tpu.memory_space<hbm>> -> memref<128xi32, #tpu.memory_space<hbm>>
            %dma_start3A_105 = tpu.memref_slice %arg4[%multiple_of3A] : memref<320000xi32, #tpu.memory_space<hbm>> -> memref<128xi32, #tpu.memory_space<hbm>>
            tpu.enqueue_dma source(%dma_start3A_105 : memref<128xi32, #tpu.memory_space<hbm>>) target(%arg11 : memref<128xi32, #tpu.memory_space<vmem>>) target_semaphore(%run_scoped3A : memref<!tpu.dma_semaphore, #tpu.memory_space<semaphore_mem>>)
            %dma_wait3A = tpu.memref_slice %arg4[%multiple_of3A] : memref<320000xi32, #tpu.memory_space<hbm>> -> memref<128xi32, #tpu.memory_space<hbm>>
            %dma_wait3A_106 = tpu.memref_slice %arg4[%multiple_of3A] : memref<320000xi32, #tpu.memory_space<hbm>> -> memref<128xi32, #tpu.memory_space<hbm>>
            tpu.wait_dma2 semaphore(%run_scoped3A : memref<!tpu.dma_semaphore, #tpu.memory_space<semaphore_mem>>) src(%dma_wait3A_106 : memref<128xi32, #tpu.memory_space<hbm>>) dst(%arg11 : memref<128xi32, #tpu.memory_space<vmem>>)
            tpu.yield
          }) : () -> ()
          "tpu.region"() ({
            %run_scoped3A = tpu.sem_alloc : memref<!tpu.dma_semaphore, #tpu.memory_space<semaphore_mem>>
            %dma_start3A = arith.constant 0 : i32
            %dma_start3A_105 = tpu.memref_slice %arg14[%dma_start3A] : memref<10000xf32, #tpu.memory_space<vmem_shared>> -> memref<10000xf32, #tpu.memory_space<vmem_shared>>
            tpu.enqueue_indirect_dma source(%arg12 : memref<128xf32, #tpu.memory_space<vmem>>) target(%dma_start3A_105 : memref<10000xf32, #tpu.memory_space<vmem_shared>>) offsets(%arg11 : memref<128xi32, #tpu.memory_space<vmem>>) semaphore(%run_scoped3A : memref<!tpu.dma_semaphore, #tpu.memory_space<semaphore_mem>>) {add = true}
            %dma_wait3A = arith.constant 0 : i32
            %dma_wait3A_106 = tpu.memref_slice %arg14[%dma_wait3A] : memref<10000xf32, #tpu.memory_space<vmem_shared>> -> memref<10000xf32, #tpu.memory_space<vmem_shared>>
            tpu.wait_indirect_dma semaphore(%run_scoped3A : memref<!tpu.dma_semaphore, #tpu.memory_space<semaphore_mem>>) src(%arg12 : memref<128xf32, #tpu.memory_space<vmem>>) dst(%dma_wait3A_106 : memref<10000xf32, #tpu.memory_space<vmem_shared>>)
            tpu.yield
          }) : () -> ()
        } else {
        }
        %scan3A_102 = arith.constant 0 : i32
        scf.yield %scan3A_102 : i32
      }
      %scan3A_92 = arith.constant 157 : i32
    } else {
    }
    %eq3A_70 = arith.constant 1 : i32
    %eq3A_71 = arith.cmpi eq, %arg0, %eq3A_70 : i32
    %convert_element_type3A_72 = arith.extui %eq3A_71 : i1 to i32
    %cond3A_73 = arith.constant 0 : i32
    %cond3A_74 = arith.cmpi ne, %convert_element_type3A_72, %cond3A_73 : i32
    scf.if %cond3A_74 {
      %scan3A_86 = arith.constant 0 : i32
      %scan3A_87 = arith.constant 0 : i32
      %scan3A_88 = arith.constant 157 : i32
      %scan3A_89 = arith.addi %scan3A_87, %scan3A_88 : i32
      %scan3A_90 = arith.constant 1 : i32
      %scan3A_91 = scf.for %scan3A_93 = %scan3A_87 to %scan3A_89 step %scan3A_90 iter_args(%scan3A_94 = %scan3A_86) -> (i32)  : i32 {
        %mul3A_95 = arith.constant 16 : i32
        %mul3A_96 = arith.muli %mul3A_95, %scan3A_93 : i32
        %add3A_97 = arith.addi %arg1, %mul3A_96 : i32
        %lt3A = arith.constant 2500 : i32
        %lt3A_98 = arith.cmpi slt, %add3A_97, %lt3A : i32
        %convert_element_type3A_99 = arith.extui %lt3A_98 : i1 to i32
        %cond3A_100 = arith.constant 0 : i32
        %cond3A_101 = arith.cmpi ne, %convert_element_type3A_99, %cond3A_100 : i32
        scf.if %cond3A_101 {
          %mul3A_103 = arith.constant 128 : i32
          %mul3A_104 = arith.muli %add3A_97, %mul3A_103 : i32
          %multiple_of3A = tpu.assume_multiple %mul3A_104, 8 : i32
          "tpu.region"() ({
            %run_scoped3A = tpu.sem_alloc : memref<!tpu.dma_semaphore, #tpu.memory_space<semaphore_mem>>
            %dma_start3A = tpu.memref_slice %arg5[%multiple_of3A] : memref<320000xi32, #tpu.memory_space<hbm>> -> memref<128xi32, #tpu.memory_space<hbm>>
            %dma_start3A_105 = tpu.memref_slice %arg5[%multiple_of3A] : memref<320000xi32, #tpu.memory_space<hbm>> -> memref<128xi32, #tpu.memory_space<hbm>>
            tpu.enqueue_dma source(%dma_start3A_105 : memref<128xi32, #tpu.memory_space<hbm>>) target(%arg11 : memref<128xi32, #tpu.memory_space<vmem>>) target_semaphore(%run_scoped3A : memref<!tpu.dma_semaphore, #tpu.memory_space<semaphore_mem>>)
            %dma_wait3A = tpu.memref_slice %arg5[%multiple_of3A] : memref<320000xi32, #tpu.memory_space<hbm>> -> memref<128xi32, #tpu.memory_space<hbm>>
            %dma_wait3A_106 = tpu.memref_slice %arg5[%multiple_of3A] : memref<320000xi32, #tpu.memory_space<hbm>> -> memref<128xi32, #tpu.memory_space<hbm>>
            tpu.wait_dma2 semaphore(%run_scoped3A : memref<!tpu.dma_semaphore, #tpu.memory_space<semaphore_mem>>) src(%dma_wait3A_106 : memref<128xi32, #tpu.memory_space<hbm>>) dst(%arg11 : memref<128xi32, #tpu.memory_space<vmem>>)
            tpu.yield
          }) : () -> ()
          "tpu.region"() ({
            %run_scoped3A = tpu.sem_alloc : memref<!tpu.dma_semaphore, #tpu.memory_space<semaphore_mem>>
            %dma_start3A = arith.constant 0 : i32
            %dma_start3A_105 = tpu.memref_slice %arg14[%dma_start3A] : memref<10000xf32, #tpu.memory_space<vmem_shared>> -> memref<10000xf32, #tpu.memory_space<vmem_shared>>
            tpu.enqueue_indirect_dma source(%arg12 : memref<128xf32, #tpu.memory_space<vmem>>) target(%dma_start3A_105 : memref<10000xf32, #tpu.memory_space<vmem_shared>>) offsets(%arg11 : memref<128xi32, #tpu.memory_space<vmem>>) semaphore(%run_scoped3A : memref<!tpu.dma_semaphore, #tpu.memory_space<semaphore_mem>>) {add = true}
            %dma_wait3A = arith.constant 0 : i32
            %dma_wait3A_106 = tpu.memref_slice %arg14[%dma_wait3A] : memref<10000xf32, #tpu.memory_space<vmem_shared>> -> memref<10000xf32, #tpu.memory_space<vmem_shared>>
            tpu.wait_indirect_dma semaphore(%run_scoped3A : memref<!tpu.dma_semaphore, #tpu.memory_space<semaphore_mem>>) src(%arg12 : memref<128xf32, #tpu.memory_space<vmem>>) dst(%dma_wait3A_106 : memref<10000xf32, #tpu.memory_space<vmem_shared>>)
            tpu.yield
          }) : () -> ()
        } else {
        }
        %scan3A_102 = arith.constant 0 : i32
        scf.yield %scan3A_102 : i32
      }
      %scan3A_92 = arith.constant 157 : i32
    } else {
    }
    %barrier3A_75 = arith.constant 0 : index
    tpu.barrier barrier_id(%barrier3A_75)
    %eq3A_76 = arith.constant 0 : i32
    %eq3A_77 = arith.cmpi eq, %arg0, %eq3A_76 : i32
    %convert_element_type3A_78 = arith.extui %eq3A_77 : i1 to i32
    %cond3A_79 = arith.constant 0 : i32
    %cond3A_80 = arith.cmpi ne, %convert_element_type3A_78, %cond3A_79 : i32
    scf.if %cond3A_80 {
      %scan3A_86 = arith.constant 0 : i32
      %scan3A_87 = arith.constant 0 : i32
      %scan3A_88 = arith.constant 8 : i32
      %scan3A_89 = arith.addi %scan3A_87, %scan3A_88 : i32
      %scan3A_90 = arith.constant 1 : i32
      %scan3A_91 = scf.for %scan3A_93 = %scan3A_87 to %scan3A_89 step %scan3A_90 iter_args(%scan3A_94 = %scan3A_86) -> (i32)  : i32 {
        %mul3A_95 = arith.constant 16 : i32
        %mul3A_96 = arith.muli %mul3A_95, %scan3A_93 : i32
        %add3A_97 = arith.addi %arg1, %mul3A_96 : i32
        %lt3A = arith.constant 125 : i32
        %lt3A_98 = arith.cmpi slt, %add3A_97, %lt3A : i32
        %convert_element_type3A_99 = arith.extui %lt3A_98 : i1 to i32
        %cond3A_100 = arith.constant 0 : i32
        %cond3A_101 = arith.cmpi ne, %convert_element_type3A_99, %cond3A_100 : i32
        scf.if %cond3A_101 {
          %mul3A_103 = arith.constant 80 : i32
          %mul3A_104 = arith.muli %add3A_97, %mul3A_103 : i32
          %multiple_of3A = tpu.assume_multiple %mul3A_104, 8 : i32
          "tpu.region"() ({
            %run_scoped3A = tpu.sem_alloc : memref<!tpu.dma_semaphore, #tpu.memory_space<semaphore_mem>>
            %dma_start3A = tpu.memref_slice %arg14[%multiple_of3A] : memref<10000xf32, #tpu.memory_space<vmem_shared>> -> memref<80xf32, #tpu.memory_space<vmem_shared>>
            %dma_start3A_105 = tpu.memref_slice %arg14[%multiple_of3A] : memref<10000xf32, #tpu.memory_space<vmem_shared>> -> memref<80xf32, #tpu.memory_space<vmem_shared>>
            tpu.enqueue_dma source(%dma_start3A_105 : memref<80xf32, #tpu.memory_space<vmem_shared>>) target(%arg13 : memref<80xf32, #tpu.memory_space<vmem>>) target_semaphore(%run_scoped3A : memref<!tpu.dma_semaphore, #tpu.memory_space<semaphore_mem>>)
            %dma_wait3A = tpu.memref_slice %arg14[%multiple_of3A] : memref<10000xf32, #tpu.memory_space<vmem_shared>> -> memref<80xf32, #tpu.memory_space<vmem_shared>>
            %dma_wait3A_106 = tpu.memref_slice %arg14[%multiple_of3A] : memref<10000xf32, #tpu.memory_space<vmem_shared>> -> memref<80xf32, #tpu.memory_space<vmem_shared>>
            tpu.wait_dma2 semaphore(%run_scoped3A : memref<!tpu.dma_semaphore, #tpu.memory_space<semaphore_mem>>) src(%dma_wait3A_106 : memref<80xf32, #tpu.memory_space<vmem_shared>>) dst(%arg13 : memref<80xf32, #tpu.memory_space<vmem>>)
            tpu.yield
          }) : () -> ()
          "tpu.region"() ({
            %run_scoped3A = tpu.sem_alloc : memref<!tpu.dma_semaphore, #tpu.memory_space<semaphore_mem>>
            %dma_start3A = tpu.memref_slice %arg7[%multiple_of3A] : memref<10000xf32, #tpu.memory_space<hbm>> -> memref<80xf32, #tpu.memory_space<hbm>>
            %dma_start3A_105 = tpu.memref_slice %arg7[%multiple_of3A] : memref<10000xf32, #tpu.memory_space<hbm>> -> memref<80xf32, #tpu.memory_space<hbm>>
            tpu.enqueue_dma source(%arg13 : memref<80xf32, #tpu.memory_space<vmem>>) target(%dma_start3A_105 : memref<80xf32, #tpu.memory_space<hbm>>) target_semaphore(%run_scoped3A : memref<!tpu.dma_semaphore, #tpu.memory_space<semaphore_mem>>)
            %dma_wait3A = tpu.memref_slice %arg7[%multiple_of3A] : memref<10000xf32, #tpu.memory_space<hbm>> -> memref<80xf32, #tpu.memory_space<hbm>>
            %dma_wait3A_106 = tpu.memref_slice %arg7[%multiple_of3A] : memref<10000xf32, #tpu.memory_space<hbm>> -> memref<80xf32, #tpu.memory_space<hbm>>
            tpu.wait_dma2 semaphore(%run_scoped3A : memref<!tpu.dma_semaphore, #tpu.memory_space<semaphore_mem>>) src(%arg13 : memref<80xf32, #tpu.memory_space<vmem>>) dst(%dma_wait3A_106 : memref<80xf32, #tpu.memory_space<hbm>>)
            tpu.yield
          }) : () -> ()
        } else {
        }
        %scan3A_102 = arith.constant 0 : i32
        scf.yield %scan3A_102 : i32
      }
      %scan3A_92 = arith.constant 8 : i32
    } else {
    }
    %eq3A_81 = arith.constant 1 : i32
    %eq3A_82 = arith.cmpi eq, %arg0, %eq3A_81 : i32
    %convert_element_type3A_83 = arith.extui %eq3A_82 : i1 to i32
    %cond3A_84 = arith.constant 0 : i32
    %cond3A_85 = arith.cmpi ne, %convert_element_type3A_83, %cond3A_84 : i32
    scf.if %cond3A_85 {
      %scan3A_86 = arith.constant 0 : i32
      %scan3A_87 = arith.constant 0 : i32
      %scan3A_88 = arith.constant 8 : i32
      %scan3A_89 = arith.addi %scan3A_87, %scan3A_88 : i32
      %scan3A_90 = arith.constant 1 : i32
      %scan3A_91 = scf.for %scan3A_93 = %scan3A_87 to %scan3A_89 step %scan3A_90 iter_args(%scan3A_94 = %scan3A_86) -> (i32)  : i32 {
        %mul3A_95 = arith.constant 16 : i32
        %mul3A_96 = arith.muli %mul3A_95, %scan3A_93 : i32
        %add3A_97 = arith.addi %arg1, %mul3A_96 : i32
        %lt3A = arith.constant 125 : i32
        %lt3A_98 = arith.cmpi slt, %add3A_97, %lt3A : i32
        %convert_element_type3A_99 = arith.extui %lt3A_98 : i1 to i32
        %cond3A_100 = arith.constant 0 : i32
        %cond3A_101 = arith.cmpi ne, %convert_element_type3A_99, %cond3A_100 : i32
        scf.if %cond3A_101 {
          %mul3A_103 = arith.constant 80 : i32
          %mul3A_104 = arith.muli %add3A_97, %mul3A_103 : i32
          %multiple_of3A = tpu.assume_multiple %mul3A_104, 8 : i32
          "tpu.region"() ({
            %run_scoped3A = tpu.sem_alloc : memref<!tpu.dma_semaphore, #tpu.memory_space<semaphore_mem>>
            %dma_start3A = tpu.memref_slice %arg14[%multiple_of3A] : memref<10000xf32, #tpu.memory_space<vmem_shared>> -> memref<80xf32, #tpu.memory_space<vmem_shared>>
            %dma_start3A_105 = tpu.memref_slice %arg14[%multiple_of3A] : memref<10000xf32, #tpu.memory_space<vmem_shared>> -> memref<80xf32, #tpu.memory_space<vmem_shared>>
            tpu.enqueue_dma source(%dma_start3A_105 : memref<80xf32, #tpu.memory_space<vmem_shared>>) target(%arg13 : memref<80xf32, #tpu.memory_space<vmem>>) target_semaphore(%run_scoped3A : memref<!tpu.dma_semaphore, #tpu.memory_space<semaphore_mem>>)
            %dma_wait3A = tpu.memref_slice %arg14[%multiple_of3A] : memref<10000xf32, #tpu.memory_space<vmem_shared>> -> memref<80xf32, #tpu.memory_space<vmem_shared>>
            %dma_wait3A_106 = tpu.memref_slice %arg14[%multiple_of3A] : memref<10000xf32, #tpu.memory_space<vmem_shared>> -> memref<80xf32, #tpu.memory_space<vmem_shared>>
            tpu.wait_dma2 semaphore(%run_scoped3A : memref<!tpu.dma_semaphore, #tpu.memory_space<semaphore_mem>>) src(%dma_wait3A_106 : memref<80xf32, #tpu.memory_space<vmem_shared>>) dst(%arg13 : memref<80xf32, #tpu.memory_space<vmem>>)
            tpu.yield
          }) : () -> ()
          "tpu.region"() ({
            %run_scoped3A = tpu.sem_alloc : memref<!tpu.dma_semaphore, #tpu.memory_space<semaphore_mem>>
            %dma_start3A = tpu.memref_slice %arg8[%multiple_of3A] : memref<10000xf32, #tpu.memory_space<hbm>> -> memref<80xf32, #tpu.memory_space<hbm>>
            %dma_start3A_105 = tpu.memref_slice %arg8[%multiple_of3A] : memref<10000xf32, #tpu.memory_space<hbm>> -> memref<80xf32, #tpu.memory_space<hbm>>
            tpu.enqueue_dma source(%arg13 : memref<80xf32, #tpu.memory_space<vmem>>) target(%dma_start3A_105 : memref<80xf32, #tpu.memory_space<hbm>>) target_semaphore(%run_scoped3A : memref<!tpu.dma_semaphore, #tpu.memory_space<semaphore_mem>>)
            %dma_wait3A = tpu.memref_slice %arg8[%multiple_of3A] : memref<10000xf32, #tpu.memory_space<hbm>> -> memref<80xf32, #tpu.memory_space<hbm>>
            %dma_wait3A_106 = tpu.memref_slice %arg8[%multiple_of3A] : memref<10000xf32, #tpu.memory_space<hbm>> -> memref<80xf32, #tpu.memory_space<hbm>>
            tpu.wait_dma2 semaphore(%run_scoped3A : memref<!tpu.dma_semaphore, #tpu.memory_space<semaphore_mem>>) src(%arg13 : memref<80xf32, #tpu.memory_space<vmem>>) dst(%dma_wait3A_106 : memref<80xf32, #tpu.memory_space<hbm>>)
            tpu.yield
          }) : () -> ()
        } else {
        }
        %scan3A_102 = arith.constant 0 : i32
        scf.yield %scan3A_102 : i32
      }
      %scan3A_92 = arith.constant 8 : i32
    } else {
    }
    return
  }
}

#map = affine_map<(d0, d1) -> (0, 0)>
#map1 = affine_map<(d0, d1) -> (0)>
module attributes {stable_mosaic.version = 14 : i64} {
  func.func @_sc_edge_agg(%arg0: i32, %arg1: i32, %arg2: memref<10000x128xf32, #tpu.memory_space<hbm>>, %arg3: memref<10000x128xf32, #tpu.memory_space<hbm>>, %arg4: memref<327680xi32, #tpu.memory_space<hbm>>, %arg5: memref<327680xi32, #tpu.memory_space<hbm>>, %arg6: memref<327680xi32, #tpu.memory_space<hbm>>, %arg7: memref<327680xi32, #tpu.memory_space<hbm>>, %arg8: memref<10000x128xf32, #tpu.memory_space<hbm>>, %arg9: memref<10000x128xf32, #tpu.memory_space<hbm>>, %arg10: memref<256xi32, #tpu.memory_space<vmem>>, %arg11: memref<256xi32, #tpu.memory_space<vmem>>, %arg12: memref<256x128xf32, #tpu.memory_space<vmem>>, %arg13: memref<10000x128xf32, #tpu.memory_space<vmem_shared>>, %arg14: memref<!tpu.dma_semaphore, #tpu.memory_space<semaphore_mem>>) attributes {dimension_semantics = [#tpu.dimension_semantics<core_parallel>, #tpu.dimension_semantics<subcore_parallel>], iteration_bounds = array<i64: 2, 16>, scalar_prefetch = 0 : i64, scratch_operands = 5 : i64, tpu.core_type = #tpu.core_type<sc_vector_subcore>, window_params = [{transform_indices = #map}, {transform_indices = #map}, {transform_indices = #map1}, {transform_indices = #map1}, {transform_indices = #map1}, {transform_indices = #map1}, {transform_indices = #map}, {transform_indices = #map}]} {
    %broadcast_in_dim3A = arith.constant 0.000000e+00 : f32
    %broadcast_in_dim3A_0 = vector.broadcast %broadcast_in_dim3A : f32 to vector<16xf32>
    %scan3A = arith.constant 0 : i32
    %scan3A_1 = arith.constant 0 : i32
    %scan3A_2 = arith.constant 80 : i32
    %scan3A_3 = arith.addi %scan3A_1, %scan3A_2 : i32
    %scan3A_4 = arith.constant 1 : i32
    %scan3A_5 = scf.for %scan3A_32 = %scan3A_1 to %scan3A_3 step %scan3A_4 iter_args(%scan3A_33 = %scan3A) -> (i32)  : i32 {
      %swap3A = arith.index_cast %scan3A_32 : i32 to index
      %swap3A_34 = arith.constant 0 : index
      %swap3A_35 = tpu.vector_load %arg12[%swap3A, %swap3A_34] {strides = array<i32>} : memref<256x128xf32, #tpu.memory_space<vmem>>, vector<1x16xf32>,
      %swap3A_36 = vector.shape_cast %swap3A_35 : vector<1x16xf32> to vector<16xf32>
      %swap3A_37 = vector.shape_cast %broadcast_in_dim3A_0 : vector<16xf32> to vector<1x16xf32>
      tpu.vector_store %arg12[%swap3A, %swap3A_34], %swap3A_37 {strides = array<i32>} : memref<256x128xf32, #tpu.memory_space<vmem>>, vector<1x16xf32>,
      %swap3A_38 = arith.index_cast %scan3A_32 : i32 to index
      %swap3A_39 = arith.constant 16 : index
      %swap3A_40 = tpu.vector_load %arg12[%swap3A_38, %swap3A_39] {strides = array<i32>} : memref<256x128xf32, #tpu.memory_space<vmem>>, vector<1x16xf32>,
      %swap3A_41 = vector.shape_cast %swap3A_40 : vector<1x16xf32> to vector<16xf32>
      %swap3A_42 = vector.shape_cast %broadcast_in_dim3A_0 : vector<16xf32> to vector<1x16xf32>
      tpu.vector_store %arg12[%swap3A_38, %swap3A_39], %swap3A_42 {strides = array<i32>} : memref<256x128xf32, #tpu.memory_space<vmem>>, vector<1x16xf32>,
      %swap3A_43 = arith.index_cast %scan3A_32 : i32 to index
      %swap3A_44 = arith.constant 32 : index
      %swap3A_45 = tpu.vector_load %arg12[%swap3A_43, %swap3A_44] {strides = array<i32>} : memref<256x128xf32, #tpu.memory_space<vmem>>, vector<1x16xf32>,
      %swap3A_46 = vector.shape_cast %swap3A_45 : vector<1x16xf32> to vector<16xf32>
      %swap3A_47 = vector.shape_cast %broadcast_in_dim3A_0 : vector<16xf32> to vector<1x16xf32>
      tpu.vector_store %arg12[%swap3A_43, %swap3A_44], %swap3A_47 {strides = array<i32>} : memref<256x128xf32, #tpu.memory_space<vmem>>, vector<1x16xf32>,
      %swap3A_48 = arith.index_cast %scan3A_32 : i32 to index
      %swap3A_49 = arith.constant 48 : index
      %swap3A_50 = tpu.vector_load %arg12[%swap3A_48, %swap3A_49] {strides = array<i32>} : memref<256x128xf32, #tpu.memory_space<vmem>>, vector<1x16xf32>,
      %swap3A_51 = vector.shape_cast %swap3A_50 : vector<1x16xf32> to vector<16xf32>
      %swap3A_52 = vector.shape_cast %broadcast_in_dim3A_0 : vector<16xf32> to vector<1x16xf32>
      tpu.vector_store %arg12[%swap3A_48, %swap3A_49], %swap3A_52 {strides = array<i32>} : memref<256x128xf32, #tpu.memory_space<vmem>>, vector<1x16xf32>,
      %swap3A_53 = arith.index_cast %scan3A_32 : i32 to index
      %swap3A_54 = arith.constant 64 : index
      %swap3A_55 = tpu.vector_load %arg12[%swap3A_53, %swap3A_54] {strides = array<i32>} : memref<256x128xf32, #tpu.memory_space<vmem>>, vector<1x16xf32>,
      %swap3A_56 = vector.shape_cast %swap3A_55 : vector<1x16xf32> to vector<16xf32>
      %swap3A_57 = vector.shape_cast %broadcast_in_dim3A_0 : vector<16xf32> to vector<1x16xf32>
      tpu.vector_store %arg12[%swap3A_53, %swap3A_54], %swap3A_57 {strides = array<i32>} : memref<256x128xf32, #tpu.memory_space<vmem>>, vector<1x16xf32>,
      %swap3A_58 = arith.index_cast %scan3A_32 : i32 to index
      %swap3A_59 = arith.constant 80 : index
      %swap3A_60 = tpu.vector_load %arg12[%swap3A_58, %swap3A_59] {strides = array<i32>} : memref<256x128xf32, #tpu.memory_space<vmem>>, vector<1x16xf32>,
      %swap3A_61 = vector.shape_cast %swap3A_60 : vector<1x16xf32> to vector<16xf32>
      %swap3A_62 = vector.shape_cast %broadcast_in_dim3A_0 : vector<16xf32> to vector<1x16xf32>
      tpu.vector_store %arg12[%swap3A_58, %swap3A_59], %swap3A_62 {strides = array<i32>} : memref<256x128xf32, #tpu.memory_space<vmem>>, vector<1x16xf32>,
      %swap3A_63 = arith.index_cast %scan3A_32 : i32 to index
      %swap3A_64 = arith.constant 96 : index
      %swap3A_65 = tpu.vector_load %arg12[%swap3A_63, %swap3A_64] {strides = array<i32>} : memref<256x128xf32, #tpu.memory_space<vmem>>, vector<1x16xf32>,
      %swap3A_66 = vector.shape_cast %swap3A_65 : vector<1x16xf32> to vector<16xf32>
      %swap3A_67 = vector.shape_cast %broadcast_in_dim3A_0 : vector<16xf32> to vector<1x16xf32>
      tpu.vector_store %arg12[%swap3A_63, %swap3A_64], %swap3A_67 {strides = array<i32>} : memref<256x128xf32, #tpu.memory_space<vmem>>, vector<1x16xf32>,
      %swap3A_68 = arith.index_cast %scan3A_32 : i32 to index
      %swap3A_69 = arith.constant 112 : index
      %swap3A_70 = tpu.vector_load %arg12[%swap3A_68, %swap3A_69] {strides = array<i32>} : memref<256x128xf32, #tpu.memory_space<vmem>>, vector<1x16xf32>,
      %swap3A_71 = vector.shape_cast %swap3A_70 : vector<1x16xf32> to vector<16xf32>
      %swap3A_72 = vector.shape_cast %broadcast_in_dim3A_0 : vector<16xf32> to vector<1x16xf32>
      tpu.vector_store %arg12[%swap3A_68, %swap3A_69], %swap3A_72 {strides = array<i32>} : memref<256x128xf32, #tpu.memory_space<vmem>>, vector<1x16xf32>,
      %scan3A_73 = arith.constant 0 : i32
      scf.yield %scan3A_73 : i32
    }
    %scan3A_6 = arith.constant 80 : i32
    %scan3A_7 = arith.constant 0 : i32
    %scan3A_8 = arith.constant 0 : i32
    %scan3A_9 = arith.constant 8 : i32
    %scan3A_10 = arith.addi %scan3A_8, %scan3A_9 : i32
    %scan3A_11 = arith.constant 1 : i32
    %scan3A_12 = scf.for %scan3A_32 = %scan3A_8 to %scan3A_10 step %scan3A_11 iter_args(%scan3A_33 = %scan3A_7) -> (i32)  : i32 {
      %mul3A = arith.constant 16 : i32
      %mul3A_34 = arith.muli %mul3A, %scan3A_32 : i32
      %add3A = arith.addi %arg1, %mul3A_34 : i32
      %lt3A = arith.constant 125 : i32
      %lt3A_35 = arith.cmpi slt, %add3A, %lt3A : i32
      %convert_element_type3A_36 = arith.extui %lt3A_35 : i1 to i32
      %cond3A_37 = arith.constant 0 : i32
      %cond3A_38 = arith.cmpi ne, %convert_element_type3A_36, %cond3A_37 : i32
      scf.if %cond3A_38 {
        %mul3A_40 = arith.constant 80 : i32
        %mul3A_41 = arith.muli %add3A, %mul3A_40 : i32
        %multiple_of3A = tpu.assume_multiple %mul3A_41, 8 : i32
        "tpu.region"() ({
          %run_scoped3A = tpu.sem_alloc : memref<!tpu.dma_semaphore, #tpu.memory_space<semaphore_mem>>
          %dma_start3A = arith.constant 0 : i32
          %dma_start3A_42 = arith.constant 0 : i32
          %dma_start3A_43 = tpu.memref_slice %arg12[%dma_start3A, %dma_start3A_42] : memref<256x128xf32, #tpu.memory_space<vmem>> -> memref<80x128xf32, #tpu.memory_space<vmem>>
          %dma_start3A_44 = arith.constant 0 : i32
          %dma_start3A_45 = tpu.memref_slice %arg13[%multiple_of3A, %dma_start3A_44] : memref<10000x128xf32, #tpu.memory_space<vmem_shared>> -> memref<80x128xf32, #tpu.memory_space<vmem_shared>>
          %dma_start3A_46 = arith.constant 0 : i32
          %dma_start3A_47 = tpu.memref_slice %arg13[%multiple_of3A, %dma_start3A_46] : memref<10000x128xf32, #tpu.memory_space<vmem_shared>> -> memref<80x128xf32, #tpu.memory_space<vmem_shared>>
          %dma_start3A_48 = arith.constant 0 : i32
          %dma_start3A_49 = arith.constant 0 : i32
          %dma_start3A_50 = tpu.memref_slice %arg12[%dma_start3A_48, %dma_start3A_49] : memref<256x128xf32, #tpu.memory_space<vmem>> -> memref<80x128xf32, #tpu.memory_space<vmem>>
          tpu.enqueue_dma source(%dma_start3A_50 : memref<80x128xf32, #tpu.memory_space<vmem>>) target(%dma_start3A_47 : memref<80x128xf32, #tpu.memory_space<vmem_shared>>) target_semaphore(%run_scoped3A : memref<!tpu.dma_semaphore, #tpu.memory_space<semaphore_mem>>)
          %dma_wait3A = arith.constant 0 : i32
          %dma_wait3A_51 = arith.constant 0 : i32
          %dma_wait3A_52 = tpu.memref_slice %arg12[%dma_wait3A, %dma_wait3A_51] : memref<256x128xf32, #tpu.memory_space<vmem>> -> memref<80x128xf32, #tpu.memory_space<vmem>>
          %dma_wait3A_53 = arith.constant 0 : i32
          %dma_wait3A_54 = tpu.memref_slice %arg13[%multiple_of3A, %dma_wait3A_53] : memref<10000x128xf32, #tpu.memory_space<vmem_shared>> -> memref<80x128xf32, #tpu.memory_space<vmem_shared>>
          %dma_wait3A_55 = arith.constant 0 : i32
          %dma_wait3A_56 = tpu.memref_slice %arg13[%multiple_of3A, %dma_wait3A_55] : memref<10000x128xf32, #tpu.memory_space<vmem_shared>> -> memref<80x128xf32, #tpu.memory_space<vmem_shared>>
          %dma_wait3A_57 = arith.constant 0 : i32
          %dma_wait3A_58 = arith.constant 0 : i32
          %dma_wait3A_59 = tpu.memref_slice %arg12[%dma_wait3A_57, %dma_wait3A_58] : memref<256x128xf32, #tpu.memory_space<vmem>> -> memref<80x128xf32, #tpu.memory_space<vmem>>
          tpu.wait_dma2 semaphore(%run_scoped3A : memref<!tpu.dma_semaphore, #tpu.memory_space<semaphore_mem>>) src(%dma_wait3A_59 : memref<80x128xf32, #tpu.memory_space<vmem>>) dst(%dma_wait3A_56 : memref<80x128xf32, #tpu.memory_space<vmem_shared>>)
          tpu.yield
        }) : () -> ()
      } else {
      }
      %scan3A_39 = arith.constant 0 : i32
      scf.yield %scan3A_39 : i32
    }
    %scan3A_13 = arith.constant 8 : i32
    %barrier3A = arith.constant 0 : index
    tpu.barrier barrier_id(%barrier3A)
    %eq3A = arith.constant 0 : i32
    %eq3A_14 = arith.cmpi eq, %arg0, %eq3A : i32
    %convert_element_type3A = arith.extui %eq3A_14 : i1 to i32
    %cond3A = arith.constant 0 : i32
    %cond3A_15 = arith.cmpi ne, %convert_element_type3A, %cond3A : i32
    scf.if %cond3A_15 {
      %scan3A_32 = arith.constant 0 : i32
      %scan3A_33 = arith.constant 0 : i32
      %scan3A_34 = arith.constant 80 : i32
      %scan3A_35 = arith.addi %scan3A_33, %scan3A_34 : i32
      %scan3A_36 = arith.constant 1 : i32
      %scan3A_37 = scf.for %scan3A_39 = %scan3A_33 to %scan3A_35 step %scan3A_36 iter_args(%scan3A_40 = %scan3A_32) -> (i32)  : i32 {
        %mul3A = arith.constant 80 : i32
        %mul3A_41 = arith.muli %arg1, %mul3A : i32
        %add3A = arith.addi %mul3A_41, %scan3A_39 : i32
        %mul3A_42 = arith.constant 256 : i32
        %mul3A_43 = arith.muli %add3A, %mul3A_42 : i32
        %multiple_of3A = tpu.assume_multiple %mul3A_43, 8 : i32
        "tpu.region"() ({
          %run_scoped3A = tpu.sem_alloc : memref<!tpu.dma_semaphore, #tpu.memory_space<semaphore_mem>>
          %dma_start3A_53 = tpu.memref_slice %arg4[%multiple_of3A] : memref<327680xi32, #tpu.memory_space<hbm>> -> memref<256xi32, #tpu.memory_space<hbm>>
          %dma_start3A_54 = tpu.memref_slice %arg4[%multiple_of3A] : memref<327680xi32, #tpu.memory_space<hbm>> -> memref<256xi32, #tpu.memory_space<hbm>>
          tpu.enqueue_dma source(%dma_start3A_54 : memref<256xi32, #tpu.memory_space<hbm>>) target(%arg10 : memref<256xi32, #tpu.memory_space<vmem>>) target_semaphore(%run_scoped3A : memref<!tpu.dma_semaphore, #tpu.memory_space<semaphore_mem>>)
          %dma_wait3A_55 = tpu.memref_slice %arg4[%multiple_of3A] : memref<327680xi32, #tpu.memory_space<hbm>> -> memref<256xi32, #tpu.memory_space<hbm>>
          %dma_wait3A_56 = tpu.memref_slice %arg4[%multiple_of3A] : memref<327680xi32, #tpu.memory_space<hbm>> -> memref<256xi32, #tpu.memory_space<hbm>>
          tpu.wait_dma2 semaphore(%run_scoped3A : memref<!tpu.dma_semaphore, #tpu.memory_space<semaphore_mem>>) src(%dma_wait3A_56 : memref<256xi32, #tpu.memory_space<hbm>>) dst(%arg10 : memref<256xi32, #tpu.memory_space<vmem>>)
          tpu.yield
        }) : () -> ()
        "tpu.region"() ({
          %run_scoped3A = tpu.sem_alloc : memref<!tpu.dma_semaphore, #tpu.memory_space<semaphore_mem>>
          %dma_start3A_53 = tpu.memref_slice %arg5[%multiple_of3A] : memref<327680xi32, #tpu.memory_space<hbm>> -> memref<256xi32, #tpu.memory_space<hbm>>
          %dma_start3A_54 = tpu.memref_slice %arg5[%multiple_of3A] : memref<327680xi32, #tpu.memory_space<hbm>> -> memref<256xi32, #tpu.memory_space<hbm>>
          tpu.enqueue_dma source(%dma_start3A_54 : memref<256xi32, #tpu.memory_space<hbm>>) target(%arg11 : memref<256xi32, #tpu.memory_space<vmem>>) target_semaphore(%run_scoped3A : memref<!tpu.dma_semaphore, #tpu.memory_space<semaphore_mem>>)
          %dma_wait3A_55 = tpu.memref_slice %arg5[%multiple_of3A] : memref<327680xi32, #tpu.memory_space<hbm>> -> memref<256xi32, #tpu.memory_space<hbm>>
          %dma_wait3A_56 = tpu.memref_slice %arg5[%multiple_of3A] : memref<327680xi32, #tpu.memory_space<hbm>> -> memref<256xi32, #tpu.memory_space<hbm>>
          tpu.wait_dma2 semaphore(%run_scoped3A : memref<!tpu.dma_semaphore, #tpu.memory_space<semaphore_mem>>) src(%dma_wait3A_56 : memref<256xi32, #tpu.memory_space<hbm>>) dst(%arg11 : memref<256xi32, #tpu.memory_space<vmem>>)
          tpu.yield
        }) : () -> ()
        %dma_start3A = arith.constant 0 : i32
        %dma_start3A_44 = arith.constant 0 : i32
        %dma_start3A_45 = tpu.memref_slice %arg2[%dma_start3A, %dma_start3A_44] : memref<10000x128xf32, #tpu.memory_space<hbm>> -> memref<10000x128xf32, #tpu.memory_space<hbm>>
        tpu.enqueue_indirect_dma source(%dma_start3A_45 : memref<10000x128xf32, #tpu.memory_space<hbm>>) target(%arg12 : memref<256x128xf32, #tpu.memory_space<vmem>>) offsets(%arg10 : memref<256xi32, #tpu.memory_space<vmem>>) semaphore(%arg14 : memref<!tpu.dma_semaphore, #tpu.memory_space<semaphore_mem>>)
        %dma_wait3A = arith.constant 0 : i32
        %dma_wait3A_46 = arith.constant 0 : i32
        %dma_wait3A_47 = tpu.memref_slice %arg2[%dma_wait3A, %dma_wait3A_46] : memref<10000x128xf32, #tpu.memory_space<hbm>> -> memref<10000x128xf32, #tpu.memory_space<hbm>>
        tpu.wait_indirect_dma semaphore(%arg14 : memref<!tpu.dma_semaphore, #tpu.memory_space<semaphore_mem>>) src(%dma_wait3A_47 : memref<10000x128xf32, #tpu.memory_space<hbm>>) dst(%arg12 : memref<256x128xf32, #tpu.memory_space<vmem>>)
        %lt3A = arith.constant 1250 : i32
        %lt3A_48 = arith.cmpi slt, %add3A, %lt3A : i32
        %convert_element_type3A_49 = arith.extui %lt3A_48 : i1 to i32
        %cond3A_50 = arith.constant 0 : i32
        %cond3A_51 = arith.cmpi ne, %convert_element_type3A_49, %cond3A_50 : i32
        scf.if %cond3A_51 {
          "tpu.region"() ({
            %run_scoped3A = tpu.sem_alloc : memref<!tpu.dma_semaphore, #tpu.memory_space<semaphore_mem>>
            %dma_start3A_53 = arith.constant 0 : i32
            %dma_start3A_54 = arith.constant 0 : i32
            %dma_start3A_55 = tpu.memref_slice %arg13[%dma_start3A_53, %dma_start3A_54] : memref<10000x128xf32, #tpu.memory_space<vmem_shared>> -> memref<10000x128xf32, #tpu.memory_space<vmem_shared>>
            tpu.enqueue_indirect_dma source(%arg12 : memref<256x128xf32, #tpu.memory_space<vmem>>) target(%dma_start3A_55 : memref<10000x128xf32, #tpu.memory_space<vmem_shared>>) offsets(%arg11 : memref<256xi32, #tpu.memory_space<vmem>>) semaphore(%run_scoped3A : memref<!tpu.dma_semaphore, #tpu.memory_space<semaphore_mem>>) {add = true}
            %dma_wait3A_56 = arith.constant 0 : i32
            %dma_wait3A_57 = arith.constant 0 : i32
            %dma_wait3A_58 = tpu.memref_slice %arg13[%dma_wait3A_56, %dma_wait3A_57] : memref<10000x128xf32, #tpu.memory_space<vmem_shared>> -> memref<10000x128xf32, #tpu.memory_space<vmem_shared>>
            tpu.wait_indirect_dma semaphore(%run_scoped3A : memref<!tpu.dma_semaphore, #tpu.memory_space<semaphore_mem>>) src(%arg12 : memref<256x128xf32, #tpu.memory_space<vmem>>) dst(%dma_wait3A_58 : memref<10000x128xf32, #tpu.memory_space<vmem_shared>>)
            tpu.yield
          }) : () -> ()
        } else {
        }
        %scan3A_52 = arith.constant 0 : i32
        scf.yield %scan3A_52 : i32
      }
      %scan3A_38 = arith.constant 80 : i32
    } else {
    }
    %eq3A_16 = arith.constant 1 : i32
    %eq3A_17 = arith.cmpi eq, %arg0, %eq3A_16 : i32
    %convert_element_type3A_18 = arith.extui %eq3A_17 : i1 to i32
    %cond3A_19 = arith.constant 0 : i32
    %cond3A_20 = arith.cmpi ne, %convert_element_type3A_18, %cond3A_19 : i32
    scf.if %cond3A_20 {
      %scan3A_32 = arith.constant 0 : i32
      %scan3A_33 = arith.constant 0 : i32
      %scan3A_34 = arith.constant 80 : i32
      %scan3A_35 = arith.addi %scan3A_33, %scan3A_34 : i32
      %scan3A_36 = arith.constant 1 : i32
      %scan3A_37 = scf.for %scan3A_39 = %scan3A_33 to %scan3A_35 step %scan3A_36 iter_args(%scan3A_40 = %scan3A_32) -> (i32)  : i32 {
        %mul3A = arith.constant 80 : i32
        %mul3A_41 = arith.muli %arg1, %mul3A : i32
        %add3A = arith.addi %mul3A_41, %scan3A_39 : i32
        %mul3A_42 = arith.constant 256 : i32
        %mul3A_43 = arith.muli %add3A, %mul3A_42 : i32
        %multiple_of3A = tpu.assume_multiple %mul3A_43, 8 : i32
        "tpu.region"() ({
          %run_scoped3A = tpu.sem_alloc : memref<!tpu.dma_semaphore, #tpu.memory_space<semaphore_mem>>
          %dma_start3A_53 = tpu.memref_slice %arg6[%multiple_of3A] : memref<327680xi32, #tpu.memory_space<hbm>> -> memref<256xi32, #tpu.memory_space<hbm>>
          %dma_start3A_54 = tpu.memref_slice %arg6[%multiple_of3A] : memref<327680xi32, #tpu.memory_space<hbm>> -> memref<256xi32, #tpu.memory_space<hbm>>
          tpu.enqueue_dma source(%dma_start3A_54 : memref<256xi32, #tpu.memory_space<hbm>>) target(%arg10 : memref<256xi32, #tpu.memory_space<vmem>>) target_semaphore(%run_scoped3A : memref<!tpu.dma_semaphore, #tpu.memory_space<semaphore_mem>>)
          %dma_wait3A_55 = tpu.memref_slice %arg6[%multiple_of3A] : memref<327680xi32, #tpu.memory_space<hbm>> -> memref<256xi32, #tpu.memory_space<hbm>>
          %dma_wait3A_56 = tpu.memref_slice %arg6[%multiple_of3A] : memref<327680xi32, #tpu.memory_space<hbm>> -> memref<256xi32, #tpu.memory_space<hbm>>
          tpu.wait_dma2 semaphore(%run_scoped3A : memref<!tpu.dma_semaphore, #tpu.memory_space<semaphore_mem>>) src(%dma_wait3A_56 : memref<256xi32, #tpu.memory_space<hbm>>) dst(%arg10 : memref<256xi32, #tpu.memory_space<vmem>>)
          tpu.yield
        }) : () -> ()
        "tpu.region"() ({
          %run_scoped3A = tpu.sem_alloc : memref<!tpu.dma_semaphore, #tpu.memory_space<semaphore_mem>>
          %dma_start3A_53 = tpu.memref_slice %arg7[%multiple_of3A] : memref<327680xi32, #tpu.memory_space<hbm>> -> memref<256xi32, #tpu.memory_space<hbm>>
          %dma_start3A_54 = tpu.memref_slice %arg7[%multiple_of3A] : memref<327680xi32, #tpu.memory_space<hbm>> -> memref<256xi32, #tpu.memory_space<hbm>>
          tpu.enqueue_dma source(%dma_start3A_54 : memref<256xi32, #tpu.memory_space<hbm>>) target(%arg11 : memref<256xi32, #tpu.memory_space<vmem>>) target_semaphore(%run_scoped3A : memref<!tpu.dma_semaphore, #tpu.memory_space<semaphore_mem>>)
          %dma_wait3A_55 = tpu.memref_slice %arg7[%multiple_of3A] : memref<327680xi32, #tpu.memory_space<hbm>> -> memref<256xi32, #tpu.memory_space<hbm>>
          %dma_wait3A_56 = tpu.memref_slice %arg7[%multiple_of3A] : memref<327680xi32, #tpu.memory_space<hbm>> -> memref<256xi32, #tpu.memory_space<hbm>>
          tpu.wait_dma2 semaphore(%run_scoped3A : memref<!tpu.dma_semaphore, #tpu.memory_space<semaphore_mem>>) src(%dma_wait3A_56 : memref<256xi32, #tpu.memory_space<hbm>>) dst(%arg11 : memref<256xi32, #tpu.memory_space<vmem>>)
          tpu.yield
        }) : () -> ()
        %dma_start3A = arith.constant 0 : i32
        %dma_start3A_44 = arith.constant 0 : i32
        %dma_start3A_45 = tpu.memref_slice %arg3[%dma_start3A, %dma_start3A_44] : memref<10000x128xf32, #tpu.memory_space<hbm>> -> memref<10000x128xf32, #tpu.memory_space<hbm>>
        tpu.enqueue_indirect_dma source(%dma_start3A_45 : memref<10000x128xf32, #tpu.memory_space<hbm>>) target(%arg12 : memref<256x128xf32, #tpu.memory_space<vmem>>) offsets(%arg10 : memref<256xi32, #tpu.memory_space<vmem>>) semaphore(%arg14 : memref<!tpu.dma_semaphore, #tpu.memory_space<semaphore_mem>>)
        %dma_wait3A = arith.constant 0 : i32
        %dma_wait3A_46 = arith.constant 0 : i32
        %dma_wait3A_47 = tpu.memref_slice %arg3[%dma_wait3A, %dma_wait3A_46] : memref<10000x128xf32, #tpu.memory_space<hbm>> -> memref<10000x128xf32, #tpu.memory_space<hbm>>
        tpu.wait_indirect_dma semaphore(%arg14 : memref<!tpu.dma_semaphore, #tpu.memory_space<semaphore_mem>>) src(%dma_wait3A_47 : memref<10000x128xf32, #tpu.memory_space<hbm>>) dst(%arg12 : memref<256x128xf32, #tpu.memory_space<vmem>>)
        %lt3A = arith.constant 1250 : i32
        %lt3A_48 = arith.cmpi slt, %add3A, %lt3A : i32
        %convert_element_type3A_49 = arith.extui %lt3A_48 : i1 to i32
        %cond3A_50 = arith.constant 0 : i32
        %cond3A_51 = arith.cmpi ne, %convert_element_type3A_49, %cond3A_50 : i32
        scf.if %cond3A_51 {
          "tpu.region"() ({
            %run_scoped3A = tpu.sem_alloc : memref<!tpu.dma_semaphore, #tpu.memory_space<semaphore_mem>>
            %dma_start3A_53 = arith.constant 0 : i32
            %dma_start3A_54 = arith.constant 0 : i32
            %dma_start3A_55 = tpu.memref_slice %arg13[%dma_start3A_53, %dma_start3A_54] : memref<10000x128xf32, #tpu.memory_space<vmem_shared>> -> memref<10000x128xf32, #tpu.memory_space<vmem_shared>>
            tpu.enqueue_indirect_dma source(%arg12 : memref<256x128xf32, #tpu.memory_space<vmem>>) target(%dma_start3A_55 : memref<10000x128xf32, #tpu.memory_space<vmem_shared>>) offsets(%arg11 : memref<256xi32, #tpu.memory_space<vmem>>) semaphore(%run_scoped3A : memref<!tpu.dma_semaphore, #tpu.memory_space<semaphore_mem>>) {add = true}
            %dma_wait3A_56 = arith.constant 0 : i32
            %dma_wait3A_57 = arith.constant 0 : i32
            %dma_wait3A_58 = tpu.memref_slice %arg13[%dma_wait3A_56, %dma_wait3A_57] : memref<10000x128xf32, #tpu.memory_space<vmem_shared>> -> memref<10000x128xf32, #tpu.memory_space<vmem_shared>>
            tpu.wait_indirect_dma semaphore(%run_scoped3A : memref<!tpu.dma_semaphore, #tpu.memory_space<semaphore_mem>>) src(%arg12 : memref<256x128xf32, #tpu.memory_space<vmem>>) dst(%dma_wait3A_58 : memref<10000x128xf32, #tpu.memory_space<vmem_shared>>)
            tpu.yield
          }) : () -> ()
        } else {
        }
        %scan3A_52 = arith.constant 0 : i32
        scf.yield %scan3A_52 : i32
      }
      %scan3A_38 = arith.constant 80 : i32
    } else {
    }
    %barrier3A_21 = arith.constant 0 : index
    tpu.barrier barrier_id(%barrier3A_21)
    %eq3A_22 = arith.constant 0 : i32
    %eq3A_23 = arith.cmpi eq, %arg0, %eq3A_22 : i32
    %convert_element_type3A_24 = arith.extui %eq3A_23 : i1 to i32
    %cond3A_25 = arith.constant 0 : i32
    %cond3A_26 = arith.cmpi ne, %convert_element_type3A_24, %cond3A_25 : i32
    scf.if %cond3A_26 {
      %scan3A_32 = arith.constant 0 : i32
      %scan3A_33 = arith.constant 0 : i32
      %scan3A_34 = arith.constant 8 : i32
      %scan3A_35 = arith.addi %scan3A_33, %scan3A_34 : i32
      %scan3A_36 = arith.constant 1 : i32
      %scan3A_37 = scf.for %scan3A_39 = %scan3A_33 to %scan3A_35 step %scan3A_36 iter_args(%scan3A_40 = %scan3A_32) -> (i32)  : i32 {
        %mul3A = arith.constant 16 : i32
        %mul3A_41 = arith.muli %mul3A, %scan3A_39 : i32
        %add3A = arith.addi %arg1, %mul3A_41 : i32
        %lt3A = arith.constant 125 : i32
        %lt3A_42 = arith.cmpi slt, %add3A, %lt3A : i32
        %convert_element_type3A_43 = arith.extui %lt3A_42 : i1 to i32
        %cond3A_44 = arith.constant 0 : i32
        %cond3A_45 = arith.cmpi ne, %convert_element_type3A_43, %cond3A_44 : i32
        scf.if %cond3A_45 {
          %mul3A_47 = arith.constant 80 : i32
          %mul3A_48 = arith.muli %add3A, %mul3A_47 : i32
          %multiple_of3A = tpu.assume_multiple %mul3A_48, 8 : i32
          "tpu.region"() ({
            %run_scoped3A = tpu.sem_alloc : memref<!tpu.dma_semaphore, #tpu.memory_space<semaphore_mem>>
            %dma_start3A = arith.constant 0 : i32
            %dma_start3A_49 = arith.constant 0 : i32
            %dma_start3A_50 = tpu.memref_slice %arg12[%dma_start3A, %dma_start3A_49] : memref<256x128xf32, #tpu.memory_space<vmem>> -> memref<80x128xf32, #tpu.memory_space<vmem>>
            %dma_start3A_51 = arith.constant 0 : i32
            %dma_start3A_52 = tpu.memref_slice %arg13[%multiple_of3A, %dma_start3A_51] : memref<10000x128xf32, #tpu.memory_space<vmem_shared>> -> memref<80x128xf32, #tpu.memory_space<vmem_shared>>
            %dma_start3A_53 = arith.constant 0 : i32
            %dma_start3A_54 = arith.constant 0 : i32
            %dma_start3A_55 = tpu.memref_slice %arg12[%dma_start3A_53, %dma_start3A_54] : memref<256x128xf32, #tpu.memory_space<vmem>> -> memref<80x128xf32, #tpu.memory_space<vmem>>
            %dma_start3A_56 = arith.constant 0 : i32
            %dma_start3A_57 = tpu.memref_slice %arg13[%multiple_of3A, %dma_start3A_56] : memref<10000x128xf32, #tpu.memory_space<vmem_shared>> -> memref<80x128xf32, #tpu.memory_space<vmem_shared>>
            tpu.enqueue_dma source(%dma_start3A_57 : memref<80x128xf32, #tpu.memory_space<vmem_shared>>) target(%dma_start3A_55 : memref<80x128xf32, #tpu.memory_space<vmem>>) target_semaphore(%run_scoped3A : memref<!tpu.dma_semaphore, #tpu.memory_space<semaphore_mem>>)
            %dma_wait3A = arith.constant 0 : i32
            %dma_wait3A_58 = arith.constant 0 : i32
            %dma_wait3A_59 = tpu.memref_slice %arg12[%dma_wait3A, %dma_wait3A_58] : memref<256x128xf32, #tpu.memory_space<vmem>> -> memref<80x128xf32, #tpu.memory_space<vmem>>
            %dma_wait3A_60 = arith.constant 0 : i32
            %dma_wait3A_61 = tpu.memref_slice %arg13[%multiple_of3A, %dma_wait3A_60] : memref<10000x128xf32, #tpu.memory_space<vmem_shared>> -> memref<80x128xf32, #tpu.memory_space<vmem_shared>>
            %dma_wait3A_62 = arith.constant 0 : i32
            %dma_wait3A_63 = arith.constant 0 : i32
            %dma_wait3A_64 = tpu.memref_slice %arg12[%dma_wait3A_62, %dma_wait3A_63] : memref<256x128xf32, #tpu.memory_space<vmem>> -> memref<80x128xf32, #tpu.memory_space<vmem>>
            %dma_wait3A_65 = arith.constant 0 : i32
            %dma_wait3A_66 = tpu.memref_slice %arg13[%multiple_of3A, %dma_wait3A_65] : memref<10000x128xf32, #tpu.memory_space<vmem_shared>> -> memref<80x128xf32, #tpu.memory_space<vmem_shared>>
            tpu.wait_dma2 semaphore(%run_scoped3A : memref<!tpu.dma_semaphore, #tpu.memory_space<semaphore_mem>>) src(%dma_wait3A_66 : memref<80x128xf32, #tpu.memory_space<vmem_shared>>) dst(%dma_wait3A_64 : memref<80x128xf32, #tpu.memory_space<vmem>>)
            tpu.yield
          }) : () -> ()
          "tpu.region"() ({
            %run_scoped3A = tpu.sem_alloc : memref<!tpu.dma_semaphore, #tpu.memory_space<semaphore_mem>>
            %dma_start3A = arith.constant 0 : i32
            %dma_start3A_49 = arith.constant 0 : i32
            %dma_start3A_50 = tpu.memref_slice %arg12[%dma_start3A, %dma_start3A_49] : memref<256x128xf32, #tpu.memory_space<vmem>> -> memref<80x128xf32, #tpu.memory_space<vmem>>
            %dma_start3A_51 = arith.constant 0 : i32
            %dma_start3A_52 = tpu.memref_slice %arg8[%multiple_of3A, %dma_start3A_51] : memref<10000x128xf32, #tpu.memory_space<hbm>> -> memref<80x128xf32, #tpu.memory_space<hbm>>
            %dma_start3A_53 = arith.constant 0 : i32
            %dma_start3A_54 = tpu.memref_slice %arg8[%multiple_of3A, %dma_start3A_53] : memref<10000x128xf32, #tpu.memory_space<hbm>> -> memref<80x128xf32, #tpu.memory_space<hbm>>
            %dma_start3A_55 = arith.constant 0 : i32
            %dma_start3A_56 = arith.constant 0 : i32
            %dma_start3A_57 = tpu.memref_slice %arg12[%dma_start3A_55, %dma_start3A_56] : memref<256x128xf32, #tpu.memory_space<vmem>> -> memref<80x128xf32, #tpu.memory_space<vmem>>
            tpu.enqueue_dma source(%dma_start3A_57 : memref<80x128xf32, #tpu.memory_space<vmem>>) target(%dma_start3A_54 : memref<80x128xf32, #tpu.memory_space<hbm>>) target_semaphore(%run_scoped3A : memref<!tpu.dma_semaphore, #tpu.memory_space<semaphore_mem>>)
            %dma_wait3A = arith.constant 0 : i32
            %dma_wait3A_58 = arith.constant 0 : i32
            %dma_wait3A_59 = tpu.memref_slice %arg12[%dma_wait3A, %dma_wait3A_58] : memref<256x128xf32, #tpu.memory_space<vmem>> -> memref<80x128xf32, #tpu.memory_space<vmem>>
            %dma_wait3A_60 = arith.constant 0 : i32
            %dma_wait3A_61 = tpu.memref_slice %arg8[%multiple_of3A, %dma_wait3A_60] : memref<10000x128xf32, #tpu.memory_space<hbm>> -> memref<80x128xf32, #tpu.memory_space<hbm>>
            %dma_wait3A_62 = arith.constant 0 : i32
            %dma_wait3A_63 = tpu.memref_slice %arg8[%multiple_of3A, %dma_wait3A_62] : memref<10000x128xf32, #tpu.memory_space<hbm>> -> memref<80x128xf32, #tpu.memory_space<hbm>>
            %dma_wait3A_64 = arith.constant 0 : i32
            %dma_wait3A_65 = arith.constant 0 : i32
            %dma_wait3A_66 = tpu.memref_slice %arg12[%dma_wait3A_64, %dma_wait3A_65] : memref<256x128xf32, #tpu.memory_space<vmem>> -> memref<80x128xf32, #tpu.memory_space<vmem>>
            tpu.wait_dma2 semaphore(%run_scoped3A : memref<!tpu.dma_semaphore, #tpu.memory_space<semaphore_mem>>) src(%dma_wait3A_66 : memref<80x128xf32, #tpu.memory_space<vmem>>) dst(%dma_wait3A_63 : memref<80x128xf32, #tpu.memory_space<hbm>>)
            tpu.yield
          }) : () -> ()
        } else {
        }
        %scan3A_46 = arith.constant 0 : i32
        scf.yield %scan3A_46 : i32
      }
      %scan3A_38 = arith.constant 8 : i32
    } else {
    }
    %eq3A_27 = arith.constant 1 : i32
    %eq3A_28 = arith.cmpi eq, %arg0, %eq3A_27 : i32
    %convert_element_type3A_29 = arith.extui %eq3A_28 : i1 to i32
    %cond3A_30 = arith.constant 0 : i32
    %cond3A_31 = arith.cmpi ne, %convert_element_type3A_29, %cond3A_30 : i32
    scf.if %cond3A_31 {
      %scan3A_32 = arith.constant 0 : i32
      %scan3A_33 = arith.constant 0 : i32
      %scan3A_34 = arith.constant 8 : i32
      %scan3A_35 = arith.addi %scan3A_33, %scan3A_34 : i32
      %scan3A_36 = arith.constant 1 : i32
      %scan3A_37 = scf.for %scan3A_39 = %scan3A_33 to %scan3A_35 step %scan3A_36 iter_args(%scan3A_40 = %scan3A_32) -> (i32)  : i32 {
        %mul3A = arith.constant 16 : i32
        %mul3A_41 = arith.muli %mul3A, %scan3A_39 : i32
        %add3A = arith.addi %arg1, %mul3A_41 : i32
        %lt3A = arith.constant 125 : i32
        %lt3A_42 = arith.cmpi slt, %add3A, %lt3A : i32
        %convert_element_type3A_43 = arith.extui %lt3A_42 : i1 to i32
        %cond3A_44 = arith.constant 0 : i32
        %cond3A_45 = arith.cmpi ne, %convert_element_type3A_43, %cond3A_44 : i32
        scf.if %cond3A_45 {
          %mul3A_47 = arith.constant 80 : i32
          %mul3A_48 = arith.muli %add3A, %mul3A_47 : i32
          %multiple_of3A = tpu.assume_multiple %mul3A_48, 8 : i32
          "tpu.region"() ({
            %run_scoped3A = tpu.sem_alloc : memref<!tpu.dma_semaphore, #tpu.memory_space<semaphore_mem>>
            %dma_start3A = arith.constant 0 : i32
            %dma_start3A_49 = arith.constant 0 : i32
            %dma_start3A_50 = tpu.memref_slice %arg12[%dma_start3A, %dma_start3A_49] : memref<256x128xf32, #tpu.memory_space<vmem>> -> memref<80x128xf32, #tpu.memory_space<vmem>>
            %dma_start3A_51 = arith.constant 0 : i32
            %dma_start3A_52 = tpu.memref_slice %arg13[%multiple_of3A, %dma_start3A_51] : memref<10000x128xf32, #tpu.memory_space<vmem_shared>> -> memref<80x128xf32, #tpu.memory_space<vmem_shared>>
            %dma_start3A_53 = arith.constant 0 : i32
            %dma_start3A_54 = arith.constant 0 : i32
            %dma_start3A_55 = tpu.memref_slice %arg12[%dma_start3A_53, %dma_start3A_54] : memref<256x128xf32, #tpu.memory_space<vmem>> -> memref<80x128xf32, #tpu.memory_space<vmem>>
            %dma_start3A_56 = arith.constant 0 : i32
            %dma_start3A_57 = tpu.memref_slice %arg13[%multiple_of3A, %dma_start3A_56] : memref<10000x128xf32, #tpu.memory_space<vmem_shared>> -> memref<80x128xf32, #tpu.memory_space<vmem_shared>>
            tpu.enqueue_dma source(%dma_start3A_57 : memref<80x128xf32, #tpu.memory_space<vmem_shared>>) target(%dma_start3A_55 : memref<80x128xf32, #tpu.memory_space<vmem>>) target_semaphore(%run_scoped3A : memref<!tpu.dma_semaphore, #tpu.memory_space<semaphore_mem>>)
            %dma_wait3A = arith.constant 0 : i32
            %dma_wait3A_58 = arith.constant 0 : i32
            %dma_wait3A_59 = tpu.memref_slice %arg12[%dma_wait3A, %dma_wait3A_58] : memref<256x128xf32, #tpu.memory_space<vmem>> -> memref<80x128xf32, #tpu.memory_space<vmem>>
            %dma_wait3A_60 = arith.constant 0 : i32
            %dma_wait3A_61 = tpu.memref_slice %arg13[%multiple_of3A, %dma_wait3A_60] : memref<10000x128xf32, #tpu.memory_space<vmem_shared>> -> memref<80x128xf32, #tpu.memory_space<vmem_shared>>
            %dma_wait3A_62 = arith.constant 0 : i32
            %dma_wait3A_63 = arith.constant 0 : i32
            %dma_wait3A_64 = tpu.memref_slice %arg12[%dma_wait3A_62, %dma_wait3A_63] : memref<256x128xf32, #tpu.memory_space<vmem>> -> memref<80x128xf32, #tpu.memory_space<vmem>>
            %dma_wait3A_65 = arith.constant 0 : i32
            %dma_wait3A_66 = tpu.memref_slice %arg13[%multiple_of3A, %dma_wait3A_65] : memref<10000x128xf32, #tpu.memory_space<vmem_shared>> -> memref<80x128xf32, #tpu.memory_space<vmem_shared>>
            tpu.wait_dma2 semaphore(%run_scoped3A : memref<!tpu.dma_semaphore, #tpu.memory_space<semaphore_mem>>) src(%dma_wait3A_66 : memref<80x128xf32, #tpu.memory_space<vmem_shared>>) dst(%dma_wait3A_64 : memref<80x128xf32, #tpu.memory_space<vmem>>)
            tpu.yield
          }) : () -> ()
          "tpu.region"() ({
            %run_scoped3A = tpu.sem_alloc : memref<!tpu.dma_semaphore, #tpu.memory_space<semaphore_mem>>
            %dma_start3A = arith.constant 0 : i32
            %dma_start3A_49 = arith.constant 0 : i32
            %dma_start3A_50 = tpu.memref_slice %arg12[%dma_start3A, %dma_start3A_49] : memref<256x128xf32, #tpu.memory_space<vmem>> -> memref<80x128xf32, #tpu.memory_space<vmem>>
            %dma_start3A_51 = arith.constant 0 : i32
            %dma_start3A_52 = tpu.memref_slice %arg9[%multiple_of3A, %dma_start3A_51] : memref<10000x128xf32, #tpu.memory_space<hbm>> -> memref<80x128xf32, #tpu.memory_space<hbm>>
            %dma_start3A_53 = arith.constant 0 : i32
            %dma_start3A_54 = tpu.memref_slice %arg9[%multiple_of3A, %dma_start3A_53] : memref<10000x128xf32, #tpu.memory_space<hbm>> -> memref<80x128xf32, #tpu.memory_space<hbm>>
            %dma_start3A_55 = arith.constant 0 : i32
            %dma_start3A_56 = arith.constant 0 : i32
            %dma_start3A_57 = tpu.memref_slice %arg12[%dma_start3A_55, %dma_start3A_56] : memref<256x128xf32, #tpu.memory_space<vmem>> -> memref<80x128xf32, #tpu.memory_space<vmem>>
            tpu.enqueue_dma source(%dma_start3A_57 : memref<80x128xf32, #tpu.memory_space<vmem>>) target(%dma_start3A_54 : memref<80x128xf32, #tpu.memory_space<hbm>>) target_semaphore(%run_scoped3A : memref<!tpu.dma_semaphore, #tpu.memory_space<semaphore_mem>>)
            %dma_wait3A = arith.constant 0 : i32
            %dma_wait3A_58 = arith.constant 0 : i32
            %dma_wait3A_59 = tpu.memref_slice %arg12[%dma_wait3A, %dma_wait3A_58] : memref<256x128xf32, #tpu.memory_space<vmem>> -> memref<80x128xf32, #tpu.memory_space<vmem>>
            %dma_wait3A_60 = arith.constant 0 : i32
            %dma_wait3A_61 = tpu.memref_slice %arg9[%multiple_of3A, %dma_wait3A_60] : memref<10000x128xf32, #tpu.memory_space<hbm>> -> memref<80x128xf32, #tpu.memory_space<hbm>>
            %dma_wait3A_62 = arith.constant 0 : i32
            %dma_wait3A_63 = tpu.memref_slice %arg9[%multiple_of3A, %dma_wait3A_62] : memref<10000x128xf32, #tpu.memory_space<hbm>> -> memref<80x128xf32, #tpu.memory_space<hbm>>
            %dma_wait3A_64 = arith.constant 0 : i32
            %dma_wait3A_65 = arith.constant 0 : i32
            %dma_wait3A_66 = tpu.memref_slice %arg12[%dma_wait3A_64, %dma_wait3A_65] : memref<256x128xf32, #tpu.memory_space<vmem>> -> memref<80x128xf32, #tpu.memory_space<vmem>>
            tpu.wait_dma2 semaphore(%run_scoped3A : memref<!tpu.dma_semaphore, #tpu.memory_space<semaphore_mem>>) src(%dma_wait3A_66 : memref<80x128xf32, #tpu.memory_space<vmem>>) dst(%dma_wait3A_63 : memref<80x128xf32, #tpu.memory_space<hbm>>)
            tpu.yield
          }) : () -> ()
        } else {
        }
        %scan3A_46 = arith.constant 0 : i32
        scf.yield %scan3A_46 : i32
      }
      %scan3A_38 = arith.constant 8 : i32
    } else {
    }
    return
  }
}

module attributes {stable_mosaic.version = 14 : i64} {
  func.func @_tc_pre_body(%arg0: i32, %arg1: memref<1000x128xf32, #tpu.memory_space<vmem>>, %arg2: memref<1000x1xf32, #tpu.memory_space<vmem>>, %arg3: memref<1000x1xf32, #tpu.memory_space<vmem>>, %arg4: memref<128x128xf32, #tpu.memory_space<vmem>>, %arg5: memref<128x128xf32, #tpu.memory_space<vmem>>, %arg6: memref<1000x128xf32, #tpu.memory_space<vmem>>, %arg7: memref<1000x128xf32, #tpu.memory_space<vmem>>, %arg8: memref<1000x1xf32, #tpu.memory_space<vmem>>, %arg9: memref<1000x1xf32, #tpu.memory_space<vmem>>) attributes {dimension_semantics = [#tpu.dimension_semantics<arbitrary>], iteration_bounds = array<i64: 10>, scalar_prefetch = 0 : i64, scratch_operands = 0 : i64, tpu.core_type = #tpu.core_type<tc>, window_params = [{transform_indices = @transform_0, window_bounds = array<i64: 1000, 128>}, {transform_indices = @transform_1, window_bounds = array<i64: 1000, 1>}, {transform_indices = @transform_2, window_bounds = array<i64: 1000, 1>}, {pipeline_mode = #tpu.pipeline_mode<synchronous>, transform_indices = @transform_3, window_bounds = array<i64: 128, 128>}, {pipeline_mode = #tpu.pipeline_mode<synchronous>, transform_indices = @transform_4, window_bounds = array<i64: 128, 128>}, {transform_indices = @transform_5, window_bounds = array<i64: 1000, 128>}, {transform_indices = @transform_6, window_bounds = array<i64: 1000, 128>}, {transform_indices = @transform_7, window_bounds = array<i64: 1000, 1>}, {transform_indices = @transform_8, window_bounds = array<i64: 1000, 1>}]} {
    %get3A = arith.constant 0 : index
    %get3A_0 = arith.constant 0 : index
    %get3A_1 = vector.load %arg1[%get3A, %get3A_0] : memref<1000x128xf32, #tpu.memory_space<vmem>>, vector<1000x128xf32>
    %get3A_2 = arith.constant 0 : index
    %get3A_3 = arith.constant 0 : index
    %get3A_4 = vector.load %arg2[%get3A_2, %get3A_3] : memref<1000x1xf32, #tpu.memory_space<vmem>>, vector<1000x1xf32>
    %add3A = arith.constant 1.000000e+00 : f32
    %add3A_5 = vector.broadcast %add3A : f32 to vector<1000x1xf32>
    %add3A_6 = arith.addf %get3A_4, %add3A_5 : vector<1000x1xf32>
    %rsqrt3A = math.rsqrt %add3A_6 : vector<1000x1xf32>
    %get3A_7 = arith.constant 0 : index
    %get3A_8 = arith.constant 0 : index
    %get3A_9 = vector.load %arg3[%get3A_7, %get3A_8] : memref<1000x1xf32, #tpu.memory_space<vmem>>, vector<1000x1xf32>
    %add3A_10 = arith.constant 1.000000e+00 : f32
    %add3A_11 = vector.broadcast %add3A_10 : f32 to vector<1000x1xf32>
    %add3A_12 = arith.addf %get3A_9, %add3A_11 : vector<1000x1xf32>
    %rsqrt3A_13 = math.rsqrt %add3A_12 : vector<1000x1xf32>
    %swap3A = arith.constant 0 : index
    %swap3A_14 = arith.constant 0 : index
    %swap3A_15 = vector.load %arg8[%swap3A, %swap3A_14] : memref<1000x1xf32, #tpu.memory_space<vmem>>, vector<1000x1xf32>
    tpu.vector_store %arg8[%swap3A, %swap3A_14], %rsqrt3A {strides = array<i32>} : memref<1000x1xf32, #tpu.memory_space<vmem>>, vector<1000x1xf32>,
    %swap3A_16 = arith.constant 0 : index
    %swap3A_17 = arith.constant 0 : index
    %swap3A_18 = vector.load %arg9[%swap3A_16, %swap3A_17] : memref<1000x1xf32, #tpu.memory_space<vmem>>, vector<1000x1xf32>
    tpu.vector_store %arg9[%swap3A_16, %swap3A_17], %rsqrt3A_13 {strides = array<i32>} : memref<1000x1xf32, #tpu.memory_space<vmem>>, vector<1000x1xf32>,
    %get3A_19 = arith.constant 0 : index
    %get3A_20 = arith.constant 0 : index
    %get3A_21 = vector.load %arg4[%get3A_19, %get3A_20] : memref<128x128xf32, #tpu.memory_space<vmem>>, vector<128x128xf32>
    %dot_general3A = arith.constant dense<0.000000e+00> : vector<1000x128xf32>
    %dot_general3A_22 = tpu.matmul %get3A_1, %get3A_21, %dot_general3A {dimension_numbers = #tpu.dot_dimension_numbers<[1], [1], [0], [0], [0, 0, 1, 0], [], []>, transpose_lhs_hint = false} : vector<1000x128xf32>, vector<128x128xf32>, vector<1000x128xf32> -> vector<1000x128xf32>
    %mul3A = vector.broadcast %rsqrt3A : vector<1000x1xf32> to vector<1000x128xf32>
    %mul3A_23 = arith.mulf %dot_general3A_22, %mul3A : vector<1000x128xf32>
    %swap3A_24 = arith.constant 0 : index
    %swap3A_25 = arith.constant 0 : index
    %swap3A_26 = vector.load %arg6[%swap3A_24, %swap3A_25] : memref<1000x128xf32, #tpu.memory_space<vmem>>, vector<1000x128xf32>
    tpu.vector_store %arg6[%swap3A_24, %swap3A_25], %mul3A_23 {strides = array<i32>} : memref<1000x128xf32, #tpu.memory_space<vmem>>, vector<1000x128xf32>,
    %get3A_27 = arith.constant 0 : index
    %get3A_28 = arith.constant 0 : index
    %get3A_29 = vector.load %arg5[%get3A_27, %get3A_28] : memref<128x128xf32, #tpu.memory_space<vmem>>, vector<128x128xf32>
    %dot_general3A_30 = arith.constant dense<0.000000e+00> : vector<1000x128xf32>
    %dot_general3A_31 = tpu.matmul %get3A_1, %get3A_29, %dot_general3A_30 {dimension_numbers = #tpu.dot_dimension_numbers<[1], [1], [0], [0], [0, 0, 1, 0], [], []>, transpose_lhs_hint = false} : vector<1000x128xf32>, vector<128x128xf32>, vector<1000x128xf32> -> vector<1000x128xf32>
    %mul3A_32 = vector.broadcast %rsqrt3A_13 : vector<1000x1xf32> to vector<1000x128xf32>
    %mul3A_33 = arith.mulf %dot_general3A_31, %mul3A_32 : vector<1000x128xf32>
    %swap3A_34 = arith.constant 0 : index
    %swap3A_35 = arith.constant 0 : index
    %swap3A_36 = vector.load %arg7[%swap3A_34, %swap3A_35] : memref<1000x128xf32, #tpu.memory_space<vmem>>, vector<1000x128xf32>
    tpu.vector_store %arg7[%swap3A_34, %swap3A_35], %mul3A_33 {strides = array<i32>} : memref<1000x128xf32, #tpu.memory_space<vmem>>, vector<1000x128xf32>,
    return
  }
  func.func @transform_0(%arg0: i32) -> (i32, i32) {
    %c0_i32 = arith.constant 0 : i32
    %c0_i32_0 = arith.constant 0 : i32
    return %arg0, %c0_i32 : i32, i32
  }
  func.func @transform_1(%arg0: i32) -> (i32, i32) {
    %c0_i32 = arith.constant 0 : i32
    %c0_i32_0 = arith.constant 0 : i32
    return %arg0, %c0_i32 : i32, i32
  }
  func.func @transform_2(%arg0: i32) -> (i32, i32) {
    %c0_i32 = arith.constant 0 : i32
    %c0_i32_0 = arith.constant 0 : i32
    return %arg0, %c0_i32 : i32, i32
  }
  func.func @transform_3(%arg0: i32) -> (i32, i32) {
    %c0_i32 = arith.constant 0 : i32
    %c0_i32_0 = arith.constant 0 : i32
    %c0_i32_1 = arith.constant 0 : i32
    return %c0_i32, %c0_i32_0 : i32, i32
  }
  func.func @transform_4(%arg0: i32) -> (i32, i32) {
    %c0_i32 = arith.constant 0 : i32
    %c0_i32_0 = arith.constant 0 : i32
    %c0_i32_1 = arith.constant 0 : i32
    return %c0_i32, %c0_i32_0 : i32, i32
  }
  func.func @transform_5(%arg0: i32) -> (i32, i32) {
    %c0_i32 = arith.constant 0 : i32
    %c0_i32_0 = arith.constant 0 : i32
    return %arg0, %c0_i32 : i32, i32
  }
  func.func @transform_6(%arg0: i32) -> (i32, i32) {
    %c0_i32 = arith.constant 0 : i32
    %c0_i32_0 = arith.constant 0 : i32
    return %arg0, %c0_i32 : i32, i32
  }
  func.func @transform_7(%arg0: i32) -> (i32, i32) {
    %c0_i32 = arith.constant 0 : i32
    %c0_i32_0 = arith.constant 0 : i32
    return %arg0, %c0_i32 : i32, i32
  }
  func.func @transform_8(%arg0: i32) -> (i32, i32) {
    %c0_i32 = arith.constant 0 : i32
    %c0_i32_0 = arith.constant 0 : i32
    return %arg0, %c0_i32 : i32, i32
  }
}

module attributes {stable_mosaic.version = 14 : i64} {
  func.func @_tc_mid_body(%arg0: i32, %arg1: memref<1000x128xf32, #tpu.memory_space<vmem>>, %arg2: memref<1000x128xf32, #tpu.memory_space<vmem>>, %arg3: memref<1000x128xf32, #tpu.memory_space<vmem>>, %arg4: memref<1000x128xf32, #tpu.memory_space<vmem>>, %arg5: memref<1000x1xf32, #tpu.memory_space<vmem>>, %arg6: memref<1000x1xf32, #tpu.memory_space<vmem>>, %arg7: memref<1x128xf32, #tpu.memory_space<vmem>>, %arg8: memref<1x128xf32, #tpu.memory_space<vmem>>, %arg9: memref<128x128xf32, #tpu.memory_space<vmem>>, %arg10: memref<1x128xf32, #tpu.memory_space<vmem>>, %arg11: memref<1x128xf32, #tpu.memory_space<vmem>>, %arg12: memref<128x128xf32, #tpu.memory_space<vmem>>, %arg13: memref<128x128xf32, #tpu.memory_space<vmem>>, %arg14: memref<1000x128xf32, #tpu.memory_space<vmem>>, %arg15: memref<1000x128xf32, #tpu.memory_space<vmem>>) attributes {dimension_semantics = [#tpu.dimension_semantics<arbitrary>], iteration_bounds = array<i64: 10>, scalar_prefetch = 0 : i64, scratch_operands = 0 : i64, tpu.core_type = #tpu.core_type<tc>, window_params = [{transform_indices = @transform_0, window_bounds = array<i64: 1000, 128>}, {transform_indices = @transform_1, window_bounds = array<i64: 1000, 128>}, {transform_indices = @transform_2, window_bounds = array<i64: 1000, 128>}, {transform_indices = @transform_3, window_bounds = array<i64: 1000, 128>}, {transform_indices = @transform_4, window_bounds = array<i64: 1000, 1>}, {transform_indices = @transform_5, window_bounds = array<i64: 1000, 1>}, {pipeline_mode = #tpu.pipeline_mode<synchronous>, transform_indices = @transform_6, window_bounds = array<i64: 1, 128>}, {pipeline_mode = #tpu.pipeline_mode<synchronous>, transform_indices = @transform_7, window_bounds = array<i64: 1, 128>}, {pipeline_mode = #tpu.pipeline_mode<synchronous>, transform_indices = @transform_8, window_bounds = array<i64: 128, 128>}, {pipeline_mode = #tpu.pipeline_mode<synchronous>, transform_indices = @transform_9, window_bounds = array<i64: 1, 128>}, {pipeline_mode = #tpu.pipeline_mode<synchronous>, transform_indices = @transform_10, window_bounds = array<i64: 1, 128>}, {pipeline_mode = #tpu.pipeline_mode<synchronous>, transform_indices = @transform_11, window_bounds = array<i64: 128, 128>}, {pipeline_mode = #tpu.pipeline_mode<synchronous>, transform_indices = @transform_12, window_bounds = array<i64: 128, 128>}, {transform_indices = @transform_13, window_bounds = array<i64: 1000, 128>}, {transform_indices = @transform_14, window_bounds = array<i64: 1000, 128>}]} {
    %get3A = arith.constant 0 : index
    %get3A_0 = arith.constant 0 : index
    %get3A_1 = vector.load %arg5[%get3A, %get3A_0] : memref<1000x1xf32, #tpu.memory_space<vmem>>, vector<1000x1xf32>
    %get3A_2 = arith.constant 0 : index
    %get3A_3 = arith.constant 0 : index
    %get3A_4 = vector.load %arg6[%get3A_2, %get3A_3] : memref<1000x1xf32, #tpu.memory_space<vmem>>, vector<1000x1xf32>
    %get3A_5 = arith.constant 0 : index
    %get3A_6 = arith.constant 0 : index
    %get3A_7 = vector.load %arg1[%get3A_5, %get3A_6] : memref<1000x128xf32, #tpu.memory_space<vmem>>, vector<1000x128xf32>
    %get3A_8 = arith.constant 0 : index
    %get3A_9 = arith.constant 0 : index
    %get3A_10 = vector.load %arg3[%get3A_8, %get3A_9] : memref<1000x128xf32, #tpu.memory_space<vmem>>, vector<1000x128xf32>
    %add3A = arith.addf %get3A_7, %get3A_10 : vector<1000x128xf32>
    %mul3A = vector.broadcast %get3A_1 : vector<1000x1xf32> to vector<1000x128xf32>
    %mul3A_11 = arith.mulf %add3A, %mul3A : vector<1000x128xf32>
    %get3A_12 = arith.constant 0 : index
    %get3A_13 = arith.constant 0 : index
    %get3A_14 = vector.load %arg7[%get3A_12, %get3A_13] : memref<1x128xf32, #tpu.memory_space<vmem>>, vector<1x128xf32>
    %add3A_15 = vector.broadcast %get3A_14 : vector<1x128xf32> to vector<1000x128xf32>
    %add3A_16 = arith.addf %mul3A_11, %add3A_15 : vector<1000x128xf32>
    %get3A_17 = arith.constant 0 : index
    %get3A_18 = arith.constant 0 : index
    %get3A_19 = vector.load %arg2[%get3A_17, %get3A_18] : memref<1000x128xf32, #tpu.memory_space<vmem>>, vector<1000x128xf32>
    %get3A_20 = arith.constant 0 : index
    %get3A_21 = arith.constant 0 : index
    %get3A_22 = vector.load %arg4[%get3A_20, %get3A_21] : memref<1000x128xf32, #tpu.memory_space<vmem>>, vector<1000x128xf32>
    %add3A_23 = arith.addf %get3A_19, %get3A_22 : vector<1000x128xf32>
    %mul3A_24 = vector.broadcast %get3A_4 : vector<1000x1xf32> to vector<1000x128xf32>
    %mul3A_25 = arith.mulf %add3A_23, %mul3A_24 : vector<1000x128xf32>
    %get3A_26 = arith.constant 0 : index
    %get3A_27 = arith.constant 0 : index
    %get3A_28 = vector.load %arg8[%get3A_26, %get3A_27] : memref<1x128xf32, #tpu.memory_space<vmem>>, vector<1x128xf32>
    %add3A_29 = vector.broadcast %get3A_28 : vector<1x128xf32> to vector<1000x128xf32>
    %add3A_30 = arith.addf %mul3A_25, %add3A_29 : vector<1000x128xf32>
    %get3A_31 = arith.constant 0 : index
    %get3A_32 = arith.constant 0 : index
    %get3A_33 = vector.load %arg9[%get3A_31, %get3A_32] : memref<128x128xf32, #tpu.memory_space<vmem>>, vector<128x128xf32>
    %get3A_34 = arith.constant 0 : index
    %get3A_35 = arith.constant 0 : index
    %get3A_36 = vector.load %arg10[%get3A_34, %get3A_35] : memref<1x128xf32, #tpu.memory_space<vmem>>, vector<1x128xf32>
    %get3A_37 = arith.constant 0 : index
    %get3A_38 = arith.constant 0 : index
    %get3A_39 = vector.load %arg11[%get3A_37, %get3A_38] : memref<1x128xf32, #tpu.memory_space<vmem>>, vector<1x128xf32>
    %dot_general3A = arith.constant dense<0.000000e+00> : vector<1000x128xf32>
    %dot_general3A_40 = tpu.matmul %add3A_16, %get3A_33, %dot_general3A {dimension_numbers = #tpu.dot_dimension_numbers<[1], [1], [0], [0], [0, 0, 1, 0], [], []>, transpose_lhs_hint = false} : vector<1000x128xf32>, vector<128x128xf32>, vector<1000x128xf32> -> vector<1000x128xf32>
    %add3A_41 = vector.broadcast %get3A_36 : vector<1x128xf32> to vector<1000x128xf32>
    %add3A_42 = arith.addf %dot_general3A_40, %add3A_41 : vector<1000x128xf32>
    %tanh3A = math.tanh %add3A_42 : vector<1000x128xf32>
    %dot_general3A_43 = arith.constant dense<0.000000e+00> : vector<1000x128xf32>
    %dot_general3A_44 = tpu.matmul %add3A_30, %get3A_33, %dot_general3A_43 {dimension_numbers = #tpu.dot_dimension_numbers<[1], [1], [0], [0], [0, 0, 1, 0], [], []>, transpose_lhs_hint = false} : vector<1000x128xf32>, vector<128x128xf32>, vector<1000x128xf32> -> vector<1000x128xf32>
    %add3A_45 = vector.broadcast %get3A_36 : vector<1x128xf32> to vector<1000x128xf32>
    %add3A_46 = arith.addf %dot_general3A_44, %add3A_45 : vector<1000x128xf32>
    %tanh3A_47 = math.tanh %add3A_46 : vector<1000x128xf32>
    %dot_general3A_48 = arith.constant dense<0.000000e+00> : vector<1000x1xf32>
    %dot_general3A_49 = tpu.matmul %tanh3A, %get3A_39, %dot_general3A_48 {dimension_numbers = #tpu.dot_dimension_numbers<[1], [1], [0], [0], [0, 0, 1, 0], [], []>, transpose_lhs_hint = false} : vector<1000x128xf32>, vector<1x128xf32>, vector<1000x1xf32> -> vector<1000x1xf32>
    %dot_general3A_50 = arith.constant dense<0.000000e+00> : vector<1000x1xf32>
    %dot_general3A_51 = tpu.matmul %tanh3A_47, %get3A_39, %dot_general3A_50 {dimension_numbers = #tpu.dot_dimension_numbers<[1], [1], [0], [0], [0, 0, 1, 0], [], []>, transpose_lhs_hint = false} : vector<1000x128xf32>, vector<1x128xf32>, vector<1000x1xf32> -> vector<1000x1xf32>
    %max3A = arith.maximumf %dot_general3A_49, %dot_general3A_51 : vector<1000x1xf32>
    %sub3A = arith.subf %dot_general3A_49, %max3A : vector<1000x1xf32>
    %exp3A = math.exp %sub3A : vector<1000x1xf32>
    %sub3A_52 = arith.subf %dot_general3A_51, %max3A : vector<1000x1xf32>
    %exp3A_53 = math.exp %sub3A_52 : vector<1000x1xf32>
    %mul3A_54 = vector.broadcast %exp3A : vector<1000x1xf32> to vector<1000x128xf32>
    %mul3A_55 = arith.mulf %mul3A_54, %add3A_16 : vector<1000x128xf32>
    %mul3A_56 = vector.broadcast %exp3A_53 : vector<1000x1xf32> to vector<1000x128xf32>
    %mul3A_57 = arith.mulf %mul3A_56, %add3A_30 : vector<1000x128xf32>
    %add3A_58 = arith.addf %mul3A_55, %mul3A_57 : vector<1000x128xf32>
    %add3A_59 = arith.addf %exp3A, %exp3A_53 : vector<1000x1xf32>
    %div3A = vector.broadcast %add3A_59 : vector<1000x1xf32> to vector<1000x128xf32>
    %div3A_60 = arith.divf %add3A_58, %div3A : vector<1000x128xf32>
    %get3A_61 = arith.constant 0 : index
    %get3A_62 = arith.constant 0 : index
    %get3A_63 = vector.load %arg12[%get3A_61, %get3A_62] : memref<128x128xf32, #tpu.memory_space<vmem>>, vector<128x128xf32>
    %dot_general3A_64 = arith.constant dense<0.000000e+00> : vector<1000x128xf32>
    %dot_general3A_65 = tpu.matmul %div3A_60, %get3A_63, %dot_general3A_64 {dimension_numbers = #tpu.dot_dimension_numbers<[1], [1], [0], [0], [0, 0, 1, 0], [], []>, transpose_lhs_hint = false} : vector<1000x128xf32>, vector<128x128xf32>, vector<1000x128xf32> -> vector<1000x128xf32>
    %mul3A_66 = vector.broadcast %get3A_1 : vector<1000x1xf32> to vector<1000x128xf32>
    %mul3A_67 = arith.mulf %dot_general3A_65, %mul3A_66 : vector<1000x128xf32>
    %swap3A = arith.constant 0 : index
    %swap3A_68 = arith.constant 0 : index
    %swap3A_69 = vector.load %arg14[%swap3A, %swap3A_68] : memref<1000x128xf32, #tpu.memory_space<vmem>>, vector<1000x128xf32>
    tpu.vector_store %arg14[%swap3A, %swap3A_68], %mul3A_67 {strides = array<i32>} : memref<1000x128xf32, #tpu.memory_space<vmem>>, vector<1000x128xf32>,
    %get3A_70 = arith.constant 0 : index
    %get3A_71 = arith.constant 0 : index
    %get3A_72 = vector.load %arg13[%get3A_70, %get3A_71] : memref<128x128xf32, #tpu.memory_space<vmem>>, vector<128x128xf32>
    %dot_general3A_73 = arith.constant dense<0.000000e+00> : vector<1000x128xf32>
    %dot_general3A_74 = tpu.matmul %div3A_60, %get3A_72, %dot_general3A_73 {dimension_numbers = #tpu.dot_dimension_numbers<[1], [1], [0], [0], [0, 0, 1, 0], [], []>, transpose_lhs_hint = false} : vector<1000x128xf32>, vector<128x128xf32>, vector<1000x128xf32> -> vector<1000x128xf32>
    %mul3A_75 = vector.broadcast %get3A_4 : vector<1000x1xf32> to vector<1000x128xf32>
    %mul3A_76 = arith.mulf %dot_general3A_74, %mul3A_75 : vector<1000x128xf32>
    %swap3A_77 = arith.constant 0 : index
    %swap3A_78 = arith.constant 0 : index
    %swap3A_79 = vector.load %arg15[%swap3A_77, %swap3A_78] : memref<1000x128xf32, #tpu.memory_space<vmem>>, vector<1000x128xf32>
    tpu.vector_store %arg15[%swap3A_77, %swap3A_78], %mul3A_76 {strides = array<i32>} : memref<1000x128xf32, #tpu.memory_space<vmem>>, vector<1000x128xf32>,
    return
  }
  func.func @transform_0(%arg0: i32) -> (i32, i32) {
    %c0_i32 = arith.constant 0 : i32
    %c0_i32_0 = arith.constant 0 : i32
    return %arg0, %c0_i32 : i32, i32
  }
  func.func @transform_1(%arg0: i32) -> (i32, i32) {
    %c0_i32 = arith.constant 0 : i32
    %c0_i32_0 = arith.constant 0 : i32
    return %arg0, %c0_i32 : i32, i32
  }
  func.func @transform_2(%arg0: i32) -> (i32, i32) {
    %c0_i32 = arith.constant 0 : i32
    %c0_i32_0 = arith.constant 0 : i32
    return %arg0, %c0_i32 : i32, i32
  }
  func.func @transform_3(%arg0: i32) -> (i32, i32) {
    %c0_i32 = arith.constant 0 : i32
    %c0_i32_0 = arith.constant 0 : i32
    return %arg0, %c0_i32 : i32, i32
  }
  func.func @transform_4(%arg0: i32) -> (i32, i32) {
    %c0_i32 = arith.constant 0 : i32
    %c0_i32_0 = arith.constant 0 : i32
    return %arg0, %c0_i32 : i32, i32
  }
  func.func @transform_5(%arg0: i32) -> (i32, i32) {
    %c0_i32 = arith.constant 0 : i32
    %c0_i32_0 = arith.constant 0 : i32
    return %arg0, %c0_i32 : i32, i32
  }
  func.func @transform_6(%arg0: i32) -> (i32, i32) {
    %c0_i32 = arith.constant 0 : i32
    %c0_i32_0 = arith.constant 0 : i32
    %c0_i32_1 = arith.constant 0 : i32
    return %c0_i32, %c0_i32_0 : i32, i32
  }
  func.func @transform_7(%arg0: i32) -> (i32, i32) {
    %c0_i32 = arith.constant 0 : i32
    %c0_i32_0 = arith.constant 0 : i32
    %c0_i32_1 = arith.constant 0 : i32
    return %c0_i32, %c0_i32_0 : i32, i32
  }
  func.func @transform_8(%arg0: i32) -> (i32, i32) {
    %c0_i32 = arith.constant 0 : i32
    %c0_i32_0 = arith.constant 0 : i32
    %c0_i32_1 = arith.constant 0 : i32
    return %c0_i32, %c0_i32_0 : i32, i32
  }
  func.func @transform_9(%arg0: i32) -> (i32, i32) {
    %c0_i32 = arith.constant 0 : i32
    %c0_i32_0 = arith.constant 0 : i32
    %c0_i32_1 = arith.constant 0 : i32
    return %c0_i32, %c0_i32_0 : i32, i32
  }
  func.func @transform_10(%arg0: i32) -> (i32, i32) {
    %c0_i32 = arith.constant 0 : i32
    %c0_i32_0 = arith.constant 0 : i32
    %c0_i32_1 = arith.constant 0 : i32
    return %c0_i32, %c0_i32_0 : i32, i32
  }
  func.func @transform_11(%arg0: i32) -> (i32, i32) {
    %c0_i32 = arith.constant 0 : i32
    %c0_i32_0 = arith.constant 0 : i32
    %c0_i32_1 = arith.constant 0 : i32
    return %c0_i32, %c0_i32_0 : i32, i32
  }
  func.func @transform_12(%arg0: i32) -> (i32, i32) {
    %c0_i32 = arith.constant 0 : i32
    %c0_i32_0 = arith.constant 0 : i32
    %c0_i32_1 = arith.constant 0 : i32
    return %c0_i32, %c0_i32_0 : i32, i32
  }
  func.func @transform_13(%arg0: i32) -> (i32, i32) {
    %c0_i32 = arith.constant 0 : i32
    %c0_i32_0 = arith.constant 0 : i32
    return %arg0, %c0_i32 : i32, i32
  }
  func.func @transform_14(%arg0: i32) -> (i32, i32) {
    %c0_i32 = arith.constant 0 : i32
    %c0_i32_0 = arith.constant 0 : i32
    return %arg0, %c0_i32 : i32, i32
  }
}

module attributes {stable_mosaic.version = 14 : i64} {
  func.func @_tc_post_body(%arg0: i32, %arg1: memref<1000x128xf32, #tpu.memory_space<vmem>>, %arg2: memref<1000x128xf32, #tpu.memory_space<vmem>>, %arg3: memref<1000x128xf32, #tpu.memory_space<vmem>>, %arg4: memref<1000x128xf32, #tpu.memory_space<vmem>>, %arg5: memref<1000x1xf32, #tpu.memory_space<vmem>>, %arg6: memref<1000x1xf32, #tpu.memory_space<vmem>>, %arg7: memref<1x128xf32, #tpu.memory_space<vmem>>, %arg8: memref<1x128xf32, #tpu.memory_space<vmem>>, %arg9: memref<128x128xf32, #tpu.memory_space<vmem>>, %arg10: memref<1x128xf32, #tpu.memory_space<vmem>>, %arg11: memref<1x128xf32, #tpu.memory_space<vmem>>, %arg12: memref<1000x128xf32, #tpu.memory_space<vmem>>) attributes {dimension_semantics = [#tpu.dimension_semantics<arbitrary>], iteration_bounds = array<i64: 10>, scalar_prefetch = 0 : i64, scratch_operands = 0 : i64, tpu.core_type = #tpu.core_type<tc>, window_params = [{transform_indices = @transform_0, window_bounds = array<i64: 1000, 128>}, {transform_indices = @transform_1, window_bounds = array<i64: 1000, 128>}, {transform_indices = @transform_2, window_bounds = array<i64: 1000, 128>}, {transform_indices = @transform_3, window_bounds = array<i64: 1000, 128>}, {transform_indices = @transform_4, window_bounds = array<i64: 1000, 1>}, {transform_indices = @transform_5, window_bounds = array<i64: 1000, 1>}, {pipeline_mode = #tpu.pipeline_mode<synchronous>, transform_indices = @transform_6, window_bounds = array<i64: 1, 128>}, {pipeline_mode = #tpu.pipeline_mode<synchronous>, transform_indices = @transform_7, window_bounds = array<i64: 1, 128>}, {pipeline_mode = #tpu.pipeline_mode<synchronous>, transform_indices = @transform_8, window_bounds = array<i64: 128, 128>}, {pipeline_mode = #tpu.pipeline_mode<synchronous>, transform_indices = @transform_9, window_bounds = array<i64: 1, 128>}, {pipeline_mode = #tpu.pipeline_mode<synchronous>, transform_indices = @transform_10, window_bounds = array<i64: 1, 128>}, {transform_indices = @transform_11, window_bounds = array<i64: 1000, 128>}]} {
    %get3A = arith.constant 0 : index
    %get3A_0 = arith.constant 0 : index
    %get3A_1 = vector.load %arg1[%get3A, %get3A_0] : memref<1000x128xf32, #tpu.memory_space<vmem>>, vector<1000x128xf32>
    %get3A_2 = arith.constant 0 : index
    %get3A_3 = arith.constant 0 : index
    %get3A_4 = vector.load %arg3[%get3A_2, %get3A_3] : memref<1000x128xf32, #tpu.memory_space<vmem>>, vector<1000x128xf32>
    %add3A = arith.addf %get3A_1, %get3A_4 : vector<1000x128xf32>
    %get3A_5 = arith.constant 0 : index
    %get3A_6 = arith.constant 0 : index
    %get3A_7 = vector.load %arg5[%get3A_5, %get3A_6] : memref<1000x1xf32, #tpu.memory_space<vmem>>, vector<1000x1xf32>
    %mul3A = vector.broadcast %get3A_7 : vector<1000x1xf32> to vector<1000x128xf32>
    %mul3A_8 = arith.mulf %add3A, %mul3A : vector<1000x128xf32>
    %get3A_9 = arith.constant 0 : index
    %get3A_10 = arith.constant 0 : index
    %get3A_11 = vector.load %arg7[%get3A_9, %get3A_10] : memref<1x128xf32, #tpu.memory_space<vmem>>, vector<1x128xf32>
    %add3A_12 = vector.broadcast %get3A_11 : vector<1x128xf32> to vector<1000x128xf32>
    %add3A_13 = arith.addf %mul3A_8, %add3A_12 : vector<1000x128xf32>
    %get3A_14 = arith.constant 0 : index
    %get3A_15 = arith.constant 0 : index
    %get3A_16 = vector.load %arg2[%get3A_14, %get3A_15] : memref<1000x128xf32, #tpu.memory_space<vmem>>, vector<1000x128xf32>
    %get3A_17 = arith.constant 0 : index
    %get3A_18 = arith.constant 0 : index
    %get3A_19 = vector.load %arg4[%get3A_17, %get3A_18] : memref<1000x128xf32, #tpu.memory_space<vmem>>, vector<1000x128xf32>
    %add3A_20 = arith.addf %get3A_16, %get3A_19 : vector<1000x128xf32>
    %get3A_21 = arith.constant 0 : index
    %get3A_22 = arith.constant 0 : index
    %get3A_23 = vector.load %arg6[%get3A_21, %get3A_22] : memref<1000x1xf32, #tpu.memory_space<vmem>>, vector<1000x1xf32>
    %mul3A_24 = vector.broadcast %get3A_23 : vector<1000x1xf32> to vector<1000x128xf32>
    %mul3A_25 = arith.mulf %add3A_20, %mul3A_24 : vector<1000x128xf32>
    %get3A_26 = arith.constant 0 : index
    %get3A_27 = arith.constant 0 : index
    %get3A_28 = vector.load %arg8[%get3A_26, %get3A_27] : memref<1x128xf32, #tpu.memory_space<vmem>>, vector<1x128xf32>
    %add3A_29 = vector.broadcast %get3A_28 : vector<1x128xf32> to vector<1000x128xf32>
    %add3A_30 = arith.addf %mul3A_25, %add3A_29 : vector<1000x128xf32>
    %get3A_31 = arith.constant 0 : index
    %get3A_32 = arith.constant 0 : index
    %get3A_33 = vector.load %arg9[%get3A_31, %get3A_32] : memref<128x128xf32, #tpu.memory_space<vmem>>, vector<128x128xf32>
    %get3A_34 = arith.constant 0 : index
    %get3A_35 = arith.constant 0 : index
    %get3A_36 = vector.load %arg10[%get3A_34, %get3A_35] : memref<1x128xf32, #tpu.memory_space<vmem>>, vector<1x128xf32>
    %get3A_37 = arith.constant 0 : index
    %get3A_38 = arith.constant 0 : index
    %get3A_39 = vector.load %arg11[%get3A_37, %get3A_38] : memref<1x128xf32, #tpu.memory_space<vmem>>, vector<1x128xf32>
    %dot_general3A = arith.constant dense<0.000000e+00> : vector<1000x128xf32>
    %dot_general3A_40 = tpu.matmul %add3A_13, %get3A_33, %dot_general3A {dimension_numbers = #tpu.dot_dimension_numbers<[1], [1], [0], [0], [0, 0, 1, 0], [], []>, transpose_lhs_hint = false} : vector<1000x128xf32>, vector<128x128xf32>, vector<1000x128xf32> -> vector<1000x128xf32>
    %add3A_41 = vector.broadcast %get3A_36 : vector<1x128xf32> to vector<1000x128xf32>
    %add3A_42 = arith.addf %dot_general3A_40, %add3A_41 : vector<1000x128xf32>
    %tanh3A = math.tanh %add3A_42 : vector<1000x128xf32>
    %dot_general3A_43 = arith.constant dense<0.000000e+00> : vector<1000x128xf32>
    %dot_general3A_44 = tpu.matmul %add3A_30, %get3A_33, %dot_general3A_43 {dimension_numbers = #tpu.dot_dimension_numbers<[1], [1], [0], [0], [0, 0, 1, 0], [], []>, transpose_lhs_hint = false} : vector<1000x128xf32>, vector<128x128xf32>, vector<1000x128xf32> -> vector<1000x128xf32>
    %add3A_45 = vector.broadcast %get3A_36 : vector<1x128xf32> to vector<1000x128xf32>
    %add3A_46 = arith.addf %dot_general3A_44, %add3A_45 : vector<1000x128xf32>
    %tanh3A_47 = math.tanh %add3A_46 : vector<1000x128xf32>
    %dot_general3A_48 = arith.constant dense<0.000000e+00> : vector<1000x1xf32>
    %dot_general3A_49 = tpu.matmul %tanh3A, %get3A_39, %dot_general3A_48 {dimension_numbers = #tpu.dot_dimension_numbers<[1], [1], [0], [0], [0, 0, 1, 0], [], []>, transpose_lhs_hint = false} : vector<1000x128xf32>, vector<1x128xf32>, vector<1000x1xf32> -> vector<1000x1xf32>
    %dot_general3A_50 = arith.constant dense<0.000000e+00> : vector<1000x1xf32>
    %dot_general3A_51 = tpu.matmul %tanh3A_47, %get3A_39, %dot_general3A_50 {dimension_numbers = #tpu.dot_dimension_numbers<[1], [1], [0], [0], [0, 0, 1, 0], [], []>, transpose_lhs_hint = false} : vector<1000x128xf32>, vector<1x128xf32>, vector<1000x1xf32> -> vector<1000x1xf32>
    %max3A = arith.maximumf %dot_general3A_49, %dot_general3A_51 : vector<1000x1xf32>
    %sub3A = arith.subf %dot_general3A_49, %max3A : vector<1000x1xf32>
    %exp3A = math.exp %sub3A : vector<1000x1xf32>
    %sub3A_52 = arith.subf %dot_general3A_51, %max3A : vector<1000x1xf32>
    %exp3A_53 = math.exp %sub3A_52 : vector<1000x1xf32>
    %mul3A_54 = vector.broadcast %exp3A : vector<1000x1xf32> to vector<1000x128xf32>
    %mul3A_55 = arith.mulf %mul3A_54, %add3A_13 : vector<1000x128xf32>
    %mul3A_56 = vector.broadcast %exp3A_53 : vector<1000x1xf32> to vector<1000x128xf32>
    %mul3A_57 = arith.mulf %mul3A_56, %add3A_30 : vector<1000x128xf32>
    %add3A_58 = arith.addf %mul3A_55, %mul3A_57 : vector<1000x128xf32>
    %add3A_59 = arith.addf %exp3A, %exp3A_53 : vector<1000x1xf32>
    %div3A = vector.broadcast %add3A_59 : vector<1000x1xf32> to vector<1000x128xf32>
    %div3A_60 = arith.divf %add3A_58, %div3A : vector<1000x128xf32>
    %reduce_max3A = arith.constant dense<0xFF800000> : vector<1000xf32>
    %reduce_max3A_61 = vector.multi_reduction <maximumf>, %div3A_60, %reduce_max3A [1] : vector<1000x128xf32> to vector<1000xf32>
    %broadcast_in_dim3A = vector.shape_cast %reduce_max3A_61 : vector<1000xf32> to vector<1000x1xf32>
    %sub3A_62 = vector.broadcast %broadcast_in_dim3A : vector<1000x1xf32> to vector<1000x128xf32>
    %sub3A_63 = arith.subf %div3A_60, %sub3A_62 : vector<1000x128xf32>
    %exp3A_64 = math.exp %sub3A_63 : vector<1000x128xf32>
    %reduce_sum3A = arith.constant dense<0.000000e+00> : vector<1000xf32>
    %reduce_sum3A_65 = vector.multi_reduction <add>, %exp3A_64, %reduce_sum3A [1] : vector<1000x128xf32> to vector<1000xf32>
    %broadcast_in_dim3A_66 = vector.shape_cast %reduce_sum3A_65 : vector<1000xf32> to vector<1000x1xf32>
    %log3A = math.log %broadcast_in_dim3A_66 : vector<1000x1xf32>
    %add3A_67 = arith.addf %broadcast_in_dim3A, %log3A : vector<1000x1xf32>
    %sub3A_68 = vector.broadcast %add3A_67 : vector<1000x1xf32> to vector<1000x128xf32>
    %sub3A_69 = arith.subf %div3A_60, %sub3A_68 : vector<1000x128xf32>
    %swap3A = arith.constant 0 : index
    %swap3A_70 = arith.constant 0 : index
    %swap3A_71 = vector.load %arg12[%swap3A, %swap3A_70] : memref<1000x128xf32, #tpu.memory_space<vmem>>, vector<1000x128xf32>
    tpu.vector_store %arg12[%swap3A, %swap3A_70], %sub3A_69 {strides = array<i32>} : memref<1000x128xf32, #tpu.memory_space<vmem>>, vector<1000x128xf32>,
    return
  }
  func.func @transform_0(%arg0: i32) -> (i32, i32) {
    %c0_i32 = arith.constant 0 : i32
    %c0_i32_0 = arith.constant 0 : i32
    return %arg0, %c0_i32 : i32, i32
  }
  func.func @transform_1(%arg0: i32) -> (i32, i32) {
    %c0_i32 = arith.constant 0 : i32
    %c0_i32_0 = arith.constant 0 : i32
    return %arg0, %c0_i32 : i32, i32
  }
  func.func @transform_2(%arg0: i32) -> (i32, i32) {
    %c0_i32 = arith.constant 0 : i32
    %c0_i32_0 = arith.constant 0 : i32
    return %arg0, %c0_i32 : i32, i32
  }
  func.func @transform_3(%arg0: i32) -> (i32, i32) {
    %c0_i32 = arith.constant 0 : i32
    %c0_i32_0 = arith.constant 0 : i32
    return %arg0, %c0_i32 : i32, i32
  }
  func.func @transform_4(%arg0: i32) -> (i32, i32) {
    %c0_i32 = arith.constant 0 : i32
    %c0_i32_0 = arith.constant 0 : i32
    return %arg0, %c0_i32 : i32, i32
  }
  func.func @transform_5(%arg0: i32) -> (i32, i32) {
    %c0_i32 = arith.constant 0 : i32
    %c0_i32_0 = arith.constant 0 : i32
    return %arg0, %c0_i32 : i32, i32
  }
  func.func @transform_6(%arg0: i32) -> (i32, i32) {
    %c0_i32 = arith.constant 0 : i32
    %c0_i32_0 = arith.constant 0 : i32
    %c0_i32_1 = arith.constant 0 : i32
    return %c0_i32, %c0_i32_0 : i32, i32
  }
  func.func @transform_7(%arg0: i32) -> (i32, i32) {
    %c0_i32 = arith.constant 0 : i32
    %c0_i32_0 = arith.constant 0 : i32
    %c0_i32_1 = arith.constant 0 : i32
    return %c0_i32, %c0_i32_0 : i32, i32
  }
  func.func @transform_8(%arg0: i32) -> (i32, i32) {
    %c0_i32 = arith.constant 0 : i32
    %c0_i32_0 = arith.constant 0 : i32
    %c0_i32_1 = arith.constant 0 : i32
    return %c0_i32, %c0_i32_0 : i32, i32
  }
  func.func @transform_9(%arg0: i32) -> (i32, i32) {
    %c0_i32 = arith.constant 0 : i32
    %c0_i32_0 = arith.constant 0 : i32
    %c0_i32_1 = arith.constant 0 : i32
    return %c0_i32, %c0_i32_0 : i32, i32
  }
  func.func @transform_10(%arg0: i32) -> (i32, i32) {
    %c0_i32 = arith.constant 0 : i32
    %c0_i32_0 = arith.constant 0 : i32
    %c0_i32_1 = arith.constant 0 : i32
    return %c0_i32, %c0_i32_0 : i32, i32
  }
  func.func @transform_11(%arg0: i32) -> (i32, i32) {
    %c0_i32 = arith.constant 0 : i32
    %c0_i32_0 = arith.constant 0 : i32
    return %arg0, %c0_i32 : i32, i32
  }
}

</mosaic_0001>

<sc_bundles>
// kernel: kernel.11.cloned.1.call-start
scs
__scs_entry_jumppad:
0x0: {  	(pc) =	sbr.rel $0x88, $3  }
0x1: {  	(tag) =	ssettag $0x0;
	lr =	simm.s32 $0x1  }
0x2: {  	[smem:$0x3F8F] =	sst lr;
	_ =	strace $0xD0000000  }
0x3: {  	_ = 	snop  }
0x4: {  	_ = 	snop  }
0x5: {  	_ = 	snop  }
0x6: {  	_ = 	snop  }
0x7: {  	_ = 	snop  }
__scs_overlays_trampoline_lowered:
0x8: {  	[smem:$0x3F9E] =	sst s0  }
0x9: {  	[smem:$0x3F9F] =	sst s1  }
0xa: {  	[smem:$0x3FA0] =	sst s2  }
0xb: {  	[smem:$0x3FA1] =	sst s3  }
0xc: {  	[smem:$0x3FA2] =	sst s4  }
0xd: {  	[smem:$0x3FA3] =	sst s5  }
0xe: {  	[smem:$0x3FA4] =	sst s6  }
0xf: {  	[smem:$0x3FA5] =	sst s7  }
0x10: {  	[smem:$0x3FA6] =	sst s8  }
0x11: {  	[smem:$0x3FA7] =	sst s9;
	s0 =	simm.s32 @!p0 $0x0  }
0x12: {  	s1 =	sld [smem:$0x3F8D];
	s0 =	simm.s32 @p0 $0x1  }
0x13: {  	[smem:$0x3FA8] =	sst s0;
	s0 =	simm.s32 @!p1 $0x0  }
0x14: {  	s2 =	sld [smem:$0x3F8C];
	s0 =	simm.s32 @p1 $0x1  }
0x15: {  	[smem:$0x3FA9] =	sst s0;
	s0 =	simm.s32 @!p2 $0x0  }
0x16: {  	s3 =	sld [smem:$0x3FDB];
	s0 =	simm.s32 @p2 $0x1  }
0x17: {  	s4 =	simm.s32 $0x1BF5;
	[smem:$0x3FAB] =	sst s0  }
0x18: {  	s0 =	sld [smem:$0x3F8E];
	_ =	swait.ge [sflag:s4], $0x0  }
0x19: {  	s7 =	sld [smem:$0x3F8F]  }
0x1a: {  	s8 =	sadd.s32 $0xFFFFE003, lr  }
0x1b: {  	s9 =	sadd.s32 $0xFFFFFEF7, lr;
	s5 =	simm.s32 $0xFFFFFFFF;
	p2 =	slt.u32 s8, $0xFFFFF086  }
0x1c: {  	p1 =	slt.u32 s9, $0xF7A;
	s5 =	simm.s32 @!p2 $0x0  }
0x1d: {  	s5 =	simm.s32 @p1 $0x1;
	p0 =	seq.s32 s7, s2  }
0x1e: {  	s7 =	smul.u32 @!p0 $0xF7A, s2;
	p2 =	seq.s32 @!p0 s5, $0x0  }
0x1f: {  	s9 =	smul.u32 $0xF7A, s1;
	s8 =	simm.s32 @!p0 $0x1BF5;
	p2 =	por !p2, p0  }
0x20: {  	[sflag:s8] =	ssyncset.s32 @!p0 $0xFFFFF086;
	s6 =	sadd.s32 @!p0 s3, s7;
	s7 =	simm.s32 @!p0 $0x108  }
0x21: {  	s3 =	sadd.s32 s3, s9;
	s6 =	sadd.s32 @!p0 $0x88, s6;
	s7 =	simm.s32 @p2 $0x1082  }
0x22: {  	[simem:s7], [sflag:s8] =	dma.local @!p0 [hbm:s6], $0xF7A  }
0x23: {  	s9 =	sor.u32 $0xD0000000, s2;
	s6 =	simm.s32 $0x108;
	_ =	swait.ge @!p0 [sflag:s8], $0x0  }
0x24: {  	s3 =	sadd.s32 $0x88, s3;
	s6 =	simm.s32 @!p1 $0x1082;
	[sflag:s4] =	ssyncset.s32 $0xFFFFF086  }
0x25: {  	[simem:s6], [sflag:s4] =	dma.local [hbm:s3], $0xF7A  }
0x26: {  	[smem:$0x3F8F] =	sst s1;
	(tag) =	ssettag s2;
	_ =	strace s9  }
0x27: {  	s1 =	sld [smem:$0x3F9F]  }
0x28: {  	s2 =	sld [smem:$0x3FA0]  }
0x29: {  	s4 =	sld [smem:$0x3FA2]  }
0x2a: {  	p0 =	seq.s32 s5, $0x0;
	s5 =	sld [smem:$0x3FA3]  }
0x2b: {  	s6 =	sld [smem:$0x3FA4]  }
0x2c: {  	s7 =	sld [smem:$0x3FA5]  }
0x2d: {  	s3 =	simm.s32 $0x108;
	s8 =	sld [smem:$0x3FA6]  }
0x2e: {  	s3 =	simm.s32 @!p0 $0x1082;
	s9 =	sld [smem:$0x3FA7]  }
0x2f: {  	lr =	sadd.s32 s0, s3;
	s0 =	sld [smem:$0x3F9E]  }
0x30: {  	s3 =	sld [smem:$0x3FA1]  }
0x31: {  	[smem:$0x3FAA] =	sst s10  }
0x32: {  	s10 =	sld [smem:$0x3FA8];
	_ =	sdelay $0x3  }
0x33: {  	p0 =	seq.s32 s10, $0x1;
	s10 =	sld [smem:$0x3FAA];
	_ =	sdelay $0x3  }
0x34: {  	[smem:$0x3FAA] =	sst s10  }
0x35: {  	s10 =	sld [smem:$0x3FA9];
	_ =	sdelay $0x3  }
0x36: {  	p1 =	seq.s32 s10, $0x1;
	s10 =	sld [smem:$0x3FAA];
	_ =	sdelay $0x3  }
0x37: {  	[smem:$0x3FAA] =	sst s10  }
0x38: {  	s10 =	sld [smem:$0x3FAB]  }
0x39: {  	_ = 	snop;
	(pc) =	sbr.ind lr, $3  }
0x3a: {  	_ = 	snop  }
0x3b: {  	_ = 	snop  }
0x3c: {  	p2 =	seq.s32 s10, $0x1;
	s10 =	sld [smem:$0x3FAA]  }
0x3d: {  	_ =	shalt  }
0x3e: {  	_ =	shalt  }
0x3f: {  	_ =	shalt  }
0x40: {  	_ =	shalt  }
0x41: {  	_ =	shalt  }
0x42: {  	_ =	shalt  }
0x43: {  	_ =	shalt  }
0x44: {  	_ =	shalt  }
0x45: {  	_ =	shalt  }
0x46: {  	_ =	shalt  }
0x47: {  	_ =	shalt  }
0x48: {  	_ =	shalt  }
0x49: {  	_ =	shalt  }
0x4a: {  	_ =	shalt  }
0x4b: {  	_ =	shalt  }
0x4c: {  	_ =	shalt  }
0x4d: {  	_ =	shalt  }
0x4e: {  	_ =	shalt  }
0x4f: {  	_ =	shalt  }
0x50: {  	_ =	shalt  }
0x51: {  	_ =	shalt  }
0x52: {  	_ =	shalt  }
0x53: {  	_ =	shalt  }
0x54: {  	_ =	shalt  }
0x55: {  	_ =	shalt  }
0x56: {  	_ =	shalt  }
0x57: {  	_ =	shalt  }
0x58: {  	_ =	shalt  }
0x59: {  	_ =	shalt  }
0x5a: {  	_ =	shalt  }
0x5b: {  	_ =	shalt  }
0x5c: {  	_ =	shalt  }
0x5d: {  	_ =	shalt  }
0x5e: {  	_ =	shalt  }
0x5f: {  	_ =	shalt  }
0x60: {  	_ =	shalt  }
0x61: {  	_ =	shalt  }
0x62: {  	_ =	shalt  }
0x63: {  	_ =	shalt  }
0x64: {  	_ =	shalt  }
0x65: {  	_ =	shalt  }
0x66: {  	_ =	shalt  }
0x67: {  	_ =	shalt  }
0x68: {  	_ =	shalt  }
0x69: {  	_ =	shalt  }
0x6a: {  	_ =	shalt  }
0x6b: {  	_ =	shalt  }
0x6c: {  	_ =	shalt  }
0x6d: {  	_ =	shalt  }
0x6e: {  	_ =	shalt  }
0x6f: {  	_ =	shalt  }
0x70: {  	_ =	shalt  }
0x71: {  	_ =	shalt  }
0x72: {  	_ =	shalt  }
0x73: {  	_ =	shalt  }
0x74: {  	_ =	shalt  }
0x75: {  	_ =	shalt  }
0x76: {  	_ =	shalt  }
0x77: {  	_ =	shalt  }
0x78: {  	_ =	shalt  }
0x79: {  	_ =	shalt  }
0x7a: {  	_ =	shalt  }
0x7b: {  	_ =	shalt  }
0x7c: {  	_ =	shalt  }
0x7d: {  	_ =	shalt  }
0x7e: {  	_ =	shalt  }
0x7f: {  	_ =	shalt  }
0x80: {  	_ =	shalt  }
0x81: {  	_ =	shalt  }
0x82: {  	_ =	shalt  }
0x83: {  	_ =	shalt  }
0x84: {  	_ =	shalt  }
0x85: {  	_ =	shalt  }
0x86: {  	_ =	shalt  }
0x87: {  	_ =	shalt  }
.Lfunc_end0:
.L_simem_size_0:
called_computation.1_lowered:
.L_overlay_start_0:
0x88: {  	s2 =	sld [smem:$0x3FD9]  }
0x89: {  	s3 =	sld [smem:$0x3FFE];
	_ =	sdelay $0x1  }
0x8a: {  	s1 =	srdreg.scid  }
0x8b: {  	s0 =	sand.u32 $0x1, s1  }
0x8c: {  	s17 =	sshll.u32 s0, $0xA;
	s2 =	sadd.s32 s3, s2  }
0x8d: {  	s2 =	sadd.s32 s2, s17  }
0x8e: {  	[smem:$0x3FB6] =	sst s2  }
0x8f: {  	_ = 	snop  }
0x90: {  	s2 =	sld [smem:$0x3FD0];
	(tm) =	ssettm $0x1  }
0x91: {  	s18 =	sld [smem:$0x3FFB];
	_ =	sdelay $0x3  }
0x92: {  	_ =	strace s18  }
0x93: {  	s3 =	sld [smem:$0x3FFC];
	_ =	sdelay $0x3  }
0x94: {  	_ =	strace s3  }
0x95: {  	s3 =	sld [smem:$0x3FFD];
	_ =	sdelay $0x3  }
0x96: {  	_ =	strace s3  }
0x97: {  	_ =	strace $0x8FFFFFFF  }
0x98: {  	s19 =	sld [smem:$0x3FDB];
	_ =	sdelay $0x1  }
0x99: {  	s4 =	simm.s32 $_scs_section_size  }
0x9a: {  	s5 =	simm.s32 $_size__tile_overlayer_lowered;
	s6 =	simm.s32 $_tile_overlayer_lowered  }
0x9b: {  	s22 =	simm.s32 $0x1BFF;
	s21 =	sshll.u32 s6, $0x1;
	s3 =	sadd.s32 s4, s19  }
0x9c: {  	s7 =	simm.s32 $0x0;
	s20 =	sshll.u32 s5, $0x1;
	s5 =	sadd.s32 s21, s3  }
0x9d: {  	[timem:s7], [sflag:s22] =	dma.local [hbm:s5], s20  }
0x9e: {  	_ =	swait.ge [sflag:s22], s20  }
0x9f: {  	s4 =	ssub.s32 $0x0, s20;
	[sflag:s22] =	ssyncset.done $0x0  }
0xa0: {  	[sflag:s22] =	ssyncadd.s32 s4;
	_ =	sdelay $0x1  }
0xa1: {  	s23 =	simm.s32 $0x1B8B  }
0xa2: {  	_ =	swait.ge [sflag:s23], $0x1  }
0xa3: {  	[sflag:s23] =	ssyncset.done $0x0  }
0xa4: {  	s25 =	simm.s32 $0x1B8E;
	s24 =	sld [smem:$0x3FFE];
	[sflag:s23] =	ssyncadd.s32 $0xFFFFFFFF  }
0xa5: {  	s26 =	simm.s32 $execute0_lowered;
	[smem:$0x3FD2] =	sst s25  }
0xa6: {  	s5 =	sshll.u32 s26, $0x1;
	_ =	strace $0x80000049;
	[dreg:$0x1] =	wrdreg $0xFFFFFFFF  }
0xa7: {  	s28 =	simm.s32 $_size_execute0_lowered;
	s3 =	sadd.s32 s3, s5;
	[dreg:$0x0] =	wrdreg $0x0  }
0xa8: {  	s5 =	sshll.u32 s28, $0x1;
	[dreg:$0x2] =	wrdreg s3  }
0xa9: {  	[dreg:$0x3] =	wrdreg s5  }
0xaa: {  	[dreg:$0x4] =	wrdreg $0xC0  }
0xab: {  	_ =	task [dreg:s7], $0x5FFFF  }
0xac: {  	[dreg:$0x1] =	wrdreg $0xFFFFFFFF  }
0xad: {  	[dreg:$0x0] =	wrdreg $0x60  }
0xae: {  	[dreg:$0x2] =	wrdreg s2  }
0xaf: {  	[dreg:$0x3] =	wrdreg s24  }
0xb0: {  	[dreg:$0x4] =	wrdreg $0x82000  }
0xb1: {  	[dreg:$0x5] =	wrdreg $0x9  }
0xb2: {  	_ =	task.clear_ibuf [dreg:s7], $0x6FFFF;
	_ =	strace $0x90000049  }
0xb3: {  	s29 =	simm.s32 $0x9;
	_ =	strace $0x8000004B  }
0xb4: {  	_ =	swait.ge [sflag:s29], $0x1  }
0xb5: {  	[sflag:s29] =	ssyncadd.s32 $0xFFFFFFFF  }
0xb6: {  	_ =	strace $0x9000004B  }
0xb7: {  	_ =	sfence  }
0xb8: {  	s30 =	sld [smem:$0x0];
	_ =	sdelay $0x2  }
0xb9: {  	s31 =	sshll.u32 s1, $0xD;
	s1 =	sshrl.u32 s1, $0x2  }
0xba: {  	s3 =	sand.u32 $0x4000, s31;
	s1 =	sadd.s32 s1, s30  }
0xbb: {  	s0 =	sor.u32 s3, s0;
	s1 =	sshll.u32 s1, $0x11  }
0xbc: {  	s0 =	sor.u32 s1, s0  }
0xbd: {  	s0 =	sadd.s32 $0x8F2B, s0  }
0xbe: {  	[sflag:s0] =	ssyncadd.remote.s32 $0x1  }
0xbf: {  	_ =	sfence.sel $0xFFFF  }
0xc0: {  	[dreg:$0x0] =	wrdreg $0xFFFFFFFF;
	(pc) =	sbr.abs _section_cstart, $3  }
0xc1: {  	[dreg:$0x1] =	wrdreg $0xFFFFFFFF  }
0xc2: {  	_ =	task.clear_ibuf [dreg:s7], $0x2FFFF;
	_ =	strace $0x9FFFFFFF  }
0xc3: {  	(tm) =	ssettm $0x7FFFFFFF  }
tec
execute0_lowered:
.L_overlay_start_1:
0x0: {  	(tag) =	ssettag $0x1  }
0x1: {  	s24 =	stileid.u32  }
0x2: {  	s2 =	smul.u32 $0xA00, s24  }
0x3: {  	s1 =	rddreg [dreg:$0x0];
	s22 =	smul.u32 $0xA000, s24;
	s6 =	sor.u32 $0x10, s24  }
0x4: {  	s0 =	rddreg [dreg:$0x1];
	s13 =	sor.u32 $0x20, s24;
	s7 =	smul.u32 $0xA000, s6  }
0x5: {  	s3 =	rddreg [dreg:$0x2];
	s14 =	sor.u32 $0x30, s24;
	s11 =	smul.u32 $0xA000, s13  }
0x6: {  	s4 =	simm.s32 $0x0;
	s15 =	sor.u32 $0x40, s24;
	s12 =	smul.u32 $0xA000, s14  }
0x7: {  	s21 =	srdreg.scid;
	s18 =	sor.u32 $0x50, s24;
	s16 =	smul.u32 $0xA000, s15  }
0x8: {  	[smem:$0x7FF] =	sst s4;
	s5 =	sadd.s32 $0x4E00, s0;
	s19 =	smul.u32 $0xA000, s18  }
0x9: {  	s25 =	sadd.s32 $0xACE00, s0;
	s26 =	sadd.s32 $0xD4000, s0;
	s6 =	smul.u32 $0x500, s6  }
0xa: {  	s20 =	sor.u32 $0x60, s24;
	_ =	strace $0x8000004A;
	s18 =	smul.u32 $0x500, s18  }
0xb: {  	[dreg:$0x5] =	wrdreg s26;
	s17 =	sadd.s32 s2, s0;
	s0 =	sand.u32 $0x1, s21  }
0xc: {  	s2 =	sshrl.u32 s22, $0x2;
	s21 =	smul.u32 $0xA000, s20;
	s22 =	sor.u32 $0x70, s24  }
0xd: {  	[dreg:$0x4] =	wrdreg s25;
	s8 =	ssub.s32 $0x2, s0;
	s28 =	smul.u32 $0xA000, s22  }
0xe: {  	s23 =	sshrl.u32 s7, $0x2;
	p0 =	sne.s32 s0, $0x0;
	s0 =	smul.u32 $0x500, s24  }
0xf: {  	s29 =	sshrl.u32 s11, $0x2;
	s12 =	sshrl.u32 s12, $0x2;
	s30 =	sshrl.u32 s16, $0x2  }
0x10: {  	s31 =	sshrl.u32 s19, $0x2;
	s19 =	smul.u32 $0x500, s14;
	p1 =	sgt.u32 s22, $0x7C  }
0x11: {  	s22 =	smul.u32 $0x500, s22;
	s9 =	sshrl.u32 s8, $0x1;
	s10 =	sadd.s32 s23, s3  }
0x12: {  	s11 =	sadd.s32 s29, s3;
	s12 =	sadd.s32 s12, s3;
	s14 =	sadd.s32 s31, s3  }
0x13: {  	s23 =	smul.u32 $0x500, s15;
	s21 =	sshrl.u32 s21, $0x2;
	s29 =	sadd.s32 s26, s6  }
0x14: {  	s8 =	ssub.s32 s8, s9;
	s9 =	sadd.s32 s2, s3;
	s2 =	smul.u32 $0x500, s13  }
0x15: {  	s13 =	sadd.s32 s30, s3;
	s7 =	sshrl.u32 s28, $0x2;
	[dreg:$0x6] =	wrdreg s22  }
0x16: {  	s15 =	sadd.s32 s21, s3;
	s28 =	sadd.s32 s26, s0;
	[dreg:$0x9] =	wrdreg s29  }
0x17: {  	s0 =	sadd.s32 s25, s0;
	s30 =	sadd.s32 s25, s6;
	[dreg:$0x7] =	wrdreg s28  }
0x18: {  	s21 =	sadd.s32 s25, s19;
	s29 =	sadd.s32 s26, s18;
	[dreg:$0x8] =	wrdreg s0  }
0x19: {  	s8 =	smax.u32 s8, $0x1;
	s16 =	sadd.s32 s7, s3;
	[dreg:$0xa] =	wrdreg s30  }
0x1a: {  	s7 =	smul.u32 $0x500, s20;
	s20 =	sadd.s32 s26, s19;
	[dreg:$0xe] =	wrdreg s21  }
0x1b: {  	s22 =	sadd.s32 s26, s23;
	s28 =	sadd.s32 s25, s23;
	[dreg:$0x11] =	wrdreg s29  }
0x1c: {  	s30 =	sadd.s32 s25, s18;
	s18 =	smul.u32 $0x50, s24;
	[dreg:$0xd] =	wrdreg s20  }
0x1d: {  	s19 =	simm.s32 $0x200;
	s21 =	simm.s32 $0x3;
	[dreg:$0xf] =	wrdreg s22  }
0x1e: {  	s23 =	simm.s32 $0x1;
	s24 =	simm.s32 $0x0;
	[dreg:$0x10] =	wrdreg s28  }
.Ltmp0:
0x1f: {  	s31 =	sadd.s32 s26, s2;
	[dreg:$0x12] =	wrdreg s30;
	(pc) =	sbr.rel .LBB2_1-.Ltmp0, $4  }
0x20: {  	s6 =	sadd.s32 s25, s2;
	s2 =	sadd.s32 $0x36A00, s17;
	[dreg:$0xb] =	wrdreg s31  }
0x21: {  	s20 =	simm.s32 $0x2;
	s22 =	simm.s32 $0x100;
	[dreg:$0xc] =	wrdreg s6  }
0x22: {  	s31 =	sadd.s32 s26, s7;
	s0 =	sadd.s32 s25, s7;
	s6 =	sadd.s32 $0x4AA00, s17  }
0x23: {  	v0 =	vimm.f32 $0.0e+00;
	s7 =	sadd.s32 $0x40A00, s17;
	s17 =	sadd.s32 $0x54A00, s17;
	[dreg:$0x13] =	wrdreg s31  }
.LBB2_12:
0x24: {  	_ =	swait.ge [sflag:s21], $0x2800  }
0x25: {  	[sflag:s21] =	ssyncset.done $0x0;
	s26 =	rddreg [dreg:$0x6]  }
0x26: {  	s25 =	sadd.s32 s25, s26;
	[sflag:s21] =	ssyncadd.s32 $0xFFFFD800  }
0x27: {  	[hbm4b:s25+s4] =	stream.linear.scatter [tilespmem:s19], [sflag:$0x2], $0x2800, $0x38;
	[tilespmem:$0x1BA80] =	vst v63  }
0x28: {  	_ =	swait.ge [sflag:s20], $0x2800  }
0x29: {  	[sflag:s20] =	ssyncset.done $0x0  }
0x2a: {  	[sflag:s20] =	ssyncadd.s32 $0xFFFFD800  }
.LBB2_13:
0x2b: {  	s24 =	sadd.s32 $0x1, s24  }
0x2c: {  	p2 =	sne.s32 s24, s8  }
.Ltmp1:
0x2d: {  	_ = 	snop;
	(pc) =	sbr.rel @!p2 .LBB2_14-.Ltmp1, $1  }
0x2e: {  	_ =	sdelay $0x3  }
.LBB2_1:
0x2f: {  	s25 =	simm.s32 $0x0;
	s26 =	simm.s32 $0x200  }
.LBB2_2:
0x30: {  	p2 =	sne.s32 s26, $0x9E00;
	[tilespmem:s25+$0x270] =	vst v0  }
0x31: {  	[tilespmem:s25+$0x200] =	vst v0  }
0x32: {  	[tilespmem:s25+$0x210] =	vst v0  }
.Ltmp2:
0x33: {  	[tilespmem:s25+$0x220] =	vst v0;
	(pc) =	sbr.rel @p2 .LBB2_2-.Ltmp2, $4  }
0x34: {  	[tilespmem:s25+$0x230] =	vst v0  }
0x35: {  	[tilespmem:s25+$0x240] =	vst v0  }
0x36: {  	[tilespmem:s25+$0x250] =	vst v0  }
0x37: {  	[tilespmem:s25+$0x260] =	vst v0;
	s25 =	sshra.s32 s26, $0x2;
	s26 =	sadd.s32 $0x200, s26  }
0x38: {  	[tilespmem:s25+$0x270] =	vst v0  }
0x39: {  	[tilespmem:s25+$0x200] =	vst v0  }
0x3a: {  	[tilespmem:s25+$0x210] =	vst v0  }
0x3b: {  	[tilespmem:s25+$0x220] =	vst v0  }
0x3c: {  	[tilespmem:s25+$0x230] =	vst v0  }
0x3d: {  	[tilespmem:s25+$0x240] =	vst v0  }
0x3e: {  	[tilespmem:s25+$0x250] =	vst v0  }
0x3f: {  	[tilespmem:s25+$0x260] =	vst v0  }
0x40: {  	[spmem:s9] =	stream.linear.scatter [tilespmem:s19], [sflag:$0x2], $0x2800, $0x38;
	[tilespmem:$0x1BA80] =	vst v63  }
0x41: {  	_ =	swait.ge [sflag:s20], $0x2800  }
0x42: {  	[sflag:s20] =	ssyncset.done $0x0  }
0x43: {  	[sflag:s20] =	ssyncadd.s32 $0xFFFFD800  }
0x44: {  	[spmem:s10] =	stream.linear.scatter [tilespmem:s19], [sflag:$0x2], $0x2800, $0x38;
	[tilespmem:$0x1BA80] =	vst v63  }
0x45: {  	_ =	swait.ge [sflag:s20], $0x2800  }
0x46: {  	[sflag:s20] =	ssyncset.done $0x0  }
0x47: {  	[sflag:s20] =	ssyncadd.s32 $0xFFFFD800  }
0x48: {  	[spmem:s11] =	stream.linear.scatter [tilespmem:s19], [sflag:$0x2], $0x2800, $0x38;
	[tilespmem:$0x1BA80] =	vst v63  }
0x49: {  	_ =	swait.ge [sflag:s20], $0x2800  }
0x4a: {  	[sflag:s20] =	ssyncset.done $0x0  }
0x4b: {  	[sflag:s20] =	ssyncadd.s32 $0xFFFFD800  }
0x4c: {  	[spmem:s12] =	stream.linear.scatter [tilespmem:s19], [sflag:$0x2], $0x2800, $0x38;
	[tilespmem:$0x1BA80] =	vst v63  }
0x4d: {  	_ =	swait.ge [sflag:s20], $0x2800  }
0x4e: {  	[sflag:s20] =	ssyncset.done $0x0  }
0x4f: {  	[sflag:s20] =	ssyncadd.s32 $0xFFFFD800  }
0x50: {  	[spmem:s13] =	stream.linear.scatter [tilespmem:s19], [sflag:$0x2], $0x2800, $0x38;
	[tilespmem:$0x1BA80] =	vst v63  }
0x51: {  	_ =	swait.ge [sflag:s20], $0x2800  }
0x52: {  	[sflag:s20] =	ssyncset.done $0x0  }
0x53: {  	[sflag:s20] =	ssyncadd.s32 $0xFFFFD800  }
0x54: {  	[spmem:s14] =	stream.linear.scatter [tilespmem:s19], [sflag:$0x2], $0x2800, $0x38;
	[tilespmem:$0x1BA80] =	vst v63  }
0x55: {  	_ =	swait.ge [sflag:s20], $0x2800  }
0x56: {  	[sflag:s20] =	ssyncset.done $0x0  }
0x57: {  	[sflag:s20] =	ssyncadd.s32 $0xFFFFD800  }
0x58: {  	[spmem:s15] =	stream.linear.scatter [tilespmem:s19], [sflag:$0x2], $0x2800, $0x38;
	[tilespmem:$0x1BA80] =	vst v63  }
0x59: {  	_ =	swait.ge [sflag:s20], $0x2800  }
0x5a: {  	[sflag:s20] =	ssyncset.done $0x0  }
0x5b: {  	s25 =	simm.s32 @!p1 $0x200;
	[sflag:s20] =	ssyncadd.s32 $0xFFFFD800  }
0x5c: {  	[spmem:s16] =	stream.linear.scatter @!p1 [tilespmem:s25], [sflag:$0x2], $0x2800, $0x38;
	[tilespmem:$0x1BA80] =	vst v63  }
0x5d: {  	s25 =	simm.s32 @!p1 $0x2  }
.Ltmp3:
0x5e: {  	_ =	swait.ge @!p1 [sflag:s25], $0x2800;
	(pc) =	sbr.rel @p0 .LBB2_8-.Ltmp3, $3  }
0x5f: {  	[sflag:s25] =	ssyncset.done @!p1 $0x0  }
0x60: {  	[sflag:s25] =	ssyncadd.s32 @!p1 $0xFFFFD800  }
0x61: {  	[bflag:$0x0] =	sbarrier.arrive $0xFFFF;
	_ =	sdelay $0x1  }
0x62: {  	s25 =	sadd.s32 $0x0, s17  }
0x63: {  	[tilespmem:s4], [sflag:$0x3] =	stream.linear.gather [hbm4b:s25+s4], $0x100, $0x38;
	[tilespmem:$0x1BA80] =	vst v63  }
0x64: {  	_ =	swait.ge [sflag:s21], $0x100  }
0x65: {  	[sflag:s21] =	ssyncset.done $0x0  }
0x66: {  	s31 =	sadd.s32 $0x0, s7;
	[sflag:s21] =	ssyncadd.s32 $0xFFFFFF00  }
0x67: {  	[tilespmem:s22], [sflag:$0x3] =	stream.linear.gather [hbm4b:s31+s4], $0x100, $0x38;
	[tilespmem:$0x1BA80] =	vst v63  }
0x68: {  	_ =	swait.ge [sflag:s21], $0x100  }
0x69: {  	[sflag:s21] =	ssyncset.done $0x0  }
0x6a: {  	[sflag:s21] =	ssyncadd.s32 $0xFFFFFF00  }
0x6b: {  	[tilespmem:s19], [sflag:$0x1] =	stream.indirect.gather [hbm4b:s1+s22], $0x80, s4, s22, $0xb8;
	[tilespmem:$0x1BA80] =	vst v63  }
0x6c: {  	p3 =	sgt.u32 s18, $0x4E1;
	_ =	swait.ge [sflag:s23], $0x8000  }
0x6d: {  	s28 =	simm.s32 $0x40;
	s25 =	simm.s32 @!p3 $0x100;
	[sflag:s23] =	ssyncset.done $0x0  }
0x6e: {  	s26 =	simm.s32 @!p3 $0x200;
	s29 =	simm.s32 @!p3 $0x2;
	[sflag:s23] =	ssyncadd.s32 $0xFFFF8000  }
0x6f: {  	[spmem:s3] =	stream.indirect.scatter.add.f32 @!p3 [tilespmem:s26], [sflag:$0x2], $0x80, s25, s25, $0xb8;
	[tilespmem:$0x1BA80] =	vst v63  }
0x70: {  	s26 =	simm.s32 $0x20;
	s25 =	sadd.s32 $0x1, s18;
	_ =	swait.ge @!p3 [sflag:s29], $0x8000  }
.LBB2_5:
0x71: {  	s30 =	sadd.s32 s26, s17  }
0x72: {  	[sflag:s29] =	ssyncset.done @!p3 $0x0;
	s31 =	smov.u32 s28;
	s28 =	sadd.s32 $0x20, s28  }
0x73: {  	p2 =	seq.s32 s28, $0xA00;
	[sflag:s29] =	ssyncadd.s32 @!p3 $0xFFFF8000  }
0x74: {  	[tilespmem:s4], [sflag:$0x3] =	stream.linear.gather [hbm4b:s30+s4], $0x100, $0x38;
	[tilespmem:$0x1BA80] =	vst v63  }
0x75: {  	_ =	swait.ge [sflag:s21], $0x100  }
0x76: {  	s29 =	sadd.s32 s26, s7;
	s26 =	smov.u32 s31;
	[sflag:s21] =	ssyncset.done $0x0  }
0x77: {  	[sflag:s21] =	ssyncadd.s32 $0xFFFFFF00  }
0x78: {  	[tilespmem:s22], [sflag:$0x3] =	stream.linear.gather [hbm4b:s29+s4], $0x100, $0x38;
	[tilespmem:$0x1BA80] =	vst v63  }
0x79: {  	_ =	swait.ge [sflag:s21], $0x100  }
0x7a: {  	[sflag:s21] =	ssyncset.done $0x0  }
0x7b: {  	[sflag:s21] =	ssyncadd.s32 $0xFFFFFF00  }
0x7c: {  	[tilespmem:s19], [sflag:$0x1] =	stream.indirect.gather [hbm4b:s1+s22], $0x80, s4, s22, $0xb8;
	[tilespmem:$0x1BA80] =	vst v63  }
.Ltmp4:
0x7d: {  	p3 =	sgt.u32 s25, $0x4E1;
	_ =	swait.ge [sflag:s23], $0x8000;
	(pc) =	sbr.rel @!p2 .LBB2_5-.Ltmp4, $4  }
0x7e: {  	s30 =	simm.s32 @!p3 $0x100;
	s31 =	simm.s32 @!p3 $0x200;
	[sflag:s23] =	ssyncset.done $0x0  }
0x7f: {  	s29 =	simm.s32 @!p3 $0x2;
	[sflag:s23] =	ssyncadd.s32 $0xFFFF8000  }
0x80: {  	[spmem:s3] =	stream.indirect.scatter.add.f32 @!p3 [tilespmem:s31], [sflag:$0x2], $0x80, s30, s30, $0xb8;
	[tilespmem:$0x1BA80] =	vst v63  }
0x81: {  	s25 =	sadd.s32 $0x1, s25;
	_ =	swait.ge @!p3 [sflag:s29], $0x8000  }
0x82: {  	[sflag:s29] =	ssyncset.done @!p3 $0x0  }
0x83: {  	s28 =	sadd.s32 s26, s17;
	[sflag:s29] =	ssyncadd.s32 @!p3 $0xFFFF8000  }
0x84: {  	[tilespmem:s4], [sflag:$0x3] =	stream.linear.gather [hbm4b:s28+s4], $0x100, $0x38;
	[tilespmem:$0x1BA80] =	vst v63  }
0x85: {  	_ =	swait.ge [sflag:s21], $0x100  }
0x86: {  	[sflag:s21] =	ssyncset.done $0x0  }
0x87: {  	s30 =	sadd.s32 s26, s7;
	[sflag:s21] =	ssyncadd.s32 $0xFFFFFF00  }
0x88: {  	[tilespmem:s22], [sflag:$0x3] =	stream.linear.gather [hbm4b:s30+s4], $0x100, $0x38;
	[tilespmem:$0x1BA80] =	vst v63  }
0x89: {  	_ =	swait.ge [sflag:s21], $0x100  }
0x8a: {  	[sflag:s21] =	ssyncset.done $0x0  }
0x8b: {  	[sflag:s21] =	ssyncadd.s32 $0xFFFFFF00  }
0x8c: {  	[tilespmem:s19], [sflag:$0x1] =	stream.indirect.gather [hbm4b:s1+s22], $0x80, s4, s22, $0xb8;
	[tilespmem:$0x1BA80] =	vst v63  }
0x8d: {  	p2 =	sgt.u32 s25, $0x4E1;
	_ =	swait.ge [sflag:s23], $0x8000  }
0x8e: {  	s25 =	simm.s32 @!p2 $0x100;
	[sflag:s23] =	ssyncset.done $0x0  }
0x8f: {  	s26 =	simm.s32 @!p2 $0x200;
	s28 =	simm.s32 @!p2 $0x2;
	[sflag:s23] =	ssyncadd.s32 $0xFFFF8000  }
0x90: {  	[spmem:s3] =	stream.indirect.scatter.add.f32 @!p2 [tilespmem:s26], [sflag:$0x2], $0x80, s25, s25, $0xb8;
	[tilespmem:$0x1BA80] =	vst v63  }
0x91: {  	_ =	swait.ge @!p2 [sflag:s28], $0x8000  }
0x92: {  	[sflag:s28] =	ssyncset.done @!p2 $0x0  }
0x93: {  	[sflag:s28] =	ssyncadd.s32 @!p2 $0xFFFF8000  }
0x94: {  	[bflag:$0x0] =	sbarrier.arrive $0xFFFF  }
0x95: {  	[tilespmem:s19], [sflag:$0x3] =	stream.linear.gather [spmem:s9], $0x2800, $0x38;
	[tilespmem:$0x1BA80] =	vst v63  }
0x96: {  	_ =	swait.ge [sflag:s21], $0x2800  }
0x97: {  	[sflag:s21] =	ssyncset.done $0x0  }
0x98: {  	s31 =	rddreg [dreg:$0x8];
	[sflag:s21] =	ssyncadd.s32 $0xFFFFD800  }
0x99: {  	[hbm4b:s31+s4] =	stream.linear.scatter [tilespmem:s19], [sflag:$0x2], $0x2800, $0x38;
	[tilespmem:$0x1BA80] =	vst v63  }
0x9a: {  	_ =	swait.ge [sflag:s20], $0x2800  }
0x9b: {  	[sflag:s20] =	ssyncset.done $0x0  }
0x9c: {  	[sflag:s20] =	ssyncadd.s32 $0xFFFFD800  }
0x9d: {  	[tilespmem:s19], [sflag:$0x3] =	stream.linear.gather [spmem:s10], $0x2800, $0x38;
	[tilespmem:$0x1BA80] =	vst v63  }
0x9e: {  	_ =	swait.ge [sflag:s21], $0x2800  }
0x9f: {  	[sflag:s21] =	ssyncset.done $0x0  }
0xa0: {  	s26 =	rddreg [dreg:$0xa];
	[sflag:s21] =	ssyncadd.s32 $0xFFFFD800  }
0xa1: {  	[hbm4b:s26+s4] =	stream.linear.scatter [tilespmem:s19], [sflag:$0x2], $0x2800, $0x38;
	[tilespmem:$0x1BA80] =	vst v63  }
0xa2: {  	_ =	swait.ge [sflag:s20], $0x2800  }
0xa3: {  	[sflag:s20] =	ssyncset.done $0x0  }
0xa4: {  	[sflag:s20] =	ssyncadd.s32 $0xFFFFD800  }
0xa5: {  	[tilespmem:s19], [sflag:$0x3] =	stream.linear.gather [spmem:s11], $0x2800, $0x38;
	[tilespmem:$0x1BA80] =	vst v63  }
0xa6: {  	_ =	swait.ge [sflag:s21], $0x2800  }
0xa7: {  	[sflag:s21] =	ssyncset.done $0x0  }
0xa8: {  	s28 =	rddreg [dreg:$0xc];
	[sflag:s21] =	ssyncadd.s32 $0xFFFFD800  }
0xa9: {  	[hbm4b:s28+s4] =	stream.linear.scatter [tilespmem:s19], [sflag:$0x2], $0x2800, $0x38;
	[tilespmem:$0x1BA80] =	vst v63  }
0xaa: {  	_ =	swait.ge [sflag:s20], $0x2800  }
0xab: {  	[sflag:s20] =	ssyncset.done $0x0  }
0xac: {  	[sflag:s20] =	ssyncadd.s32 $0xFFFFD800  }
0xad: {  	[tilespmem:s19], [sflag:$0x3] =	stream.linear.gather [spmem:s12], $0x2800, $0x38;
	[tilespmem:$0x1BA80] =	vst v63  }
0xae: {  	_ =	swait.ge [sflag:s21], $0x2800  }
0xaf: {  	[sflag:s21] =	ssyncset.done $0x0  }
0xb0: {  	s29 =	rddreg [dreg:$0xe];
	[sflag:s21] =	ssyncadd.s32 $0xFFFFD800  }
0xb1: {  	[hbm4b:s29+s4] =	stream.linear.scatter [tilespmem:s19], [sflag:$0x2], $0x2800, $0x38;
	[tilespmem:$0x1BA80] =	vst v63  }
0xb2: {  	_ =	swait.ge [sflag:s20], $0x2800  }
0xb3: {  	[sflag:s20] =	ssyncset.done $0x0  }
0xb4: {  	[sflag:s20] =	ssyncadd.s32 $0xFFFFD800  }
0xb5: {  	[tilespmem:s19], [sflag:$0x3] =	stream.linear.gather [spmem:s13], $0x2800, $0x38;
	[tilespmem:$0x1BA80] =	vst v63  }
0xb6: {  	_ =	swait.ge [sflag:s21], $0x2800  }
0xb7: {  	[sflag:s21] =	ssyncset.done $0x0  }
0xb8: {  	s30 =	rddreg [dreg:$0x10];
	[sflag:s21] =	ssyncadd.s32 $0xFFFFD800  }
0xb9: {  	[hbm4b:s30+s4] =	stream.linear.scatter [tilespmem:s19], [sflag:$0x2], $0x2800, $0x38;
	[tilespmem:$0x1BA80] =	vst v63  }
0xba: {  	_ =	swait.ge [sflag:s20], $0x2800  }
0xbb: {  	[sflag:s20] =	ssyncset.done $0x0  }
0xbc: {  	[sflag:s20] =	ssyncadd.s32 $0xFFFFD800  }
0xbd: {  	[tilespmem:s19], [sflag:$0x3] =	stream.linear.gather [spmem:s14], $0x2800, $0x38;
	[tilespmem:$0x1BA80] =	vst v63  }
0xbe: {  	_ =	swait.ge [sflag:s21], $0x2800  }
0xbf: {  	[sflag:s21] =	ssyncset.done $0x0  }
0xc0: {  	s31 =	rddreg [dreg:$0x12];
	[sflag:s21] =	ssyncadd.s32 $0xFFFFD800  }
0xc1: {  	[hbm4b:s31+s4] =	stream.linear.scatter [tilespmem:s19], [sflag:$0x2], $0x2800, $0x38;
	[tilespmem:$0x1BA80] =	vst v63  }
0xc2: {  	_ =	swait.ge [sflag:s20], $0x2800  }
0xc3: {  	[sflag:s20] =	ssyncset.done $0x0  }
0xc4: {  	[sflag:s20] =	ssyncadd.s32 $0xFFFFD800  }
0xc5: {  	[tilespmem:s19], [sflag:$0x3] =	stream.linear.gather [spmem:s15], $0x2800, $0x38;
	[tilespmem:$0x1BA80] =	vst v63  }
0xc6: {  	_ =	swait.ge [sflag:s21], $0x2800  }
0xc7: {  	[sflag:s21] =	ssyncset.done $0x0  }
.Ltmp5:
0xc8: {  	[sflag:s21] =	ssyncadd.s32 $0xFFFFD800;
	(pc) =	sbr.rel @p1 .LBB2_13-.Ltmp5, $4  }
0xc9: {  	[hbm4b:s0+s4] =	stream.linear.scatter [tilespmem:s19], [sflag:$0x2], $0x2800, $0x38;
	[tilespmem:$0x1BA80] =	vst v63  }
0xca: {  	_ =	swait.ge [sflag:s20], $0x2800  }
0xcb: {  	[sflag:s20] =	ssyncset.done $0x0  }
0xcc: {  	[sflag:s20] =	ssyncadd.s32 $0xFFFFD800  }
.Ltmp6:
0xcd: {  	(pc) =	sbr.rel .LBB2_12-.Ltmp6, $3  }
0xce: {  	_ =	sdelay $0x1  }
0xcf: {  	[tilespmem:s19], [sflag:$0x3] =	stream.linear.gather [spmem:s16], $0x2800, $0x38;
	[tilespmem:$0x1BA80] =	vst v63  }
0xd0: {  	s25 =	rddreg [dreg:$0x4]  }
.LBB2_8:
0xd1: {  	s25 =	sadd.s32 $0x0, s6  }
0xd2: {  	[tilespmem:s4], [sflag:$0x3] =	stream.linear.gather [hbm4b:s25+s4], $0x100, $0x38;
	[tilespmem:$0x1BA80] =	vst v63  }
0xd3: {  	_ =	swait.ge [sflag:s21], $0x100  }
0xd4: {  	[sflag:s21] =	ssyncset.done $0x0  }
0xd5: {  	s31 =	sadd.s32 $0x0, s2;
	[sflag:s21] =	ssyncadd.s32 $0xFFFFFF00  }
0xd6: {  	[tilespmem:s22], [sflag:$0x3] =	stream.linear.gather [hbm4b:s31+s4], $0x100, $0x38;
	[tilespmem:$0x1BA80] =	vst v63  }
0xd7: {  	_ =	swait.ge [sflag:s21], $0x100  }
0xd8: {  	[sflag:s21] =	ssyncset.done $0x0  }
0xd9: {  	[sflag:s21] =	ssyncadd.s32 $0xFFFFFF00  }
0xda: {  	[tilespmem:s19], [sflag:$0x1] =	stream.indirect.gather [hbm4b:s5+s22], $0x80, s4, s22, $0xb8;
	[tilespmem:$0x1BA80] =	vst v63  }
0xdb: {  	p3 =	sgt.u32 s18, $0x4E1;
	_ =	swait.ge [sflag:s23], $0x8000  }
0xdc: {  	s28 =	simm.s32 $0x40;
	s25 =	simm.s32 @!p3 $0x100;
	[sflag:s23] =	ssyncset.done $0x0  }
0xdd: {  	s26 =	simm.s32 @!p3 $0x200;
	s29 =	simm.s32 @!p3 $0x2;
	[sflag:s23] =	ssyncadd.s32 $0xFFFF8000  }
0xde: {  	[spmem:s3] =	stream.indirect.scatter.add.f32 @!p3 [tilespmem:s26], [sflag:$0x2], $0x80, s25, s25, $0xb8;
	[tilespmem:$0x1BA80] =	vst v63  }
0xdf: {  	s26 =	simm.s32 $0x20;
	s25 =	sadd.s32 $0x1, s18;
	_ =	swait.ge @!p3 [sflag:s29], $0x8000  }
.LBB2_9:
0xe0: {  	s30 =	sadd.s32 s26, s6  }
0xe1: {  	[sflag:s29] =	ssyncset.done @!p3 $0x0;
	s31 =	smov.u32 s28;
	s28 =	sadd.s32 $0x20, s28  }
0xe2: {  	p2 =	seq.s32 s28, $0xA00;
	[sflag:s29] =	ssyncadd.s32 @!p3 $0xFFFF8000  }
0xe3: {  	[tilespmem:s4], [sflag:$0x3] =	stream.linear.gather [hbm4b:s30+s4], $0x100, $0x38;
	[tilespmem:$0x1BA80] =	vst v63  }
0xe4: {  	_ =	swait.ge [sflag:s21], $0x100  }
0xe5: {  	s29 =	sadd.s32 s26, s2;
	s26 =	smov.u32 s31;
	[sflag:s21] =	ssyncset.done $0x0  }
0xe6: {  	[sflag:s21] =	ssyncadd.s32 $0xFFFFFF00  }
0xe7: {  	[tilespmem:s22], [sflag:$0x3] =	stream.linear.gather [hbm4b:s29+s4], $0x100, $0x38;
	[tilespmem:$0x1BA80] =	vst v63  }
0xe8: {  	_ =	swait.ge [sflag:s21], $0x100  }
0xe9: {  	[sflag:s21] =	ssyncset.done $0x0  }
0xea: {  	[sflag:s21] =	ssyncadd.s32 $0xFFFFFF00  }
0xeb: {  	[tilespmem:s19], [sflag:$0x1] =	stream.indirect.gather [hbm4b:s5+s22], $0x80, s4, s22, $0xb8;
	[tilespmem:$0x1BA80] =	vst v63  }
.Ltmp7:
0xec: {  	p3 =	sgt.u32 s25, $0x4E1;
	_ =	swait.ge [sflag:s23], $0x8000;
	(pc) =	sbr.rel @!p2 .LBB2_9-.Ltmp7, $4  }
0xed: {  	s30 =	simm.s32 @!p3 $0x100;
	s31 =	simm.s32 @!p3 $0x200;
	[sflag:s23] =	ssyncset.done $0x0  }
0xee: {  	s29 =	simm.s32 @!p3 $0x2;
	[sflag:s23] =	ssyncadd.s32 $0xFFFF8000  }
0xef: {  	[spmem:s3] =	stream.indirect.scatter.add.f32 @!p3 [tilespmem:s31], [sflag:$0x2], $0x80, s30, s30, $0xb8;
	[tilespmem:$0x1BA80] =	vst v63  }
0xf0: {  	s25 =	sadd.s32 $0x1, s25;
	_ =	swait.ge @!p3 [sflag:s29], $0x8000  }
0xf1: {  	[sflag:s29] =	ssyncset.done @!p3 $0x0  }
0xf2: {  	s28 =	sadd.s32 s26, s6;
	[sflag:s29] =	ssyncadd.s32 @!p3 $0xFFFF8000  }
0xf3: {  	[tilespmem:s4], [sflag:$0x3] =	stream.linear.gather [hbm4b:s28+s4], $0x100, $0x38;
	[tilespmem:$0x1BA80] =	vst v63  }
0xf4: {  	_ =	swait.ge [sflag:s21], $0x100  }
0xf5: {  	[sflag:s21] =	ssyncset.done $0x0  }
0xf6: {  	s29 =	sadd.s32 s26, s2;
	[sflag:s21] =	ssyncadd.s32 $0xFFFFFF00  }
0xf7: {  	[tilespmem:s22], [sflag:$0x3] =	stream.linear.gather [hbm4b:s29+s4], $0x100, $0x38;
	[tilespmem:$0x1BA80] =	vst v63  }
0xf8: {  	_ =	swait.ge [sflag:s21], $0x100  }
0xf9: {  	[sflag:s21] =	ssyncset.done $0x0  }
0xfa: {  	[sflag:s21] =	ssyncadd.s32 $0xFFFFFF00  }
0xfb: {  	[tilespmem:s19], [sflag:$0x1] =	stream.indirect.gather [hbm4b:s5+s22], $0x80, s4, s22, $0xb8;
	[tilespmem:$0x1BA80] =	vst v63  }
0xfc: {  	p2 =	sgt.u32 s25, $0x4E1;
	_ =	swait.ge [sflag:s23], $0x8000  }
0xfd: {  	s25 =	simm.s32 @!p2 $0x100;
	[sflag:s23] =	ssyncset.done $0x0  }
0xfe: {  	s26 =	simm.s32 @!p2 $0x200;
	s28 =	simm.s32 @!p2 $0x2;
	[sflag:s23] =	ssyncadd.s32 $0xFFFF8000  }
0xff: {  	[spmem:s3] =	stream.indirect.scatter.add.f32 @!p2 [tilespmem:s26], [sflag:$0x2], $0x80, s25, s25, $0xb8;
	[tilespmem:$0x1BA80] =	vst v63  }
0x100: {  	_ =	swait.ge @!p2 [sflag:s28], $0x8000  }
0x101: {  	[sflag:s28] =	ssyncset.done @!p2 $0x0  }
0x102: {  	[sflag:s28] =	ssyncadd.s32 @!p2 $0xFFFF8000  }
0x103: {  	[bflag:$0x0] =	sbarrier.arrive $0xFFFF  }
0x104: {  	[tilespmem:s19], [sflag:$0x3] =	stream.linear.gather [spmem:s9], $0x2800, $0x38;
	[tilespmem:$0x1BA80] =	vst v63  }
0x105: {  	_ =	swait.ge [sflag:s21], $0x2800  }
0x106: {  	[sflag:s21] =	ssyncset.done $0x0  }
0x107: {  	s30 =	rddreg [dreg:$0x7];
	[sflag:s21] =	ssyncadd.s32 $0xFFFFD800  }
0x108: {  	[hbm4b:s30+s4] =	stream.linear.scatter [tilespmem:s19], [sflag:$0x2], $0x2800, $0x38;
	[tilespmem:$0x1BA80] =	vst v63  }
0x109: {  	_ =	swait.ge [sflag:s20], $0x2800  }
0x10a: {  	[sflag:s20] =	ssyncset.done $0x0  }
0x10b: {  	[sflag:s20] =	ssyncadd.s32 $0xFFFFD800  }
0x10c: {  	[tilespmem:s19], [sflag:$0x3] =	stream.linear.gather [spmem:s10], $0x2800, $0x38;
	[tilespmem:$0x1BA80] =	vst v63  }
0x10d: {  	_ =	swait.ge [sflag:s21], $0x2800  }
0x10e: {  	[sflag:s21] =	ssyncset.done $0x0  }
0x10f: {  	s31 =	rddreg [dreg:$0x9];
	[sflag:s21] =	ssyncadd.s32 $0xFFFFD800  }
0x110: {  	[hbm4b:s31+s4] =	stream.linear.scatter [tilespmem:s19], [sflag:$0x2], $0x2800, $0x38;
	[tilespmem:$0x1BA80] =	vst v63  }
0x111: {  	_ =	swait.ge [sflag:s20], $0x2800  }
0x112: {  	[sflag:s20] =	ssyncset.done $0x0  }
0x113: {  	[sflag:s20] =	ssyncadd.s32 $0xFFFFD800  }
0x114: {  	[tilespmem:s19], [sflag:$0x3] =	stream.linear.gather [spmem:s11], $0x2800, $0x38;
	[tilespmem:$0x1BA80] =	vst v63  }
0x115: {  	_ =	swait.ge [sflag:s21], $0x2800  }
0x116: {  	[sflag:s21] =	ssyncset.done $0x0  }
0x117: {  	s26 =	rddreg [dreg:$0xb];
	[sflag:s21] =	ssyncadd.s32 $0xFFFFD800  }
0x118: {  	[hbm4b:s26+s4] =	stream.linear.scatter [tilespmem:s19], [sflag:$0x2], $0x2800, $0x38;
	[tilespmem:$0x1BA80] =	vst v63  }
0x119: {  	_ =	swait.ge [sflag:s20], $0x2800  }
0x11a: {  	[sflag:s20] =	ssyncset.done $0x0  }
0x11b: {  	[sflag:s20] =	ssyncadd.s32 $0xFFFFD800  }
0x11c: {  	[tilespmem:s19], [sflag:$0x3] =	stream.linear.gather [spmem:s12], $0x2800, $0x38;
	[tilespmem:$0x1BA80] =	vst v63  }
0x11d: {  	_ =	swait.ge [sflag:s21], $0x2800  }
0x11e: {  	[sflag:s21] =	ssyncset.done $0x0  }
0x11f: {  	s28 =	rddreg [dreg:$0xd];
	[sflag:s21] =	ssyncadd.s32 $0xFFFFD800  }
0x120: {  	[hbm4b:s28+s4] =	stream.linear.scatter [tilespmem:s19], [sflag:$0x2], $0x2800, $0x38;
	[tilespmem:$0x1BA80] =	vst v63  }
0x121: {  	_ =	swait.ge [sflag:s20], $0x2800  }
0x122: {  	[sflag:s20] =	ssyncset.done $0x0  }
0x123: {  	[sflag:s20] =	ssyncadd.s32 $0xFFFFD800  }
0x124: {  	[tilespmem:s19], [sflag:$0x3] =	stream.linear.gather [spmem:s13], $0x2800, $0x38;
	[tilespmem:$0x1BA80] =	vst v63  }
0x125: {  	_ =	swait.ge [sflag:s21], $0x2800  }
0x126: {  	[sflag:s21] =	ssyncset.done $0x0  }
0x127: {  	s29 =	rddreg [dreg:$0xf];
	[sflag:s21] =	ssyncadd.s32 $0xFFFFD800  }
0x128: {  	[hbm4b:s29+s4] =	stream.linear.scatter [tilespmem:s19], [sflag:$0x2], $0x2800, $0x38;
	[tilespmem:$0x1BA80] =	vst v63  }
0x129: {  	_ =	swait.ge [sflag:s20], $0x2800  }
0x12a: {  	[sflag:s20] =	ssyncset.done $0x0  }
0x12b: {  	[sflag:s20] =	ssyncadd.s32 $0xFFFFD800  }
0x12c: {  	[tilespmem:s19], [sflag:$0x3] =	stream.linear.gather [spmem:s14], $0x2800, $0x38;
	[tilespmem:$0x1BA80] =	vst v63  }
0x12d: {  	_ =	swait.ge [sflag:s21], $0x2800  }
0x12e: {  	[sflag:s21] =	ssyncset.done $0x0  }
0x12f: {  	s30 =	rddreg [dreg:$0x11];
	[sflag:s21] =	ssyncadd.s32 $0xFFFFD800  }
0x130: {  	[hbm4b:s30+s4] =	stream.linear.scatter [tilespmem:s19], [sflag:$0x2], $0x2800, $0x38;
	[tilespmem:$0x1BA80] =	vst v63  }
0x131: {  	_ =	swait.ge [sflag:s20], $0x2800  }
0x132: {  	[sflag:s20] =	ssyncset.done $0x0  }
0x133: {  	[sflag:s20] =	ssyncadd.s32 $0xFFFFD800  }
0x134: {  	[tilespmem:s19], [sflag:$0x3] =	stream.linear.gather [spmem:s15], $0x2800, $0x38;
	[tilespmem:$0x1BA80] =	vst v63  }
0x135: {  	_ =	swait.ge [sflag:s21], $0x2800  }
0x136: {  	[sflag:s21] =	ssyncset.done $0x0  }
.Ltmp8:
0x137: {  	s31 =	rddreg [dreg:$0x13];
	[sflag:s21] =	ssyncadd.s32 $0xFFFFD800;
	(pc) =	sbr.rel @p1 .LBB2_13-.Ltmp8, $4  }
0x138: {  	[hbm4b:s31+s4] =	stream.linear.scatter [tilespmem:s19], [sflag:$0x2], $0x2800, $0x38;
	[tilespmem:$0x1BA80] =	vst v63  }
0x139: {  	_ =	swait.ge [sflag:s20], $0x2800  }
0x13a: {  	[sflag:s20] =	ssyncset.done $0x0  }
0x13b: {  	[sflag:s20] =	ssyncadd.s32 $0xFFFFD800  }
.Ltmp9:
0x13c: {  	(pc) =	sbr.rel .LBB2_12-.Ltmp9, $3  }
0x13d: {  	_ =	sdelay $0x1  }
0x13e: {  	[tilespmem:s19], [sflag:$0x3] =	stream.linear.gather [spmem:s16], $0x2800, $0x38;
	[tilespmem:$0x1BA80] =	vst v63  }
0x13f: {  	s25 =	rddreg [dreg:$0x5]  }
.LBB2_14:
0x140: {  	_ =	sfence.sel $0x180000  }
0x141: {  	[bflag:$0x0] =	sbarrier.arrive $0xFFFF  }
0x142: {  	_ =	strace $0x9000004A  }
0x143: {  	s0 =	stileid.u32;
	[bflag:$0x2] =	sbarrier.arrive $0xFFFF  }
0x144: {  	p0 =	sne.s32 s0, $0x0;
	s0 =	rddreg [dreg:$0x3]  }
0x145: {  	s0 =	sadd.s32 @!p0 $0x100000, s0  }
0x146: {  	[sflag:s0] =	ssyncadd.tile.s32 @!p0 $0x1;
	_ =	shalt  }
.Lfunc_end2:
_tile_overlayer_lowered:
.L_overlay_start_2:
0x147: {  	(tag) =	ssettag $0x2  }
0x148: {  	s0 =	rddreg [dreg:$0x0];
	s2 =	stileid.u32  }
0x149: {  	s1 =	rddreg [dreg:$0x1];
	p0 =	sne.s32 s2, $0x0  }
0x14a: {  	s3 =	rddreg [dreg:$0x2];
	[bflag:$0x3] =	sbarrier.arrive $0xFFFF;
	s2 =	simm.s32 @!p0 $0x1C02  }
0x14b: {  	[timem:s3], [sflag:s2] =	dma.local @!p0 [hbm:s0], s1  }
0x14c: {  	s0 =	simm.s32 @!p0 $0x2  }
0x14d: {  	_ =	swait.ge @!p0 [sflag:s0], s1  }
0x14e: {  	s1 =	ssub.s32 @!p0 $0x0, s1;
	[sflag:s0] =	ssyncset.done @!p0 $0x0  }
0x14f: {  	[sflag:s0] =	ssyncadd.s32 @!p0 s1  }
0x150: {  	[bflag:$0x3] =	sbarrier.arrive $0xFFFF  }
0x151: {  	_ =	shalt  }

// kernel: kernel.14.cloned.1.call-start
scs
__scs_entry_jumppad:
0x0: {  	(pc) =	sbr.rel $0x88, $3  }
0x1: {  	(tag) =	ssettag $0x0;
	lr =	simm.s32 $0x1  }
0x2: {  	[smem:$0x3F8F] =	sst lr;
	_ =	strace $0xD0000000  }
0x3: {  	_ = 	snop  }
0x4: {  	_ = 	snop  }
0x5: {  	_ = 	snop  }
0x6: {  	_ = 	snop  }
0x7: {  	_ = 	snop  }
__scs_overlays_trampoline_lowered:
0x8: {  	[smem:$0x3F9E] =	sst s0  }
0x9: {  	[smem:$0x3F9F] =	sst s1  }
0xa: {  	[smem:$0x3FA0] =	sst s2  }
0xb: {  	[smem:$0x3FA1] =	sst s3  }
0xc: {  	[smem:$0x3FA2] =	sst s4  }
0xd: {  	[smem:$0x3FA3] =	sst s5  }
0xe: {  	[smem:$0x3FA4] =	sst s6  }
0xf: {  	[smem:$0x3FA5] =	sst s7  }
0x10: {  	[smem:$0x3FA6] =	sst s8  }
0x11: {  	[smem:$0x3FA7] =	sst s9;
	s0 =	simm.s32 @!p0 $0x0  }
0x12: {  	s1 =	sld [smem:$0x3F8D];
	s0 =	simm.s32 @p0 $0x1  }
0x13: {  	[smem:$0x3FA8] =	sst s0;
	s0 =	simm.s32 @!p1 $0x0  }
0x14: {  	s2 =	sld [smem:$0x3F8C];
	s0 =	simm.s32 @p1 $0x1  }
0x15: {  	[smem:$0x3FA9] =	sst s0;
	s0 =	simm.s32 @!p2 $0x0  }
0x16: {  	s3 =	sld [smem:$0x3FDB];
	s0 =	simm.s32 @p2 $0x1  }
0x17: {  	s4 =	simm.s32 $0x1BF5;
	[smem:$0x3FAB] =	sst s0  }
0x18: {  	s0 =	sld [smem:$0x3F8E];
	_ =	swait.ge [sflag:s4], $0x0  }
0x19: {  	s7 =	sld [smem:$0x3F8F]  }
0x1a: {  	s8 =	sadd.s32 $0xFFFFE003, lr  }
0x1b: {  	s9 =	sadd.s32 $0xFFFFFEF7, lr;
	s5 =	simm.s32 $0xFFFFFFFF;
	p2 =	slt.u32 s8, $0xFFFFF086  }
0x1c: {  	p1 =	slt.u32 s9, $0xF7A;
	s5 =	simm.s32 @!p2 $0x0  }
0x1d: {  	s5 =	simm.s32 @p1 $0x1;
	p0 =	seq.s32 s7, s2  }
0x1e: {  	s7 =	smul.u32 @!p0 $0xF7A, s2;
	p2 =	seq.s32 @!p0 s5, $0x0  }
0x1f: {  	s9 =	smul.u32 $0xF7A, s1;
	s8 =	simm.s32 @!p0 $0x1BF5;
	p2 =	por !p2, p0  }
0x20: {  	[sflag:s8] =	ssyncset.s32 @!p0 $0xFFFFF086;
	s6 =	sadd.s32 @!p0 s3, s7;
	s7 =	simm.s32 @!p0 $0x108  }
0x21: {  	s3 =	sadd.s32 s3, s9;
	s6 =	sadd.s32 @!p0 $0x88, s6;
	s7 =	simm.s32 @p2 $0x1082  }
0x22: {  	[simem:s7], [sflag:s8] =	dma.local @!p0 [hbm:s6], $0xF7A  }
0x23: {  	s9 =	sor.u32 $0xD0000000, s2;
	s6 =	simm.s32 $0x108;
	_ =	swait.ge @!p0 [sflag:s8], $0x0  }
0x24: {  	s3 =	sadd.s32 $0x88, s3;
	s6 =	simm.s32 @!p1 $0x1082;
	[sflag:s4] =	ssyncset.s32 $0xFFFFF086  }
0x25: {  	[simem:s6], [sflag:s4] =	dma.local [hbm:s3], $0xF7A  }
0x26: {  	[smem:$0x3F8F] =	sst s1;
	(tag) =	ssettag s2;
	_ =	strace s9  }
0x27: {  	s1 =	sld [smem:$0x3F9F]  }
0x28: {  	s2 =	sld [smem:$0x3FA0]  }
0x29: {  	s4 =	sld [smem:$0x3FA2]  }
0x2a: {  	p0 =	seq.s32 s5, $0x0;
	s5 =	sld [smem:$0x3FA3]  }
0x2b: {  	s6 =	sld [smem:$0x3FA4]  }
0x2c: {  	s7 =	sld [smem:$0x3FA5]  }
0x2d: {  	s3 =	simm.s32 $0x108;
	s8 =	sld [smem:$0x3FA6]  }
0x2e: {  	s3 =	simm.s32 @!p0 $0x1082;
	s9 =	sld [smem:$0x3FA7]  }
0x2f: {  	lr =	sadd.s32 s0, s3;
	s0 =	sld [smem:$0x3F9E]  }
0x30: {  	s3 =	sld [smem:$0x3FA1]  }
0x31: {  	[smem:$0x3FAA] =	sst s10  }
0x32: {  	s10 =	sld [smem:$0x3FA8];
	_ =	sdelay $0x3  }
0x33: {  	p0 =	seq.s32 s10, $0x1;
	s10 =	sld [smem:$0x3FAA];
	_ =	sdelay $0x3  }
0x34: {  	[smem:$0x3FAA] =	sst s10  }
0x35: {  	s10 =	sld [smem:$0x3FA9];
	_ =	sdelay $0x3  }
0x36: {  	p1 =	seq.s32 s10, $0x1;
	s10 =	sld [smem:$0x3FAA];
	_ =	sdelay $0x3  }
0x37: {  	[smem:$0x3FAA] =	sst s10  }
0x38: {  	s10 =	sld [smem:$0x3FAB]  }
0x39: {  	_ = 	snop;
	(pc) =	sbr.ind lr, $3  }
0x3a: {  	_ = 	snop  }
0x3b: {  	_ = 	snop  }
0x3c: {  	p2 =	seq.s32 s10, $0x1;
	s10 =	sld [smem:$0x3FAA]  }
0x3d: {  	_ =	shalt  }
0x3e: {  	_ =	shalt  }
0x3f: {  	_ =	shalt  }
0x40: {  	_ =	shalt  }
0x41: {  	_ =	shalt  }
0x42: {  	_ =	shalt  }
0x43: {  	_ =	shalt  }
0x44: {  	_ =	shalt  }
0x45: {  	_ =	shalt  }
0x46: {  	_ =	shalt  }
0x47: {  	_ =	shalt  }
0x48: {  	_ =	shalt  }
0x49: {  	_ =	shalt  }
0x4a: {  	_ =	shalt  }
0x4b: {  	_ =	shalt  }
0x4c: {  	_ =	shalt  }
0x4d: {  	_ =	shalt  }
0x4e: {  	_ =	shalt  }
0x4f: {  	_ =	shalt  }
0x50: {  	_ =	shalt  }
0x51: {  	_ =	shalt  }
0x52: {  	_ =	shalt  }
0x53: {  	_ =	shalt  }
0x54: {  	_ =	shalt  }
0x55: {  	_ =	shalt  }
0x56: {  	_ =	shalt  }
0x57: {  	_ =	shalt  }
0x58: {  	_ =	shalt  }
0x59: {  	_ =	shalt  }
0x5a: {  	_ =	shalt  }
0x5b: {  	_ =	shalt  }
0x5c: {  	_ =	shalt  }
0x5d: {  	_ =	shalt  }
0x5e: {  	_ =	shalt  }
0x5f: {  	_ =	shalt  }
0x60: {  	_ =	shalt  }
0x61: {  	_ =	shalt  }
0x62: {  	_ =	shalt  }
0x63: {  	_ =	shalt  }
0x64: {  	_ =	shalt  }
0x65: {  	_ =	shalt  }
0x66: {  	_ =	shalt  }
0x67: {  	_ =	shalt  }
0x68: {  	_ =	shalt  }
0x69: {  	_ =	shalt  }
0x6a: {  	_ =	shalt  }
0x6b: {  	_ =	shalt  }
0x6c: {  	_ =	shalt  }
0x6d: {  	_ =	shalt  }
0x6e: {  	_ =	shalt  }
0x6f: {  	_ =	shalt  }
0x70: {  	_ =	shalt  }
0x71: {  	_ =	shalt  }
0x72: {  	_ =	shalt  }
0x73: {  	_ =	shalt  }
0x74: {  	_ =	shalt  }
0x75: {  	_ =	shalt  }
0x76: {  	_ =	shalt  }
0x77: {  	_ =	shalt  }
0x78: {  	_ =	shalt  }
0x79: {  	_ =	shalt  }
0x7a: {  	_ =	shalt  }
0x7b: {  	_ =	shalt  }
0x7c: {  	_ =	shalt  }
0x7d: {  	_ =	shalt  }
0x7e: {  	_ =	shalt  }
0x7f: {  	_ =	shalt  }
0x80: {  	_ =	shalt  }
0x81: {  	_ =	shalt  }
0x82: {  	_ =	shalt  }
0x83: {  	_ =	shalt  }
0x84: {  	_ =	shalt  }
0x85: {  	_ =	shalt  }
0x86: {  	_ =	shalt  }
0x87: {  	_ =	shalt  }
.Lfunc_end0:
.L_simem_size_0:
called_computation.2_lowered:
.L_overlay_start_0:
0x88: {  	s2 =	sld [smem:$0x3FD9]  }
0x89: {  	s3 =	sld [smem:$0x3FFE];
	_ =	sdelay $0x1  }
0x8a: {  	s1 =	srdreg.scid  }
0x8b: {  	s0 =	sand.u32 $0x1, s1  }
0x8c: {  	s17 =	sshll.u32 s0, $0xA;
	s2 =	sadd.s32 s3, s2  }
0x8d: {  	s2 =	sadd.s32 s2, s17  }
0x8e: {  	[smem:$0x3FB6] =	sst s2  }
0x8f: {  	_ = 	snop  }
0x90: {  	s2 =	sld [smem:$0x3FD0];
	(tm) =	ssettm $0x1  }
0x91: {  	s18 =	sld [smem:$0x3FFB];
	_ =	sdelay $0x3  }
0x92: {  	_ =	strace s18  }
0x93: {  	s3 =	sld [smem:$0x3FFC];
	_ =	sdelay $0x3  }
0x94: {  	_ =	strace s3  }
0x95: {  	s3 =	sld [smem:$0x3FFD];
	_ =	sdelay $0x3  }
0x96: {  	_ =	strace s3  }
0x97: {  	_ =	strace $0x8FFFFFFF  }
0x98: {  	s19 =	sld [smem:$0x3FDB];
	_ =	sdelay $0x1  }
0x99: {  	s4 =	simm.s32 $_scs_section_size  }
0x9a: {  	s5 =	simm.s32 $_size__tile_overlayer_lowered;
	s6 =	simm.s32 $_tile_overlayer_lowered  }
0x9b: {  	s22 =	simm.s32 $0x1BFF;
	s21 =	sshll.u32 s6, $0x1;
	s3 =	sadd.s32 s4, s19  }
0x9c: {  	s7 =	simm.s32 $0x0;
	s20 =	sshll.u32 s5, $0x1;
	s5 =	sadd.s32 s21, s3  }
0x9d: {  	[timem:s7], [sflag:s22] =	dma.local [hbm:s5], s20  }
0x9e: {  	_ =	swait.ge [sflag:s22], s20  }
0x9f: {  	s4 =	ssub.s32 $0x0, s20;
	[sflag:s22] =	ssyncset.done $0x0  }
0xa0: {  	[sflag:s22] =	ssyncadd.s32 s4;
	_ =	sdelay $0x1  }
0xa1: {  	s23 =	simm.s32 $0x1B8B  }
0xa2: {  	_ =	swait.ge [sflag:s23], $0x1  }
0xa3: {  	[sflag:s23] =	ssyncset.done $0x0  }
0xa4: {  	s25 =	simm.s32 $0x1B8E;
	s24 =	sld [smem:$0x3FFE];
	[sflag:s23] =	ssyncadd.s32 $0xFFFFFFFF  }
0xa5: {  	s26 =	simm.s32 $execute0_lowered;
	[smem:$0x3FD2] =	sst s25  }
0xa6: {  	s5 =	sshll.u32 s26, $0x1;
	_ =	strace $0x8000004C;
	[dreg:$0x1] =	wrdreg $0xFFFFFFFF  }
0xa7: {  	s28 =	simm.s32 $_size_execute0_lowered;
	s3 =	sadd.s32 s3, s5;
	[dreg:$0x0] =	wrdreg $0x0  }
0xa8: {  	s5 =	sshll.u32 s28, $0x1;
	[dreg:$0x2] =	wrdreg s3  }
0xa9: {  	[dreg:$0x3] =	wrdreg s5  }
0xaa: {  	[dreg:$0x4] =	wrdreg $0xC0  }
0xab: {  	_ =	task [dreg:s7], $0x5FFFF  }
0xac: {  	[dreg:$0x1] =	wrdreg $0xFFFFFFFF  }
0xad: {  	[dreg:$0x0] =	wrdreg $0x60  }
0xae: {  	[dreg:$0x2] =	wrdreg s2  }
0xaf: {  	[dreg:$0x3] =	wrdreg s24  }
0xb0: {  	[dreg:$0x4] =	wrdreg $0x82000  }
0xb1: {  	[dreg:$0x5] =	wrdreg $0x9  }
0xb2: {  	_ =	task.clear_ibuf [dreg:s7], $0x6FFFF;
	_ =	strace $0x9000004C  }
0xb3: {  	s29 =	simm.s32 $0x9;
	_ =	strace $0x8000004E  }
0xb4: {  	_ =	swait.ge [sflag:s29], $0x1  }
0xb5: {  	[sflag:s29] =	ssyncadd.s32 $0xFFFFFFFF  }
0xb6: {  	_ =	strace $0x9000004E  }
0xb7: {  	_ =	sfence  }
0xb8: {  	s30 =	sld [smem:$0x0];
	_ =	sdelay $0x2  }
0xb9: {  	s31 =	sshll.u32 s1, $0xD;
	s1 =	sshrl.u32 s1, $0x2  }
0xba: {  	s3 =	sand.u32 $0x4000, s31;
	s1 =	sadd.s32 s1, s30  }
0xbb: {  	s0 =	sor.u32 s3, s0;
	s1 =	sshll.u32 s1, $0x11  }
0xbc: {  	s0 =	sor.u32 s1, s0  }
0xbd: {  	s0 =	sadd.s32 $0x8F2B, s0  }
0xbe: {  	[sflag:s0] =	ssyncadd.remote.s32 $0x1  }
0xbf: {  	_ =	sfence.sel $0xFFFF  }
0xc0: {  	[dreg:$0x0] =	wrdreg $0xFFFFFFFF;
	(pc) =	sbr.abs _section_cstart, $3  }
0xc1: {  	[dreg:$0x1] =	wrdreg $0xFFFFFFFF  }
0xc2: {  	_ =	task.clear_ibuf [dreg:s7], $0x2FFFF;
	_ =	strace $0x9FFFFFFF  }
0xc3: {  	(tm) =	ssettm $0x7FFFFFFF  }
tec
execute0_lowered:
.L_overlay_start_1:
0x0: {  	(tag) =	ssettag $0x1  }
0x1: {  	s24 =	stileid.u32  }
0x2: {  	s2 =	smul.u32 $0xA00, s24  }
0x3: {  	s1 =	rddreg [dreg:$0x0];
	s22 =	smul.u32 $0xA000, s24;
	s6 =	sor.u32 $0x10, s24  }
0x4: {  	s0 =	rddreg [dreg:$0x1];
	s13 =	sor.u32 $0x20, s24;
	s7 =	smul.u32 $0xA000, s6  }
0x5: {  	s3 =	rddreg [dreg:$0x2];
	s14 =	sor.u32 $0x30, s24;
	s11 =	smul.u32 $0xA000, s13  }
0x6: {  	s4 =	simm.s32 $0x0;
	s15 =	sor.u32 $0x40, s24;
	s12 =	smul.u32 $0xA000, s14  }
0x7: {  	s21 =	srdreg.scid;
	s18 =	sor.u32 $0x50, s24;
	s16 =	smul.u32 $0xA000, s15  }
0x8: {  	[smem:$0x7FF] =	sst s4;
	s5 =	sadd.s32 $0x4E00, s0;
	s19 =	smul.u32 $0xA000, s18  }
0x9: {  	s25 =	sadd.s32 $0xACE00, s0;
	s26 =	sadd.s32 $0xD4000, s0;
	s6 =	smul.u32 $0x500, s6  }
0xa: {  	s20 =	sor.u32 $0x60, s24;
	_ =	strace $0x8000004D;
	s18 =	smul.u32 $0x500, s18  }
0xb: {  	[dreg:$0x5] =	wrdreg s26;
	s17 =	sadd.s32 s2, s0;
	s0 =	sand.u32 $0x1, s21  }
0xc: {  	s2 =	sshrl.u32 s22, $0x2;
	s21 =	smul.u32 $0xA000, s20;
	s22 =	sor.u32 $0x70, s24  }
0xd: {  	[dreg:$0x4] =	wrdreg s25;
	s8 =	ssub.s32 $0x2, s0;
	s28 =	smul.u32 $0xA000, s22  }
0xe: {  	s23 =	sshrl.u32 s7, $0x2;
	p0 =	sne.s32 s0, $0x0;
	s0 =	smul.u32 $0x500, s24  }
0xf: {  	s29 =	sshrl.u32 s11, $0x2;
	s12 =	sshrl.u32 s12, $0x2;
	s30 =	sshrl.u32 s16, $0x2  }
0x10: {  	s31 =	sshrl.u32 s19, $0x2;
	s19 =	smul.u32 $0x500, s14;
	p1 =	sgt.u32 s22, $0x7C  }
0x11: {  	s22 =	smul.u32 $0x500, s22;
	s9 =	sshrl.u32 s8, $0x1;
	s10 =	sadd.s32 s23, s3  }
0x12: {  	s11 =	sadd.s32 s29, s3;
	s12 =	sadd.s32 s12, s3;
	s14 =	sadd.s32 s31, s3  }
0x13: {  	s23 =	smul.u32 $0x500, s15;
	s21 =	sshrl.u32 s21, $0x2;
	s29 =	sadd.s32 s26, s6  }
0x14: {  	s8 =	ssub.s32 s8, s9;
	s9 =	sadd.s32 s2, s3;
	s2 =	smul.u32 $0x500, s13  }
0x15: {  	s13 =	sadd.s32 s30, s3;
	s7 =	sshrl.u32 s28, $0x2;
	[dreg:$0x6] =	wrdreg s22  }
0x16: {  	s15 =	sadd.s32 s21, s3;
	s28 =	sadd.s32 s26, s0;
	[dreg:$0x9] =	wrdreg s29  }
0x17: {  	s0 =	sadd.s32 s25, s0;
	s30 =	sadd.s32 s25, s6;
	[dreg:$0x7] =	wrdreg s28  }
0x18: {  	s21 =	sadd.s32 s25, s19;
	s29 =	sadd.s32 s26, s18;
	[dreg:$0x8] =	wrdreg s0  }
0x19: {  	s8 =	smax.u32 s8, $0x1;
	s16 =	sadd.s32 s7, s3;
	[dreg:$0xa] =	wrdreg s30  }
0x1a: {  	s7 =	smul.u32 $0x500, s20;
	s20 =	sadd.s32 s26, s19;
	[dreg:$0xe] =	wrdreg s21  }
0x1b: {  	s22 =	sadd.s32 s26, s23;
	s28 =	sadd.s32 s25, s23;
	[dreg:$0x11] =	wrdreg s29  }
0x1c: {  	s30 =	sadd.s32 s25, s18;
	s18 =	smul.u32 $0x50, s24;
	[dreg:$0xd] =	wrdreg s20  }
0x1d: {  	s19 =	simm.s32 $0x200;
	s21 =	simm.s32 $0x3;
	[dreg:$0xf] =	wrdreg s22  }
0x1e: {  	s23 =	simm.s32 $0x1;
	s24 =	simm.s32 $0x0;
	[dreg:$0x10] =	wrdreg s28  }
.Ltmp0:
0x1f: {  	s31 =	sadd.s32 s26, s2;
	[dreg:$0x12] =	wrdreg s30;
	(pc) =	sbr.rel .LBB2_1-.Ltmp0, $4  }
0x20: {  	s6 =	sadd.s32 s25, s2;
	s2 =	sadd.s32 $0x36A00, s17;
	[dreg:$0xb] =	wrdreg s31  }
0x21: {  	s20 =	simm.s32 $0x2;
	s22 =	simm.s32 $0x100;
	[dreg:$0xc] =	wrdreg s6  }
0x22: {  	s31 =	sadd.s32 s26, s7;
	s0 =	sadd.s32 s25, s7;
	s6 =	sadd.s32 $0x4AA00, s17  }
0x23: {  	v0 =	vimm.f32 $0.0e+00;
	s7 =	sadd.s32 $0x40A00, s17;
	s17 =	sadd.s32 $0x54A00, s17;
	[dreg:$0x13] =	wrdreg s31  }
.LBB2_12:
0x24: {  	_ =	swait.ge [sflag:s21], $0x2800  }
0x25: {  	[sflag:s21] =	ssyncset.done $0x0;
	s26 =	rddreg [dreg:$0x6]  }
0x26: {  	s25 =	sadd.s32 s25, s26;
	[sflag:s21] =	ssyncadd.s32 $0xFFFFD800  }
0x27: {  	[hbm4b:s25+s4] =	stream.linear.scatter [tilespmem:s19], [sflag:$0x2], $0x2800, $0x38;
	[tilespmem:$0x1BA80] =	vst v63  }
0x28: {  	_ =	swait.ge [sflag:s20], $0x2800  }
0x29: {  	[sflag:s20] =	ssyncset.done $0x0  }
0x2a: {  	[sflag:s20] =	ssyncadd.s32 $0xFFFFD800  }
.LBB2_13:
0x2b: {  	s24 =	sadd.s32 $0x1, s24  }
0x2c: {  	p2 =	sne.s32 s24, s8  }
.Ltmp1:
0x2d: {  	_ = 	snop;
	(pc) =	sbr.rel @!p2 .LBB2_14-.Ltmp1, $1  }
0x2e: {  	_ =	sdelay $0x3  }
.LBB2_1:
0x2f: {  	s25 =	simm.s32 $0x0;
	s26 =	simm.s32 $0x200  }
.LBB2_2:
0x30: {  	p2 =	sne.s32 s26, $0x9E00;
	[tilespmem:s25+$0x270] =	vst v0  }
0x31: {  	[tilespmem:s25+$0x200] =	vst v0  }
0x32: {  	[tilespmem:s25+$0x210] =	vst v0  }
.Ltmp2:
0x33: {  	[tilespmem:s25+$0x220] =	vst v0;
	(pc) =	sbr.rel @p2 .LBB2_2-.Ltmp2, $4  }
0x34: {  	[tilespmem:s25+$0x230] =	vst v0  }
0x35: {  	[tilespmem:s25+$0x240] =	vst v0  }
0x36: {  	[tilespmem:s25+$0x250] =	vst v0  }
0x37: {  	[tilespmem:s25+$0x260] =	vst v0;
	s25 =	sshra.s32 s26, $0x2;
	s26 =	sadd.s32 $0x200, s26  }
0x38: {  	[tilespmem:s25+$0x270] =	vst v0  }
0x39: {  	[tilespmem:s25+$0x200] =	vst v0  }
0x3a: {  	[tilespmem:s25+$0x210] =	vst v0  }
0x3b: {  	[tilespmem:s25+$0x220] =	vst v0  }
0x3c: {  	[tilespmem:s25+$0x230] =	vst v0  }
0x3d: {  	[tilespmem:s25+$0x240] =	vst v0  }
0x3e: {  	[tilespmem:s25+$0x250] =	vst v0  }
0x3f: {  	[tilespmem:s25+$0x260] =	vst v0  }
0x40: {  	[spmem:s9] =	stream.linear.scatter [tilespmem:s19], [sflag:$0x2], $0x2800, $0x38;
	[tilespmem:$0x1BA80] =	vst v63  }
0x41: {  	_ =	swait.ge [sflag:s20], $0x2800  }
0x42: {  	[sflag:s20] =	ssyncset.done $0x0  }
0x43: {  	[sflag:s20] =	ssyncadd.s32 $0xFFFFD800  }
0x44: {  	[spmem:s10] =	stream.linear.scatter [tilespmem:s19], [sflag:$0x2], $0x2800, $0x38;
	[tilespmem:$0x1BA80] =	vst v63  }
0x45: {  	_ =	swait.ge [sflag:s20], $0x2800  }
0x46: {  	[sflag:s20] =	ssyncset.done $0x0  }
0x47: {  	[sflag:s20] =	ssyncadd.s32 $0xFFFFD800  }
0x48: {  	[spmem:s11] =	stream.linear.scatter [tilespmem:s19], [sflag:$0x2], $0x2800, $0x38;
	[tilespmem:$0x1BA80] =	vst v63  }
0x49: {  	_ =	swait.ge [sflag:s20], $0x2800  }
0x4a: {  	[sflag:s20] =	ssyncset.done $0x0  }
0x4b: {  	[sflag:s20] =	ssyncadd.s32 $0xFFFFD800  }
0x4c: {  	[spmem:s12] =	stream.linear.scatter [tilespmem:s19], [sflag:$0x2], $0x2800, $0x38;
	[tilespmem:$0x1BA80] =	vst v63  }
0x4d: {  	_ =	swait.ge [sflag:s20], $0x2800  }
0x4e: {  	[sflag:s20] =	ssyncset.done $0x0  }
0x4f: {  	[sflag:s20] =	ssyncadd.s32 $0xFFFFD800  }
0x50: {  	[spmem:s13] =	stream.linear.scatter [tilespmem:s19], [sflag:$0x2], $0x2800, $0x38;
	[tilespmem:$0x1BA80] =	vst v63  }
0x51: {  	_ =	swait.ge [sflag:s20], $0x2800  }
0x52: {  	[sflag:s20] =	ssyncset.done $0x0  }
0x53: {  	[sflag:s20] =	ssyncadd.s32 $0xFFFFD800  }
0x54: {  	[spmem:s14] =	stream.linear.scatter [tilespmem:s19], [sflag:$0x2], $0x2800, $0x38;
	[tilespmem:$0x1BA80] =	vst v63  }
0x55: {  	_ =	swait.ge [sflag:s20], $0x2800  }
0x56: {  	[sflag:s20] =	ssyncset.done $0x0  }
0x57: {  	[sflag:s20] =	ssyncadd.s32 $0xFFFFD800  }
0x58: {  	[spmem:s15] =	stream.linear.scatter [tilespmem:s19], [sflag:$0x2], $0x2800, $0x38;
	[tilespmem:$0x1BA80] =	vst v63  }
0x59: {  	_ =	swait.ge [sflag:s20], $0x2800  }
0x5a: {  	[sflag:s20] =	ssyncset.done $0x0  }
0x5b: {  	s25 =	simm.s32 @!p1 $0x200;
	[sflag:s20] =	ssyncadd.s32 $0xFFFFD800  }
0x5c: {  	[spmem:s16] =	stream.linear.scatter @!p1 [tilespmem:s25], [sflag:$0x2], $0x2800, $0x38;
	[tilespmem:$0x1BA80] =	vst v63  }
0x5d: {  	s25 =	simm.s32 @!p1 $0x2  }
.Ltmp3:
0x5e: {  	_ =	swait.ge @!p1 [sflag:s25], $0x2800;
	(pc) =	sbr.rel @p0 .LBB2_8-.Ltmp3, $3  }
0x5f: {  	[sflag:s25] =	ssyncset.done @!p1 $0x0  }
0x60: {  	[sflag:s25] =	ssyncadd.s32 @!p1 $0xFFFFD800  }
0x61: {  	[bflag:$0x0] =	sbarrier.arrive $0xFFFF;
	_ =	sdelay $0x1  }
0x62: {  	s25 =	sadd.s32 $0x0, s17  }
0x63: {  	[tilespmem:s4], [sflag:$0x3] =	stream.linear.gather [hbm4b:s25+s4], $0x100, $0x38;
	[tilespmem:$0x1BA80] =	vst v63  }
0x64: {  	_ =	swait.ge [sflag:s21], $0x100  }
0x65: {  	[sflag:s21] =	ssyncset.done $0x0  }
0x66: {  	s31 =	sadd.s32 $0x0, s7;
	[sflag:s21] =	ssyncadd.s32 $0xFFFFFF00  }
0x67: {  	[tilespmem:s22], [sflag:$0x3] =	stream.linear.gather [hbm4b:s31+s4], $0x100, $0x38;
	[tilespmem:$0x1BA80] =	vst v63  }
0x68: {  	_ =	swait.ge [sflag:s21], $0x100  }
0x69: {  	[sflag:s21] =	ssyncset.done $0x0  }
0x6a: {  	[sflag:s21] =	ssyncadd.s32 $0xFFFFFF00  }
0x6b: {  	[tilespmem:s19], [sflag:$0x1] =	stream.indirect.gather [hbm4b:s1+s22], $0x80, s4, s22, $0xb8;
	[tilespmem:$0x1BA80] =	vst v63  }
0x6c: {  	p3 =	sgt.u32 s18, $0x4E1;
	_ =	swait.ge [sflag:s23], $0x8000  }
0x6d: {  	s28 =	simm.s32 $0x40;
	s25 =	simm.s32 @!p3 $0x100;
	[sflag:s23] =	ssyncset.done $0x0  }
0x6e: {  	s26 =	simm.s32 @!p3 $0x200;
	s29 =	simm.s32 @!p3 $0x2;
	[sflag:s23] =	ssyncadd.s32 $0xFFFF8000  }
0x6f: {  	[spmem:s3] =	stream.indirect.scatter.add.f32 @!p3 [tilespmem:s26], [sflag:$0x2], $0x80, s25, s25, $0xb8;
	[tilespmem:$0x1BA80] =	vst v63  }
0x70: {  	s26 =	simm.s32 $0x20;
	s25 =	sadd.s32 $0x1, s18;
	_ =	swait.ge @!p3 [sflag:s29], $0x8000  }
.LBB2_5:
0x71: {  	s30 =	sadd.s32 s26, s17  }
0x72: {  	[sflag:s29] =	ssyncset.done @!p3 $0x0;
	s31 =	smov.u32 s28;
	s28 =	sadd.s32 $0x20, s28  }
0x73: {  	p2 =	seq.s32 s28, $0xA00;
	[sflag:s29] =	ssyncadd.s32 @!p3 $0xFFFF8000  }
0x74: {  	[tilespmem:s4], [sflag:$0x3] =	stream.linear.gather [hbm4b:s30+s4], $0x100, $0x38;
	[tilespmem:$0x1BA80] =	vst v63  }
0x75: {  	_ =	swait.ge [sflag:s21], $0x100  }
0x76: {  	s29 =	sadd.s32 s26, s7;
	s26 =	smov.u32 s31;
	[sflag:s21] =	ssyncset.done $0x0  }
0x77: {  	[sflag:s21] =	ssyncadd.s32 $0xFFFFFF00  }
0x78: {  	[tilespmem:s22], [sflag:$0x3] =	stream.linear.gather [hbm4b:s29+s4], $0x100, $0x38;
	[tilespmem:$0x1BA80] =	vst v63  }
0x79: {  	_ =	swait.ge [sflag:s21], $0x100  }
0x7a: {  	[sflag:s21] =	ssyncset.done $0x0  }
0x7b: {  	[sflag:s21] =	ssyncadd.s32 $0xFFFFFF00  }
0x7c: {  	[tilespmem:s19], [sflag:$0x1] =	stream.indirect.gather [hbm4b:s1+s22], $0x80, s4, s22, $0xb8;
	[tilespmem:$0x1BA80] =	vst v63  }
.Ltmp4:
0x7d: {  	p3 =	sgt.u32 s25, $0x4E1;
	_ =	swait.ge [sflag:s23], $0x8000;
	(pc) =	sbr.rel @!p2 .LBB2_5-.Ltmp4, $4  }
0x7e: {  	s30 =	simm.s32 @!p3 $0x100;
	s31 =	simm.s32 @!p3 $0x200;
	[sflag:s23] =	ssyncset.done $0x0  }
0x7f: {  	s29 =	simm.s32 @!p3 $0x2;
	[sflag:s23] =	ssyncadd.s32 $0xFFFF8000  }
0x80: {  	[spmem:s3] =	stream.indirect.scatter.add.f32 @!p3 [tilespmem:s31], [sflag:$0x2], $0x80, s30, s30, $0xb8;
	[tilespmem:$0x1BA80] =	vst v63  }
0x81: {  	s25 =	sadd.s32 $0x1, s25;
	_ =	swait.ge @!p3 [sflag:s29], $0x8000  }
0x82: {  	[sflag:s29] =	ssyncset.done @!p3 $0x0  }
0x83: {  	s28 =	sadd.s32 s26, s17;
	[sflag:s29] =	ssyncadd.s32 @!p3 $0xFFFF8000  }
0x84: {  	[tilespmem:s4], [sflag:$0x3] =	stream.linear.gather [hbm4b:s28+s4], $0x100, $0x38;
	[tilespmem:$0x1BA80] =	vst v63  }
0x85: {  	_ =	swait.ge [sflag:s21], $0x100  }
0x86: {  	[sflag:s21] =	ssyncset.done $0x0  }
0x87: {  	s30 =	sadd.s32 s26, s7;
	[sflag:s21] =	ssyncadd.s32 $0xFFFFFF00  }
0x88: {  	[tilespmem:s22], [sflag:$0x3] =	stream.linear.gather [hbm4b:s30+s4], $0x100, $0x38;
	[tilespmem:$0x1BA80] =	vst v63  }
0x89: {  	_ =	swait.ge [sflag:s21], $0x100  }
0x8a: {  	[sflag:s21] =	ssyncset.done $0x0  }
0x8b: {  	[sflag:s21] =	ssyncadd.s32 $0xFFFFFF00  }
0x8c: {  	[tilespmem:s19], [sflag:$0x1] =	stream.indirect.gather [hbm4b:s1+s22], $0x80, s4, s22, $0xb8;
	[tilespmem:$0x1BA80] =	vst v63  }
0x8d: {  	p2 =	sgt.u32 s25, $0x4E1;
	_ =	swait.ge [sflag:s23], $0x8000  }
0x8e: {  	s25 =	simm.s32 @!p2 $0x100;
	[sflag:s23] =	ssyncset.done $0x0  }
0x8f: {  	s26 =	simm.s32 @!p2 $0x200;
	s28 =	simm.s32 @!p2 $0x2;
	[sflag:s23] =	ssyncadd.s32 $0xFFFF8000  }
0x90: {  	[spmem:s3] =	stream.indirect.scatter.add.f32 @!p2 [tilespmem:s26], [sflag:$0x2], $0x80, s25, s25, $0xb8;
	[tilespmem:$0x1BA80] =	vst v63  }
0x91: {  	_ =	swait.ge @!p2 [sflag:s28], $0x8000  }
0x92: {  	[sflag:s28] =	ssyncset.done @!p2 $0x0  }
0x93: {  	[sflag:s28] =	ssyncadd.s32 @!p2 $0xFFFF8000  }
0x94: {  	[bflag:$0x0] =	sbarrier.arrive $0xFFFF  }
0x95: {  	[tilespmem:s19], [sflag:$0x3] =	stream.linear.gather [spmem:s9], $0x2800, $0x38;
	[tilespmem:$0x1BA80] =	vst v63  }
0x96: {  	_ =	swait.ge [sflag:s21], $0x2800  }
0x97: {  	[sflag:s21] =	ssyncset.done $0x0  }
0x98: {  	s31 =	rddreg [dreg:$0x8];
	[sflag:s21] =	ssyncadd.s32 $0xFFFFD800  }
0x99: {  	[hbm4b:s31+s4] =	stream.linear.scatter [tilespmem:s19], [sflag:$0x2], $0x2800, $0x38;
	[tilespmem:$0x1BA80] =	vst v63  }
0x9a: {  	_ =	swait.ge [sflag:s20], $0x2800  }
0x9b: {  	[sflag:s20] =	ssyncset.done $0x0  }
0x9c: {  	[sflag:s20] =	ssyncadd.s32 $0xFFFFD800  }
0x9d: {  	[tilespmem:s19], [sflag:$0x3] =	stream.linear.gather [spmem:s10], $0x2800, $0x38;
	[tilespmem:$0x1BA80] =	vst v63  }
0x9e: {  	_ =	swait.ge [sflag:s21], $0x2800  }
0x9f: {  	[sflag:s21] =	ssyncset.done $0x0  }
0xa0: {  	s26 =	rddreg [dreg:$0xa];
	[sflag:s21] =	ssyncadd.s32 $0xFFFFD800  }
0xa1: {  	[hbm4b:s26+s4] =	stream.linear.scatter [tilespmem:s19], [sflag:$0x2], $0x2800, $0x38;
	[tilespmem:$0x1BA80] =	vst v63  }
0xa2: {  	_ =	swait.ge [sflag:s20], $0x2800  }
0xa3: {  	[sflag:s20] =	ssyncset.done $0x0  }
0xa4: {  	[sflag:s20] =	ssyncadd.s32 $0xFFFFD800  }
0xa5: {  	[tilespmem:s19], [sflag:$0x3] =	stream.linear.gather [spmem:s11], $0x2800, $0x38;
	[tilespmem:$0x1BA80] =	vst v63  }
0xa6: {  	_ =	swait.ge [sflag:s21], $0x2800  }
0xa7: {  	[sflag:s21] =	ssyncset.done $0x0  }
0xa8: {  	s28 =	rddreg [dreg:$0xc];
	[sflag:s21] =	ssyncadd.s32 $0xFFFFD800  }
0xa9: {  	[hbm4b:s28+s4] =	stream.linear.scatter [tilespmem:s19], [sflag:$0x2], $0x2800, $0x38;
	[tilespmem:$0x1BA80] =	vst v63  }
0xaa: {  	_ =	swait.ge [sflag:s20], $0x2800  }
0xab: {  	[sflag:s20] =	ssyncset.done $0x0  }
0xac: {  	[sflag:s20] =	ssyncadd.s32 $0xFFFFD800  }
0xad: {  	[tilespmem:s19], [sflag:$0x3] =	stream.linear.gather [spmem:s12], $0x2800, $0x38;
	[tilespmem:$0x1BA80] =	vst v63  }
0xae: {  	_ =	swait.ge [sflag:s21], $0x2800  }
0xaf: {  	[sflag:s21] =	ssyncset.done $0x0  }
0xb0: {  	s29 =	rddreg [dreg:$0xe];
	[sflag:s21] =	ssyncadd.s32 $0xFFFFD800  }
0xb1: {  	[hbm4b:s29+s4] =	stream.linear.scatter [tilespmem:s19], [sflag:$0x2], $0x2800, $0x38;
	[tilespmem:$0x1BA80] =	vst v63  }
0xb2: {  	_ =	swait.ge [sflag:s20], $0x2800  }
0xb3: {  	[sflag:s20] =	ssyncset.done $0x0  }
0xb4: {  	[sflag:s20] =	ssyncadd.s32 $0xFFFFD800  }
0xb5: {  	[tilespmem:s19], [sflag:$0x3] =	stream.linear.gather [spmem:s13], $0x2800, $0x38;
	[tilespmem:$0x1BA80] =	vst v63  }
0xb6: {  	_ =	swait.ge [sflag:s21], $0x2800  }
0xb7: {  	[sflag:s21] =	ssyncset.done $0x0  }
0xb8: {  	s30 =	rddreg [dreg:$0x10];
	[sflag:s21] =	ssyncadd.s32 $0xFFFFD800  }
0xb9: {  	[hbm4b:s30+s4] =	stream.linear.scatter [tilespmem:s19], [sflag:$0x2], $0x2800, $0x38;
	[tilespmem:$0x1BA80] =	vst v63  }
0xba: {  	_ =	swait.ge [sflag:s20], $0x2800  }
0xbb: {  	[sflag:s20] =	ssyncset.done $0x0  }
0xbc: {  	[sflag:s20] =	ssyncadd.s32 $0xFFFFD800  }
0xbd: {  	[tilespmem:s19], [sflag:$0x3] =	stream.linear.gather [spmem:s14], $0x2800, $0x38;
	[tilespmem:$0x1BA80] =	vst v63  }
0xbe: {  	_ =	swait.ge [sflag:s21], $0x2800  }
0xbf: {  	[sflag:s21] =	ssyncset.done $0x0  }
0xc0: {  	s31 =	rddreg [dreg:$0x12];
	[sflag:s21] =	ssyncadd.s32 $0xFFFFD800  }
0xc1: {  	[hbm4b:s31+s4] =	stream.linear.scatter [tilespmem:s19], [sflag:$0x2], $0x2800, $0x38;
	[tilespmem:$0x1BA80] =	vst v63  }
0xc2: {  	_ =	swait.ge [sflag:s20], $0x2800  }
0xc3: {  	[sflag:s20] =	ssyncset.done $0x0  }
0xc4: {  	[sflag:s20] =	ssyncadd.s32 $0xFFFFD800  }
0xc5: {  	[tilespmem:s19], [sflag:$0x3] =	stream.linear.gather [spmem:s15], $0x2800, $0x38;
	[tilespmem:$0x1BA80] =	vst v63  }
0xc6: {  	_ =	swait.ge [sflag:s21], $0x2800  }
0xc7: {  	[sflag:s21] =	ssyncset.done $0x0  }
.Ltmp5:
0xc8: {  	[sflag:s21] =	ssyncadd.s32 $0xFFFFD800;
	(pc) =	sbr.rel @p1 .LBB2_13-.Ltmp5, $4  }
0xc9: {  	[hbm4b:s0+s4] =	stream.linear.scatter [tilespmem:s19], [sflag:$0x2], $0x2800, $0x38;
	[tilespmem:$0x1BA80] =	vst v63  }
0xca: {  	_ =	swait.ge [sflag:s20], $0x2800  }
0xcb: {  	[sflag:s20] =	ssyncset.done $0x0  }
0xcc: {  	[sflag:s20] =	ssyncadd.s32 $0xFFFFD800  }
.Ltmp6:
0xcd: {  	(pc) =	sbr.rel .LBB2_12-.Ltmp6, $3  }
0xce: {  	_ =	sdelay $0x1  }
0xcf: {  	[tilespmem:s19], [sflag:$0x3] =	stream.linear.gather [spmem:s16], $0x2800, $0x38;
	[tilespmem:$0x1BA80] =	vst v63  }
0xd0: {  	s25 =	rddreg [dreg:$0x4]  }
.LBB2_8:
0xd1: {  	s25 =	sadd.s32 $0x0, s6  }
0xd2: {  	[tilespmem:s4], [sflag:$0x3] =	stream.linear.gather [hbm4b:s25+s4], $0x100, $0x38;
	[tilespmem:$0x1BA80] =	vst v63  }
0xd3: {  	_ =	swait.ge [sflag:s21], $0x100  }
0xd4: {  	[sflag:s21] =	ssyncset.done $0x0  }
0xd5: {  	s31 =	sadd.s32 $0x0, s2;
	[sflag:s21] =	ssyncadd.s32 $0xFFFFFF00  }
0xd6: {  	[tilespmem:s22], [sflag:$0x3] =	stream.linear.gather [hbm4b:s31+s4], $0x100, $0x38;
	[tilespmem:$0x1BA80] =	vst v63  }
0xd7: {  	_ =	swait.ge [sflag:s21], $0x100  }
0xd8: {  	[sflag:s21] =	ssyncset.done $0x0  }
0xd9: {  	[sflag:s21] =	ssyncadd.s32 $0xFFFFFF00  }
0xda: {  	[tilespmem:s19], [sflag:$0x1] =	stream.indirect.gather [hbm4b:s5+s22], $0x80, s4, s22, $0xb8;
	[tilespmem:$0x1BA80] =	vst v63  }
0xdb: {  	p3 =	sgt.u32 s18, $0x4E1;
	_ =	swait.ge [sflag:s23], $0x8000  }
0xdc: {  	s28 =	simm.s32 $0x40;
	s25 =	simm.s32 @!p3 $0x100;
	[sflag:s23] =	ssyncset.done $0x0  }
0xdd: {  	s26 =	simm.s32 @!p3 $0x200;
	s29 =	simm.s32 @!p3 $0x2;
	[sflag:s23] =	ssyncadd.s32 $0xFFFF8000  }
0xde: {  	[spmem:s3] =	stream.indirect.scatter.add.f32 @!p3 [tilespmem:s26], [sflag:$0x2], $0x80, s25, s25, $0xb8;
	[tilespmem:$0x1BA80] =	vst v63  }
0xdf: {  	s26 =	simm.s32 $0x20;
	s25 =	sadd.s32 $0x1, s18;
	_ =	swait.ge @!p3 [sflag:s29], $0x8000  }
.LBB2_9:
0xe0: {  	s30 =	sadd.s32 s26, s6  }
0xe1: {  	[sflag:s29] =	ssyncset.done @!p3 $0x0;
	s31 =	smov.u32 s28;
	s28 =	sadd.s32 $0x20, s28  }
0xe2: {  	p2 =	seq.s32 s28, $0xA00;
	[sflag:s29] =	ssyncadd.s32 @!p3 $0xFFFF8000  }
0xe3: {  	[tilespmem:s4], [sflag:$0x3] =	stream.linear.gather [hbm4b:s30+s4], $0x100, $0x38;
	[tilespmem:$0x1BA80] =	vst v63  }
0xe4: {  	_ =	swait.ge [sflag:s21], $0x100  }
0xe5: {  	s29 =	sadd.s32 s26, s2;
	s26 =	smov.u32 s31;
	[sflag:s21] =	ssyncset.done $0x0  }
0xe6: {  	[sflag:s21] =	ssyncadd.s32 $0xFFFFFF00  }
0xe7: {  	[tilespmem:s22], [sflag:$0x3] =	stream.linear.gather [hbm4b:s29+s4], $0x100, $0x38;
	[tilespmem:$0x1BA80] =	vst v63  }
0xe8: {  	_ =	swait.ge [sflag:s21], $0x100  }
0xe9: {  	[sflag:s21] =	ssyncset.done $0x0  }
0xea: {  	[sflag:s21] =	ssyncadd.s32 $0xFFFFFF00  }
0xeb: {  	[tilespmem:s19], [sflag:$0x1] =	stream.indirect.gather [hbm4b:s5+s22], $0x80, s4, s22, $0xb8;
	[tilespmem:$0x1BA80] =	vst v63  }
.Ltmp7:
0xec: {  	p3 =	sgt.u32 s25, $0x4E1;
	_ =	swait.ge [sflag:s23], $0x8000;
	(pc) =	sbr.rel @!p2 .LBB2_9-.Ltmp7, $4  }
0xed: {  	s30 =	simm.s32 @!p3 $0x100;
	s31 =	simm.s32 @!p3 $0x200;
	[sflag:s23] =	ssyncset.done $0x0  }
0xee: {  	s29 =	simm.s32 @!p3 $0x2;
	[sflag:s23] =	ssyncadd.s32 $0xFFFF8000  }
0xef: {  	[spmem:s3] =	stream.indirect.scatter.add.f32 @!p3 [tilespmem:s31], [sflag:$0x2], $0x80, s30, s30, $0xb8;
	[tilespmem:$0x1BA80] =	vst v63  }
0xf0: {  	s25 =	sadd.s32 $0x1, s25;
	_ =	swait.ge @!p3 [sflag:s29], $0x8000  }
0xf1: {  	[sflag:s29] =	ssyncset.done @!p3 $0x0  }
0xf2: {  	s28 =	sadd.s32 s26, s6;
	[sflag:s29] =	ssyncadd.s32 @!p3 $0xFFFF8000  }
0xf3: {  	[tilespmem:s4], [sflag:$0x3] =	stream.linear.gather [hbm4b:s28+s4], $0x100, $0x38;
	[tilespmem:$0x1BA80] =	vst v63  }
0xf4: {  	_ =	swait.ge [sflag:s21], $0x100  }
0xf5: {  	[sflag:s21] =	ssyncset.done $0x0  }
0xf6: {  	s29 =	sadd.s32 s26, s2;
	[sflag:s21] =	ssyncadd.s32 $0xFFFFFF00  }
0xf7: {  	[tilespmem:s22], [sflag:$0x3] =	stream.linear.gather [hbm4b:s29+s4], $0x100, $0x38;
	[tilespmem:$0x1BA80] =	vst v63  }
0xf8: {  	_ =	swait.ge [sflag:s21], $0x100  }
0xf9: {  	[sflag:s21] =	ssyncset.done $0x0  }
0xfa: {  	[sflag:s21] =	ssyncadd.s32 $0xFFFFFF00  }
0xfb: {  	[tilespmem:s19], [sflag:$0x1] =	stream.indirect.gather [hbm4b:s5+s22], $0x80, s4, s22, $0xb8;
	[tilespmem:$0x1BA80] =	vst v63  }
0xfc: {  	p2 =	sgt.u32 s25, $0x4E1;
	_ =	swait.ge [sflag:s23], $0x8000  }
0xfd: {  	s25 =	simm.s32 @!p2 $0x100;
	[sflag:s23] =	ssyncset.done $0x0  }
0xfe: {  	s26 =	simm.s32 @!p2 $0x200;
	s28 =	simm.s32 @!p2 $0x2;
	[sflag:s23] =	ssyncadd.s32 $0xFFFF8000  }
0xff: {  	[spmem:s3] =	stream.indirect.scatter.add.f32 @!p2 [tilespmem:s26], [sflag:$0x2], $0x80, s25, s25, $0xb8;
	[tilespmem:$0x1BA80] =	vst v63  }
0x100: {  	_ =	swait.ge @!p2 [sflag:s28], $0x8000  }
0x101: {  	[sflag:s28] =	ssyncset.done @!p2 $0x0  }
0x102: {  	[sflag:s28] =	ssyncadd.s32 @!p2 $0xFFFF8000  }
0x103: {  	[bflag:$0x0] =	sbarrier.arrive $0xFFFF  }
0x104: {  	[tilespmem:s19], [sflag:$0x3] =	stream.linear.gather [spmem:s9], $0x2800, $0x38;
	[tilespmem:$0x1BA80] =	vst v63  }
0x105: {  	_ =	swait.ge [sflag:s21], $0x2800  }
0x106: {  	[sflag:s21] =	ssyncset.done $0x0  }
0x107: {  	s30 =	rddreg [dreg:$0x7];
	[sflag:s21] =	ssyncadd.s32 $0xFFFFD800  }
0x108: {  	[hbm4b:s30+s4] =	stream.linear.scatter [tilespmem:s19], [sflag:$0x2], $0x2800, $0x38;
	[tilespmem:$0x1BA80] =	vst v63  }
0x109: {  	_ =	swait.ge [sflag:s20], $0x2800  }
0x10a: {  	[sflag:s20] =	ssyncset.done $0x0  }
0x10b: {  	[sflag:s20] =	ssyncadd.s32 $0xFFFFD800  }
0x10c: {  	[tilespmem:s19], [sflag:$0x3] =	stream.linear.gather [spmem:s10], $0x2800, $0x38;
	[tilespmem:$0x1BA80] =	vst v63  }
0x10d: {  	_ =	swait.ge [sflag:s21], $0x2800  }
0x10e: {  	[sflag:s21] =	ssyncset.done $0x0  }
0x10f: {  	s31 =	rddreg [dreg:$0x9];
	[sflag:s21] =	ssyncadd.s32 $0xFFFFD800  }
0x110: {  	[hbm4b:s31+s4] =	stream.linear.scatter [tilespmem:s19], [sflag:$0x2], $0x2800, $0x38;
	[tilespmem:$0x1BA80] =	vst v63  }
0x111: {  	_ =	swait.ge [sflag:s20], $0x2800  }
0x112: {  	[sflag:s20] =	ssyncset.done $0x0  }
0x113: {  	[sflag:s20] =	ssyncadd.s32 $0xFFFFD800  }
0x114: {  	[tilespmem:s19], [sflag:$0x3] =	stream.linear.gather [spmem:s11], $0x2800, $0x38;
	[tilespmem:$0x1BA80] =	vst v63  }
0x115: {  	_ =	swait.ge [sflag:s21], $0x2800  }
0x116: {  	[sflag:s21] =	ssyncset.done $0x0  }
0x117: {  	s26 =	rddreg [dreg:$0xb];
	[sflag:s21] =	ssyncadd.s32 $0xFFFFD800  }
0x118: {  	[hbm4b:s26+s4] =	stream.linear.scatter [tilespmem:s19], [sflag:$0x2], $0x2800, $0x38;
	[tilespmem:$0x1BA80] =	vst v63  }
0x119: {  	_ =	swait.ge [sflag:s20], $0x2800  }
0x11a: {  	[sflag:s20] =	ssyncset.done $0x0  }
0x11b: {  	[sflag:s20] =	ssyncadd.s32 $0xFFFFD800  }
0x11c: {  	[tilespmem:s19], [sflag:$0x3] =	stream.linear.gather [spmem:s12], $0x2800, $0x38;
	[tilespmem:$0x1BA80] =	vst v63  }
0x11d: {  	_ =	swait.ge [sflag:s21], $0x2800  }
0x11e: {  	[sflag:s21] =	ssyncset.done $0x0  }
0x11f: {  	s28 =	rddreg [dreg:$0xd];
	[sflag:s21] =	ssyncadd.s32 $0xFFFFD800  }
0x120: {  	[hbm4b:s28+s4] =	stream.linear.scatter [tilespmem:s19], [sflag:$0x2], $0x2800, $0x38;
	[tilespmem:$0x1BA80] =	vst v63  }
0x121: {  	_ =	swait.ge [sflag:s20], $0x2800  }
0x122: {  	[sflag:s20] =	ssyncset.done $0x0  }
0x123: {  	[sflag:s20] =	ssyncadd.s32 $0xFFFFD800  }
0x124: {  	[tilespmem:s19], [sflag:$0x3] =	stream.linear.gather [spmem:s13], $0x2800, $0x38;
	[tilespmem:$0x1BA80] =	vst v63  }
0x125: {  	_ =	swait.ge [sflag:s21], $0x2800  }
0x126: {  	[sflag:s21] =	ssyncset.done $0x0  }
0x127: {  	s29 =	rddreg [dreg:$0xf];
	[sflag:s21] =	ssyncadd.s32 $0xFFFFD800  }
0x128: {  	[hbm4b:s29+s4] =	stream.linear.scatter [tilespmem:s19], [sflag:$0x2], $0x2800, $0x38;
	[tilespmem:$0x1BA80] =	vst v63  }
0x129: {  	_ =	swait.ge [sflag:s20], $0x2800  }
0x12a: {  	[sflag:s20] =	ssyncset.done $0x0  }
0x12b: {  	[sflag:s20] =	ssyncadd.s32 $0xFFFFD800  }
0x12c: {  	[tilespmem:s19], [sflag:$0x3] =	stream.linear.gather [spmem:s14], $0x2800, $0x38;
	[tilespmem:$0x1BA80] =	vst v63  }
0x12d: {  	_ =	swait.ge [sflag:s21], $0x2800  }
0x12e: {  	[sflag:s21] =	ssyncset.done $0x0  }
0x12f: {  	s30 =	rddreg [dreg:$0x11];
	[sflag:s21] =	ssyncadd.s32 $0xFFFFD800  }
0x130: {  	[hbm4b:s30+s4] =	stream.linear.scatter [tilespmem:s19], [sflag:$0x2], $0x2800, $0x38;
	[tilespmem:$0x1BA80] =	vst v63  }
0x131: {  	_ =	swait.ge [sflag:s20], $0x2800  }
0x132: {  	[sflag:s20] =	ssyncset.done $0x0  }
0x133: {  	[sflag:s20] =	ssyncadd.s32 $0xFFFFD800  }
0x134: {  	[tilespmem:s19], [sflag:$0x3] =	stream.linear.gather [spmem:s15], $0x2800, $0x38;
	[tilespmem:$0x1BA80] =	vst v63  }
0x135: {  	_ =	swait.ge [sflag:s21], $0x2800  }
0x136: {  	[sflag:s21] =	ssyncset.done $0x0  }
.Ltmp8:
0x137: {  	s31 =	rddreg [dreg:$0x13];
	[sflag:s21] =	ssyncadd.s32 $0xFFFFD800;
	(pc) =	sbr.rel @p1 .LBB2_13-.Ltmp8, $4  }
0x138: {  	[hbm4b:s31+s4] =	stream.linear.scatter [tilespmem:s19], [sflag:$0x2], $0x2800, $0x38;
	[tilespmem:$0x1BA80] =	vst v63  }
0x139: {  	_ =	swait.ge [sflag:s20], $0x2800  }
0x13a: {  	[sflag:s20] =	ssyncset.done $0x0  }
0x13b: {  	[sflag:s20] =	ssyncadd.s32 $0xFFFFD800  }
.Ltmp9:
0x13c: {  	(pc) =	sbr.rel .LBB2_12-.Ltmp9, $3  }
0x13d: {  	_ =	sdelay $0x1  }
0x13e: {  	[tilespmem:s19], [sflag:$0x3] =	stream.linear.gather [spmem:s16], $0x2800, $0x38;
	[tilespmem:$0x1BA80] =	vst v63  }
0x13f: {  	s25 =	rddreg [dreg:$0x5]  }
.LBB2_14:
0x140: {  	_ =	sfence.sel $0x180000  }
0x141: {  	[bflag:$0x0] =	sbarrier.arrive $0xFFFF  }
0x142: {  	_ =	strace $0x9000004D  }
0x143: {  	s0 =	stileid.u32;
	[bflag:$0x2] =	sbarrier.arrive $0xFFFF  }
0x144: {  	p0 =	sne.s32 s0, $0x0;
	s0 =	rddreg [dreg:$0x3]  }
0x145: {  	s0 =	sadd.s32 @!p0 $0x100000, s0  }
0x146: {  	[sflag:s0] =	ssyncadd.tile.s32 @!p0 $0x1;
	_ =	shalt  }
.Lfunc_end2:
_tile_overlayer_lowered:
.L_overlay_start_2:
0x147: {  	(tag) =	ssettag $0x2  }
0x148: {  	s0 =	rddreg [dreg:$0x0];
	s2 =	stileid.u32  }
0x149: {  	s1 =	rddreg [dreg:$0x1];
	p0 =	sne.s32 s2, $0x0  }
0x14a: {  	s3 =	rddreg [dreg:$0x2];
	[bflag:$0x3] =	sbarrier.arrive $0xFFFF;
	s2 =	simm.s32 @!p0 $0x1C02  }
0x14b: {  	[timem:s3], [sflag:s2] =	dma.local @!p0 [hbm:s0], s1  }
0x14c: {  	s0 =	simm.s32 @!p0 $0x2  }
0x14d: {  	_ =	swait.ge @!p0 [sflag:s0], s1  }
0x14e: {  	s1 =	ssub.s32 @!p0 $0x0, s1;
	[sflag:s0] =	ssyncset.done @!p0 $0x0  }
0x14f: {  	[sflag:s0] =	ssyncadd.s32 @!p0 s1  }
0x150: {  	[bflag:$0x3] =	sbarrier.arrive $0xFFFF  }
0x151: {  	_ =	shalt  }

// kernel: kernel.8.cloned.1.call-start
scs
__scs_entry_jumppad:
0x0: {  	(pc) =	sbr.rel $0x88, $3  }
0x1: {  	(tag) =	ssettag $0x0;
	lr =	simm.s32 $0x1  }
0x2: {  	[smem:$0x3F8F] =	sst lr;
	_ =	strace $0xD0000000  }
0x3: {  	_ = 	snop  }
0x4: {  	_ = 	snop  }
0x5: {  	_ = 	snop  }
0x6: {  	_ = 	snop  }
0x7: {  	_ = 	snop  }
__scs_overlays_trampoline_lowered:
0x8: {  	[smem:$0x3F9E] =	sst s0  }
0x9: {  	[smem:$0x3F9F] =	sst s1  }
0xa: {  	[smem:$0x3FA0] =	sst s2  }
0xb: {  	[smem:$0x3FA1] =	sst s3  }
0xc: {  	[smem:$0x3FA2] =	sst s4  }
0xd: {  	[smem:$0x3FA3] =	sst s5  }
0xe: {  	[smem:$0x3FA4] =	sst s6  }
0xf: {  	[smem:$0x3FA5] =	sst s7  }
0x10: {  	[smem:$0x3FA6] =	sst s8  }
0x11: {  	[smem:$0x3FA7] =	sst s9;
	s0 =	simm.s32 @!p0 $0x0  }
0x12: {  	s1 =	sld [smem:$0x3F8D];
	s0 =	simm.s32 @p0 $0x1  }
0x13: {  	[smem:$0x3FA8] =	sst s0;
	s0 =	simm.s32 @!p1 $0x0  }
0x14: {  	s2 =	sld [smem:$0x3F8C];
	s0 =	simm.s32 @p1 $0x1  }
0x15: {  	[smem:$0x3FA9] =	sst s0;
	s0 =	simm.s32 @!p2 $0x0  }
0x16: {  	s3 =	sld [smem:$0x3FDB];
	s0 =	simm.s32 @p2 $0x1  }
0x17: {  	s4 =	simm.s32 $0x1BF5;
	[smem:$0x3FAB] =	sst s0  }
0x18: {  	s0 =	sld [smem:$0x3F8E];
	_ =	swait.ge [sflag:s4], $0x0  }
0x19: {  	s7 =	sld [smem:$0x3F8F]  }
0x1a: {  	s8 =	sadd.s32 $0xFFFFE003, lr  }
0x1b: {  	s9 =	sadd.s32 $0xFFFFFEF7, lr;
	s5 =	simm.s32 $0xFFFFFFFF;
	p2 =	slt.u32 s8, $0xFFFFF086  }
0x1c: {  	p1 =	slt.u32 s9, $0xF7A;
	s5 =	simm.s32 @!p2 $0x0  }
0x1d: {  	s5 =	simm.s32 @p1 $0x1;
	p0 =	seq.s32 s7, s2  }
0x1e: {  	s7 =	smul.u32 @!p0 $0xF7A, s2;
	p2 =	seq.s32 @!p0 s5, $0x0  }
0x1f: {  	s9 =	smul.u32 $0xF7A, s1;
	s8 =	simm.s32 @!p0 $0x1BF5;
	p2 =	por !p2, p0  }
0x20: {  	[sflag:s8] =	ssyncset.s32 @!p0 $0xFFFFF086;
	s6 =	sadd.s32 @!p0 s3, s7;
	s7 =	simm.s32 @!p0 $0x108  }
0x21: {  	s3 =	sadd.s32 s3, s9;
	s6 =	sadd.s32 @!p0 $0x88, s6;
	s7 =	simm.s32 @p2 $0x1082  }
0x22: {  	[simem:s7], [sflag:s8] =	dma.local @!p0 [hbm:s6], $0xF7A  }
0x23: {  	s9 =	sor.u32 $0xD0000000, s2;
	s6 =	simm.s32 $0x108;
	_ =	swait.ge @!p0 [sflag:s8], $0x0  }
0x24: {  	s3 =	sadd.s32 $0x88, s3;
	s6 =	simm.s32 @!p1 $0x1082;
	[sflag:s4] =	ssyncset.s32 $0xFFFFF086  }
0x25: {  	[simem:s6], [sflag:s4] =	dma.local [hbm:s3], $0xF7A  }
0x26: {  	[smem:$0x3F8F] =	sst s1;
	(tag) =	ssettag s2;
	_ =	strace s9  }
0x27: {  	s1 =	sld [smem:$0x3F9F]  }
0x28: {  	s2 =	sld [smem:$0x3FA0]  }
0x29: {  	s4 =	sld [smem:$0x3FA2]  }
0x2a: {  	p0 =	seq.s32 s5, $0x0;
	s5 =	sld [smem:$0x3FA3]  }
0x2b: {  	s6 =	sld [smem:$0x3FA4]  }
0x2c: {  	s7 =	sld [smem:$0x3FA5]  }
0x2d: {  	s3 =	simm.s32 $0x108;
	s8 =	sld [smem:$0x3FA6]  }
0x2e: {  	s3 =	simm.s32 @!p0 $0x1082;
	s9 =	sld [smem:$0x3FA7]  }
0x2f: {  	lr =	sadd.s32 s0, s3;
	s0 =	sld [smem:$0x3F9E]  }
0x30: {  	s3 =	sld [smem:$0x3FA1]  }
0x31: {  	[smem:$0x3FAA] =	sst s10  }
0x32: {  	s10 =	sld [smem:$0x3FA8];
	_ =	sdelay $0x3  }
0x33: {  	p0 =	seq.s32 s10, $0x1;
	s10 =	sld [smem:$0x3FAA];
	_ =	sdelay $0x3  }
0x34: {  	[smem:$0x3FAA] =	sst s10  }
0x35: {  	s10 =	sld [smem:$0x3FA9];
	_ =	sdelay $0x3  }
0x36: {  	p1 =	seq.s32 s10, $0x1;
	s10 =	sld [smem:$0x3FAA];
	_ =	sdelay $0x3  }
0x37: {  	[smem:$0x3FAA] =	sst s10  }
0x38: {  	s10 =	sld [smem:$0x3FAB]  }
0x39: {  	_ = 	snop;
	(pc) =	sbr.ind lr, $3  }
0x3a: {  	_ = 	snop  }
0x3b: {  	_ = 	snop  }
0x3c: {  	p2 =	seq.s32 s10, $0x1;
	s10 =	sld [smem:$0x3FAA]  }
0x3d: {  	_ =	shalt  }
0x3e: {  	_ =	shalt  }
0x3f: {  	_ =	shalt  }
0x40: {  	_ =	shalt  }
0x41: {  	_ =	shalt  }
0x42: {  	_ =	shalt  }
0x43: {  	_ =	shalt  }
0x44: {  	_ =	shalt  }
0x45: {  	_ =	shalt  }
0x46: {  	_ =	shalt  }
0x47: {  	_ =	shalt  }
0x48: {  	_ =	shalt  }
0x49: {  	_ =	shalt  }
0x4a: {  	_ =	shalt  }
0x4b: {  	_ =	shalt  }
0x4c: {  	_ =	shalt  }
0x4d: {  	_ =	shalt  }
0x4e: {  	_ =	shalt  }
0x4f: {  	_ =	shalt  }
0x50: {  	_ =	shalt  }
0x51: {  	_ =	shalt  }
0x52: {  	_ =	shalt  }
0x53: {  	_ =	shalt  }
0x54: {  	_ =	shalt  }
0x55: {  	_ =	shalt  }
0x56: {  	_ =	shalt  }
0x57: {  	_ =	shalt  }
0x58: {  	_ =	shalt  }
0x59: {  	_ =	shalt  }
0x5a: {  	_ =	shalt  }
0x5b: {  	_ =	shalt  }
0x5c: {  	_ =	shalt  }
0x5d: {  	_ =	shalt  }
0x5e: {  	_ =	shalt  }
0x5f: {  	_ =	shalt  }
0x60: {  	_ =	shalt  }
0x61: {  	_ =	shalt  }
0x62: {  	_ =	shalt  }
0x63: {  	_ =	shalt  }
0x64: {  	_ =	shalt  }
0x65: {  	_ =	shalt  }
0x66: {  	_ =	shalt  }
0x67: {  	_ =	shalt  }
0x68: {  	_ =	shalt  }
0x69: {  	_ =	shalt  }
0x6a: {  	_ =	shalt  }
0x6b: {  	_ =	shalt  }
0x6c: {  	_ =	shalt  }
0x6d: {  	_ =	shalt  }
0x6e: {  	_ =	shalt  }
0x6f: {  	_ =	shalt  }
0x70: {  	_ =	shalt  }
0x71: {  	_ =	shalt  }
0x72: {  	_ =	shalt  }
0x73: {  	_ =	shalt  }
0x74: {  	_ =	shalt  }
0x75: {  	_ =	shalt  }
0x76: {  	_ =	shalt  }
0x77: {  	_ =	shalt  }
0x78: {  	_ =	shalt  }
0x79: {  	_ =	shalt  }
0x7a: {  	_ =	shalt  }
0x7b: {  	_ =	shalt  }
0x7c: {  	_ =	shalt  }
0x7d: {  	_ =	shalt  }
0x7e: {  	_ =	shalt  }
0x7f: {  	_ =	shalt  }
0x80: {  	_ =	shalt  }
0x81: {  	_ =	shalt  }
0x82: {  	_ =	shalt  }
0x83: {  	_ =	shalt  }
0x84: {  	_ =	shalt  }
0x85: {  	_ =	shalt  }
0x86: {  	_ =	shalt  }
0x87: {  	_ =	shalt  }
.Lfunc_end0:
.L_simem_size_0:
called_computation_lowered:
.L_overlay_start_0:
0x88: {  	s2 =	sld [smem:$0x3FD9]  }
0x89: {  	s3 =	sld [smem:$0x3FFE];
	_ =	sdelay $0x1  }
0x8a: {  	s1 =	srdreg.scid  }
0x8b: {  	s0 =	sand.u32 $0x1, s1  }
0x8c: {  	s17 =	sshll.u32 s0, $0xA;
	s2 =	sadd.s32 s3, s2  }
0x8d: {  	s2 =	sadd.s32 s2, s17  }
0x8e: {  	[smem:$0x3FB6] =	sst s2  }
0x8f: {  	_ = 	snop  }
0x90: {  	s2 =	sld [smem:$0x3FC9]  }
0x91: {  	s18 =	sld [smem:$0x3FC6]  }
0x92: {  	s4 =	sld [smem:$0x3FD0];
	(tm) =	ssettm $0x1  }
0x93: {  	s5 =	sld [smem:$0x3FFB];
	_ =	sdelay $0x3  }
0x94: {  	_ =	strace s5  }
0x95: {  	s5 =	sld [smem:$0x3FFC];
	_ =	sdelay $0x3  }
0x96: {  	_ =	strace s5  }
0x97: {  	s5 =	sld [smem:$0x3FFD];
	_ =	sdelay $0x3  }
0x98: {  	_ =	strace s5  }
0x99: {  	_ =	strace $0x8FFFFFFF  }
0x9a: {  	s19 =	sld [smem:$0x3FDB];
	_ =	sdelay $0x1  }
0x9b: {  	s6 =	simm.s32 $_scs_section_size  }
0x9c: {  	s7 =	simm.s32 $_size__tile_overlayer_lowered;
	s8 =	simm.s32 $_tile_overlayer_lowered  }
0x9d: {  	s22 =	simm.s32 $0x1BFF;
	s21 =	sshll.u32 s8, $0x1;
	s5 =	sadd.s32 s6, s19  }
0x9e: {  	s9 =	simm.s32 $0x0;
	s20 =	sshll.u32 s7, $0x1;
	s7 =	sadd.s32 s21, s5  }
0x9f: {  	[timem:s9], [sflag:s22] =	dma.local [hbm:s7], s20  }
0xa0: {  	_ =	swait.ge [sflag:s22], s20  }
0xa1: {  	s6 =	ssub.s32 $0x0, s20;
	[sflag:s22] =	ssyncset.done $0x0  }
0xa2: {  	[sflag:s22] =	ssyncadd.s32 s6;
	_ =	sdelay $0x1  }
0xa3: {  	s23 =	simm.s32 $0x1B8B  }
0xa4: {  	_ =	swait.ge [sflag:s23], $0x1  }
0xa5: {  	[sflag:s23] =	ssyncset.done $0x0  }
0xa6: {  	s25 =	simm.s32 $0x1B8E;
	s24 =	sld [smem:$0x3FFE];
	[sflag:s23] =	ssyncadd.s32 $0xFFFFFFFF  }
0xa7: {  	s26 =	simm.s32 $execute0_lowered;
	[smem:$0x3FD2] =	sst s25  }
0xa8: {  	s7 =	sshll.u32 s26, $0x1;
	_ =	strace $0x80000046;
	[dreg:$0x1] =	wrdreg $0xFFFFFFFF  }
0xa9: {  	s28 =	simm.s32 $_size_execute0_lowered;
	s5 =	sadd.s32 s5, s7;
	[dreg:$0x0] =	wrdreg $0x0  }
0xaa: {  	s7 =	sshll.u32 s28, $0x1;
	[dreg:$0x2] =	wrdreg s5  }
0xab: {  	[dreg:$0x3] =	wrdreg s7  }
0xac: {  	[dreg:$0x4] =	wrdreg $0xC0  }
0xad: {  	_ =	task [dreg:s9], $0x5FFFF  }
0xae: {  	[dreg:$0x1] =	wrdreg $0xFFFFFFFF  }
0xaf: {  	[dreg:$0x0] =	wrdreg $0x60  }
0xb0: {  	[dreg:$0x2] =	wrdreg s2  }
0xb1: {  	[dreg:$0x3] =	wrdreg s18  }
0xb2: {  	[dreg:$0x4] =	wrdreg s24  }
0xb3: {  	[dreg:$0x5] =	wrdreg s4  }
0xb4: {  	[dreg:$0x6] =	wrdreg $0x2A000  }
0xb5: {  	[dreg:$0x7] =	wrdreg $0x9  }
0xb6: {  	_ =	task.clear_ibuf [dreg:s9], $0x8FFFF;
	_ =	strace $0x90000046  }
0xb7: {  	s29 =	simm.s32 $0x9;
	_ =	strace $0x80000048  }
0xb8: {  	_ =	swait.ge [sflag:s29], $0x1  }
0xb9: {  	[sflag:s29] =	ssyncadd.s32 $0xFFFFFFFF  }
0xba: {  	_ =	strace $0x90000048  }
0xbb: {  	_ =	sfence  }
0xbc: {  	s30 =	sld [smem:$0x0];
	_ =	sdelay $0x2  }
0xbd: {  	s31 =	sshll.u32 s1, $0xD;
	s1 =	sshrl.u32 s1, $0x2  }
0xbe: {  	s3 =	sand.u32 $0x4000, s31;
	s1 =	sadd.s32 s1, s30  }
0xbf: {  	s0 =	sor.u32 s3, s0;
	s1 =	sshll.u32 s1, $0x11  }
0xc0: {  	s0 =	sor.u32 s1, s0  }
0xc1: {  	s0 =	sadd.s32 $0x8F2B, s0  }
0xc2: {  	[sflag:s0] =	ssyncadd.remote.s32 $0x1  }
0xc3: {  	_ =	sfence.sel $0xFFFF  }
0xc4: {  	[dreg:$0x0] =	wrdreg $0xFFFFFFFF;
	(pc) =	sbr.abs _section_cstart, $3  }
0xc5: {  	[dreg:$0x1] =	wrdreg $0xFFFFFFFF  }
0xc6: {  	_ =	task.clear_ibuf [dreg:s9], $0x2FFFF;
	_ =	strace $0x9FFFFFFF  }
0xc7: {  	(tm) =	ssettm $0x7FFFFFFF  }
tec
execute0_lowered:
.L_overlay_start_1:
0x0: {  	(tag) =	ssettag $0x1  }
0x1: {  	s0 =	rddreg [dreg:$0x0]  }
0x2: {  	s1 =	rddreg [dreg:$0x1]  }
0x3: {  	s6 =	rddreg [dreg:$0x2]  }
0x4: {  	s7 =	rddreg [dreg:$0x3]  }
0x5: {  	s2 =	rddreg [dreg:$0x4];
	s4 =	simm.s32 $0x0;
	s5 =	srdreg.scid  }
0x6: {  	s3 =	stileid.u32;
	[smem:$0x7FF] =	sst s4  }
0x7: {  	s8 =	sand.u32 $0x1, s5;
	s9 =	smul.u32 $0x140, s3;
	s10 =	sor.u32 $0x10, s3  }
0x8: {  	s11 =	sshll.u32 s3, $0x4;
	s14 =	sadd.s32 $0xF800, s6;
	s16 =	sadd.s32 $0xF200, s6  }
0x9: {  	_ =	strace $0x80000047;
	s5 =	sshll.u32 s8, $0x4;
	s12 =	smul.u32 $0x140, s10  }
0xa: {  	s22 =	sadd.s32 s11, s6;
	s23 =	ssub.s32 $0x2, s8;
	p1 =	sne.s32 s8, $0x0  }
0xb: {  	s8 =	smul.u32 $0x50, s10;
	[dreg:$0x7] =	wrdreg s16;
	s13 =	sor.u32 s3, s5  }
0xc: {  	s10 =	sor.u32 $0x50, s3;
	[smem:$0x7FC] =	sst s22;
	s15 =	smul.u32 $0xA, s13  }
0xd: {  	s5 =	sadd.s32 $0xEC00, s6;
	s22 =	smul.u32 $0x500, s13;
	s17 =	sor.u32 $0x20, s13  }
0xe: {  	s19 =	sshrl.u32 s23, $0x1;
	s9 =	sshrl.u32 s9, $0x2;
	s18 =	smul.u32 $0xA, s17  }
0xf: {  	s20 =	sor.u32 $0x40, s13;
	s6 =	ssub.s32 s23, s19;
	s17 =	smul.u32 $0x500, s17  }
0x10: {  	s13 =	sor.u32 $0x60, s13;
	s12 =	sshrl.u32 s12, $0x2;
	s24 =	smul.u32 $0xA, s20  }
0x11: {  	[dreg:$0x6] =	wrdreg s5;
	s21 =	smul.u32 $0xA, s13;
	s6 =	smax.u32 s6, $0x1  }
0x12: {  	s26 =	smul.u32 $0x500, s20;
	s15 =	sadd.s32 s0, s15;
	[dreg:$0x10] =	wrdreg s6  }
0x13: {  	p0 =	sgt.u32 s13, $0x7C;
	s23 =	sadd.s32 s14, s22;
	[dreg:$0x8] =	wrdreg s15  }
0x14: {  	s25 =	sadd.s32 s0, s18;
	s20 =	sadd.s32 s0, s24;
	s0 =	sadd.s32 s0, s21  }
0x15: {  	s21 =	smul.u32 $0x500, s13;
	s24 =	sor.u32 $0x20, s3;
	s15 =	sadd.s32 s14, s26  }
0x16: {  	s26 =	sadd.s32 s9, s2;
	s9 =	sadd.s32 s12, s2;
	s12 =	sadd.s32 s11, s7  }
0x17: {  	s7 =	sor.u32 $0x40, s3;
	[dreg:$0x9] =	wrdreg s25;
	s25 =	smul.u32 $0x140, s24  }
0x18: {  	s17 =	sadd.s32 s14, s17;
	[dreg:$0xe] =	wrdreg s15;
	s15 =	smul.u32 $0x140, s7  }
0x19: {  	s11 =	sor.u32 $0x60, s3;
	[dreg:$0xd] =	wrdreg s17;
	s17 =	smul.u32 $0x140, s10  }
0x1a: {  	[dreg:$0xc] =	wrdreg s23;
	s13 =	sor.u32 $0x70, s3;
	s18 =	smul.u32 $0x140, s11  }
0x1b: {  	[dreg:$0xa] =	wrdreg s20;
	s19 =	smul.u32 $0x140, s13  }
0x1c: {  	[dreg:$0x11] =	wrdreg s26;
	s26 =	smul.u32 $0x50, s3  }
0x1d: {  	[dreg:$0xb] =	wrdreg s0;
	s7 =	smul.u32 $0x50, s7  }
0x1e: {  	s6 =	sor.u32 $0x30, s3;
	[dreg:$0x12] =	wrdreg s9;
	s10 =	smul.u32 $0x50, s10  }
0x1f: {  	[dreg:$0x13] =	wrdreg s12;
	s11 =	smul.u32 $0x50, s11;
	p2 =	sgt.u32 s13, $0x7C  }
0x20: {  	p3 =	slt.u32 s13, $0x7D;
	s13 =	smul.u32 $0x50, s13;
	s0 =	sadd.s32 s14, s21  }
0x21: {  	s14 =	smul.u32 $0x140, s6;
	[dreg:$0xf] =	wrdreg s0;
	s0 =	sshrl.u32 s25, $0x2  }
0x22: {  	s9 =	sshrl.u32 s15, $0x2;
	s25 =	sshrl.u32 s18, $0x2;
	s15 =	smul.u32 $0x50, s24  }
0x23: {  	s18 =	sshrl.u32 s26, $0x3;
	s30 =	sadd.s32 s7, s2;
	s7 =	sshrl.u32 s7, $0x3  }
0x24: {  	s31 =	sadd.s32 s10, s2;
	[dreg:$0x15] =	wrdreg s13;
	s0 =	sadd.s32 s0, s2  }
0x25: {  	s21 =	sadd.s32 s9, s2;
	s23 =	sadd.s32 s25, s2;
	s25 =	sadd.s32 s26, s2  }
0x26: {  	s26 =	sadd.s32 s8, s2;
	s8 =	sshrl.u32 s8, $0x3;
	[dreg:$0x14] =	wrdreg s0  }
0x27: {  	s0 =	sshrl.u32 s14, $0x2;
	s14 =	sshrl.u32 s19, $0x2;
	s28 =	sadd.s32 s15, s2  }
0x28: {  	s9 =	sshrl.u32 s15, $0x3;
	s19 =	sadd.s32 s16, s18;
	s15 =	sadd.s32 s5, s8  }
0x29: {  	s20 =	sadd.s32 s0, s2;
	s0 =	sshrl.u32 s17, $0x2;
	[dreg:$0x16] =	wrdreg s19  }
0x2a: {  	s17 =	smul.u32 $0x50, s6;
	s6 =	sadd.s32 s5, s18;
	[dreg:$0x19] =	wrdreg s15  }
0x2b: {  	s24 =	sadd.s32 s14, s2;
	s14 =	sadd.s32 s16, s8;
	[dreg:$0x17] =	wrdreg s6  }
0x2c: {  	s10 =	sshrl.u32 s10, $0x3;
	s18 =	sadd.s32 s5, s9;
	[dreg:$0x18] =	wrdreg s14  }
0x2d: {  	s15 =	sadd.s32 s5, s10;
	s22 =	sadd.s32 s0, s2;
	[dreg:$0x1b] =	wrdreg s18  }
0x2e: {  	s0 =	sadd.s32 s11, s2;
	s11 =	sshrl.u32 s11, $0x3;
	[smem:$0x7F9] =	sst s15  }
0x2f: {  	s14 =	sadd.s32 s16, s10;
	s18 =	sld [smem:$0x7FC];
	s29 =	sadd.s32 s17, s2  }
0x30: {  	s12 =	sshrl.u32 s17, $0x3;
	s17 =	sadd.s32 s16, s9;
	[smem:$0x7F8] =	sst s14  }
0x31: {  	s6 =	simm.s32 $0x2980;
	s9 =	sadd.s32 s16, s7;
	[dreg:$0x1a] =	wrdreg s17  }
0x32: {  	s10 =	simm.s32 $0x80;
	s19 =	sadd.s32 s16, s12;
	[dreg:$0x1e] =	wrdreg s9  }
0x33: {  	s8 =	sadd.s32 s5, s12;
	s12 =	sadd.s32 s5, s7;
	[dreg:$0x1c] =	wrdreg s19  }
.Ltmp0:
0x34: {  	s17 =	sadd.s32 s16, s11;
	[dreg:$0x1d] =	wrdreg s8;
	(pc) =	sbr.rel .LBB2_1-.Ltmp0, $4  }
0x35: {  	s5 =	sadd.s32 s5, s11;
	s7 =	simm.s32 $0x2;
	[dreg:$0x1f] =	wrdreg s12  }
0x36: {  	s9 =	simm.s32 $0x50;
	s11 =	simm.s32 $0x1;
	[smem:$0x7FA] =	sst s17  }
0x37: {  	[smem:$0x7FB] =	sst s5;
	s5 =	sadd.s32 $0x4E00, s18;
	s19 =	sshrl.u32 s13, $0x3  }
0x38: {  	v0 =	vimm.f32 $1.000000000e+00;
	v1 =	vimm.f32 $0.0e+00;
	s8 =	simm.s32 $0x3;
	s12 =	simm.s32 $0x0;
	[smem:$0x7FD] =	sst s19  }
.LBB2_8:
0x39: {  	s14 =	rddreg [dreg:$0x15]  }
0x3a: {  	s14 =	sadd.s32 s14, s2  }
0x3b: {  	[tilespmem:s6], [sflag:$0x3] =	stream.linear.gather [spmem:s14], $0x50, $0x38;
	[tilespmem:$0x2C78] =	vst v63  }
0x3c: {  	_ =	swait.ge [sflag:s8], $0x50  }
0x3d: {  	s19 =	sld [smem:$0x7FD];
	_ =	sdelay $0x1  }
0x3e: {  	[sflag:s8] =	ssyncset.done $0x0  }
0x3f: {  	[sflag:s8] =	ssyncadd.s32 $0xFFFFFFB0;
	s13 =	sadd.s32 s13, s19  }
0x40: {  	[hbm4b:s13+s4] =	stream.linear.scatter [tilespmem:s6], [sflag:$0x2], $0x50, $0x38;
	[tilespmem:$0x2C78] =	vst v63  }
0x41: {  	_ =	swait.ge [sflag:s7], $0x50  }
0x42: {  	[sflag:s7] =	ssyncset.done $0x0  }
0x43: {  	[sflag:s7] =	ssyncadd.s32 $0xFFFFFFB0  }
.LBB2_9:
0x44: {  	s12 =	sadd.s32 $0x1, s12;
	s13 =	rddreg [dreg:$0x10]  }
0x45: {  	p4 =	sne.s32 s12, s13  }
.Ltmp1:
0x46: {  	_ = 	snop;
	(pc) =	sbr.rel @!p4 .LBB2_10-.Ltmp1, $1  }
0x47: {  	_ =	sdelay $0x3  }
.LBB2_1:
0x48: {  	[tilespmem:$0x2900] =	vst v0  }
0x49: {  	[tilespmem:$0x2910] =	vst v0  }
0x4a: {  	[tilespmem:$0x2920] =	vst v0  }
0x4b: {  	[tilespmem:$0x2930] =	vst v0  }
0x4c: {  	[tilespmem:$0x2940] =	vst v0  }
0x4d: {  	[tilespmem:$0x2950] =	vst v0  }
0x4e: {  	[tilespmem:$0x2960] =	vst v0  }
0x4f: {  	[tilespmem:$0x2970] =	vst v0  }
0x50: {  	[tilespmem:$0x2980] =	vst v1  }
0x51: {  	[tilespmem:$0x2990] =	vst v1  }
0x52: {  	[tilespmem:$0x29A0] =	vst v1  }
0x53: {  	[tilespmem:$0x29B0] =	vst v1  }
0x54: {  	[tilespmem:$0x29C0] =	vst v1;
	s13 =	rddreg [dreg:$0x11]  }
0x55: {  	[spmem:s13] =	stream.linear.scatter [tilespmem:s6], [sflag:$0x2], $0x50, $0x38;
	[tilespmem:$0x2C78] =	vst v63  }
0x56: {  	_ =	swait.ge [sflag:s7], $0x50  }
0x57: {  	[sflag:s7] =	ssyncset.done $0x0  }
0x58: {  	s17 =	rddreg [dreg:$0x12];
	[sflag:s7] =	ssyncadd.s32 $0xFFFFFFB0  }
0x59: {  	[spmem:s17] =	stream.linear.scatter [tilespmem:s6], [sflag:$0x2], $0x50, $0x38;
	[tilespmem:$0x2C78] =	vst v63  }
0x5a: {  	_ =	swait.ge [sflag:s7], $0x50  }
0x5b: {  	[sflag:s7] =	ssyncset.done $0x0  }
0x5c: {  	s18 =	rddreg [dreg:$0x14];
	[sflag:s7] =	ssyncadd.s32 $0xFFFFFFB0  }
0x5d: {  	[spmem:s18] =	stream.linear.scatter [tilespmem:s6], [sflag:$0x2], $0x50, $0x38;
	[tilespmem:$0x2C78] =	vst v63  }
0x5e: {  	_ =	swait.ge [sflag:s7], $0x50  }
0x5f: {  	[sflag:s7] =	ssyncset.done $0x0  }
0x60: {  	[sflag:s7] =	ssyncadd.s32 $0xFFFFFFB0  }
0x61: {  	[spmem:s20] =	stream.linear.scatter [tilespmem:s6], [sflag:$0x2], $0x50, $0x38;
	[tilespmem:$0x2C78] =	vst v63  }
0x62: {  	_ =	swait.ge [sflag:s7], $0x50  }
0x63: {  	[sflag:s7] =	ssyncset.done $0x0  }
0x64: {  	[sflag:s7] =	ssyncadd.s32 $0xFFFFFFB0  }
0x65: {  	[spmem:s21] =	stream.linear.scatter [tilespmem:s6], [sflag:$0x2], $0x50, $0x38;
	[tilespmem:$0x2C78] =	vst v63  }
0x66: {  	_ =	swait.ge [sflag:s7], $0x50  }
0x67: {  	[sflag:s7] =	ssyncset.done $0x0  }
0x68: {  	[sflag:s7] =	ssyncadd.s32 $0xFFFFFFB0  }
0x69: {  	[spmem:s22] =	stream.linear.scatter [tilespmem:s6], [sflag:$0x2], $0x50, $0x38;
	[tilespmem:$0x2C78] =	vst v63  }
0x6a: {  	_ =	swait.ge [sflag:s7], $0x50  }
0x6b: {  	[sflag:s7] =	ssyncset.done $0x0  }
0x6c: {  	[sflag:s7] =	ssyncadd.s32 $0xFFFFFFB0  }
0x6d: {  	[spmem:s23] =	stream.linear.scatter [tilespmem:s6], [sflag:$0x2], $0x50, $0x38;
	[tilespmem:$0x2C78] =	vst v63  }
0x6e: {  	_ =	swait.ge [sflag:s7], $0x50  }
0x6f: {  	[sflag:s7] =	ssyncset.done $0x0  }
0x70: {  	s13 =	simm.s32 @!p2 $0x2980;
	[sflag:s7] =	ssyncadd.s32 $0xFFFFFFB0  }
0x71: {  	[spmem:s24] =	stream.linear.scatter @!p2 [tilespmem:s13], [sflag:$0x2], $0x50, $0x38;
	[tilespmem:$0x2C78] =	vst v63  }
0x72: {  	s13 =	simm.s32 @!p2 $0x2  }
0x73: {  	_ =	swait.ge @!p2 [sflag:s13], $0x50  }
0x74: {  	[sflag:s13] =	ssyncset.done @!p2 $0x0  }
0x75: {  	s19 =	rddreg [dreg:$0x8];
	[sflag:s13] =	ssyncadd.s32 @!p2 $0xFFFFFFB0  }
0x76: {  	[tilespmem:s4], [sflag:$0x3] =	stream.linear.gather [hbm4b:s19+s4], $0x50, $0x38;
	[tilespmem:$0x2C78] =	vst v63  }
0x77: {  	_ =	swait.ge [sflag:s8], $0x50  }
0x78: {  	[sflag:s8] =	ssyncset.done $0x0  }
0x79: {  	[sflag:s8] =	ssyncadd.s32 $0xFFFFFFB0  }
0x7a: {  	[tilespmem:s10], [sflag:$0x1] =	stream.indirect.gather [hbm4b:s1+s9], $0x80, s4, s9, $0xb8;
	[tilespmem:$0x2C78] =	vst v63  }
0x7b: {  	_ =	swait.ge [sflag:s11], $0x2800  }
0x7c: {  	[sflag:s11] =	ssyncset.done $0x0  }
0x7d: {  	s14 =	rddreg [dreg:$0xc];
	[sflag:s11] =	ssyncadd.s32 $0xFFFFD800  }
0x7e: {  	[hbm4b:s14+s4] =	stream.linear.scatter [tilespmem:s10], [sflag:$0x2], $0x2800, $0x38;
	[tilespmem:$0x2C78] =	vst v63  }
0x7f: {  	_ =	swait.ge [sflag:s7], $0x2800  }
0x80: {  	[sflag:s7] =	ssyncset.done $0x0  }
0x81: {  	s15 =	rddreg [dreg:$0x9];
	[sflag:s7] =	ssyncadd.s32 $0xFFFFD800  }
0x82: {  	[tilespmem:s4], [sflag:$0x3] =	stream.linear.gather [hbm4b:s15+s4], $0x50, $0x38;
	[tilespmem:$0x2C78] =	vst v63  }
0x83: {  	_ =	swait.ge [sflag:s8], $0x50  }
0x84: {  	[sflag:s8] =	ssyncset.done $0x0  }
0x85: {  	[sflag:s8] =	ssyncadd.s32 $0xFFFFFFB0  }
0x86: {  	[tilespmem:s10], [sflag:$0x1] =	stream.indirect.gather [hbm4b:s1+s9], $0x80, s4, s9, $0xb8;
	[tilespmem:$0x2C78] =	vst v63  }
0x87: {  	_ =	swait.ge [sflag:s11], $0x2800  }
0x88: {  	[sflag:s11] =	ssyncset.done $0x0  }
0x89: {  	s16 =	rddreg [dreg:$0xd];
	[sflag:s11] =	ssyncadd.s32 $0xFFFFD800  }
0x8a: {  	[hbm4b:s16+s4] =	stream.linear.scatter [tilespmem:s10], [sflag:$0x2], $0x2800, $0x38;
	[tilespmem:$0x2C78] =	vst v63  }
0x8b: {  	_ =	swait.ge [sflag:s7], $0x2800  }
0x8c: {  	[sflag:s7] =	ssyncset.done $0x0  }
0x8d: {  	s17 =	rddreg [dreg:$0xa];
	[sflag:s7] =	ssyncadd.s32 $0xFFFFD800  }
0x8e: {  	[tilespmem:s4], [sflag:$0x3] =	stream.linear.gather [hbm4b:s17+s4], $0x50, $0x38;
	[tilespmem:$0x2C78] =	vst v63  }
0x8f: {  	_ =	swait.ge [sflag:s8], $0x50  }
0x90: {  	[sflag:s8] =	ssyncset.done $0x0  }
0x91: {  	[sflag:s8] =	ssyncadd.s32 $0xFFFFFFB0  }
0x92: {  	[tilespmem:s10], [sflag:$0x1] =	stream.indirect.gather [hbm4b:s1+s9], $0x80, s4, s9, $0xb8;
	[tilespmem:$0x2C78] =	vst v63  }
0x93: {  	_ =	swait.ge [sflag:s11], $0x2800  }
0x94: {  	[sflag:s11] =	ssyncset.done $0x0  }
0x95: {  	s18 =	rddreg [dreg:$0xe];
	[sflag:s11] =	ssyncadd.s32 $0xFFFFD800  }
0x96: {  	[hbm4b:s18+s4] =	stream.linear.scatter [tilespmem:s10], [sflag:$0x2], $0x2800, $0x38;
	[tilespmem:$0x2C78] =	vst v63  }
0x97: {  	_ =	swait.ge [sflag:s7], $0x2800  }
0x98: {  	[sflag:s7] =	ssyncset.done $0x0  }
0x99: {  	s13 =	simm.s32 @!p0 $0x0;
	s14 =	rddreg [dreg:$0xb];
	[sflag:s7] =	ssyncadd.s32 $0xFFFFD800  }
0x9a: {  	[tilespmem:s13], [sflag:$0x3] =	stream.linear.gather @!p0 [hbm4b:s14+s13], $0x50, $0x38;
	[tilespmem:$0x2C78] =	vst v63  }
0x9b: {  	s14 =	simm.s32 @!p0 $0x3  }
0x9c: {  	_ =	swait.ge @!p0 [sflag:s14], $0x50  }
0x9d: {  	[sflag:s14] =	ssyncset.done @!p0 $0x0  }
0x9e: {  	s15 =	simm.s32 @!p0 $0x80;
	[sflag:s14] =	ssyncadd.s32 @!p0 $0xFFFFFFB0;
	s14 =	simm.s32 @!p0 $0x50  }
0x9f: {  	[tilespmem:s15], [sflag:$0x1] =	stream.indirect.gather @!p0 [hbm4b:s1+s14], $0x80, s13, s14, $0xb8;
	[tilespmem:$0x2C78] =	vst v63  }
0xa0: {  	s14 =	simm.s32 @!p0 $0x1  }
0xa1: {  	_ =	swait.ge @!p0 [sflag:s14], $0x2800  }
0xa2: {  	[sflag:s14] =	ssyncset.done @!p0 $0x0  }
0xa3: {  	[sflag:s14] =	ssyncadd.s32 @!p0 $0xFFFFD800;
	s14 =	rddreg [dreg:$0xf]  }
0xa4: {  	[hbm4b:s14+s13] =	stream.linear.scatter @!p0 [tilespmem:s15], [sflag:$0x2], $0x2800, $0x38;
	[tilespmem:$0x2C78] =	vst v63  }
0xa5: {  	s13 =	simm.s32 @!p0 $0x2  }
.Ltmp2:
0xa6: {  	_ =	swait.ge @!p0 [sflag:s13], $0x2800;
	(pc) =	sbr.rel @p1 .LBB2_5-.Ltmp2, $4  }
0xa7: {  	[sflag:s13] =	ssyncset.done @!p0 $0x0  }
0xa8: {  	s19 =	sadd.s32 $0x0, s3;
	[sflag:s13] =	ssyncadd.s32 @!p0 $0xFFFFD800  }
0xa9: {  	p5 =	sgt.u32 s19, $0x9C3;
	[bflag:$0x0] =	sbarrier.arrive $0xFFFF  }
0xaa: {  	p4 =	por p5, p5  }
0xab: {  	s13 =	simm.s32 @!p5 $0x0;
	s14 =	simm.s32 @!p5 $0x2880;
	s15 =	simm.s32 @!p4 $0x3  }
0xac: {  	[tilespmem:s14], [sflag:$0x3] =	stream.linear.gather @!p4 [hbm4b:s5+s13], $0x80, $0x38;
	[tilespmem:$0x2C78] =	vst v63  }
0xad: {  	_ =	swait.ge @!p4 [sflag:s15], $0x80  }
0xae: {  	s19 =	sadd.s32 $0x10, s3;
	[sflag:s15] =	ssyncset.done @!p4 $0x0  }
0xaf: {  	s13 =	simm.s32 @!p4 $0x80;
	[sflag:s15] =	ssyncadd.s32 @!p4 $0xFFFFFF80;
	s15 =	simm.s32 @!p4 $0x2900  }
0xb0: {  	[spmem:s2] =	stream.indirect.scatter.add.f32 @!p4 [tilespmem:s15], [sflag:$0x2], $0x1, s14, s13, $0xb8;
	[tilespmem:$0x2C78] =	vst v63  }
0xb1: {  	p5 =	sgt.u32 s19, $0x9C3;
	s15 =	simm.s32 @!p4 $0x2  }
0xb2: {  	s14 =	simm.s32 $0x20;
	s13 =	sadd.s32 $0x100, s5;
	_ =	swait.ge @!p4 [sflag:s15], $0x80  }
.LBB2_3:
0xb3: {  	s16 =	simm.s32 @!p5 $0x0  }
0xb4: {  	s17 =	simm.s32 @!p5 $0x2880;
	[sflag:s15] =	ssyncset.done @!p4 $0x0;
	s18 =	smov.u32 s14  }
0xb5: {  	p6 =	por p4, p4;
	p4 =	por p5, p5;
	s14 =	sadd.s32 $0x10, s14  }
0xb6: {  	s19 =	simm.s32 @!p4 $0x3;
	[sflag:s15] =	ssyncadd.s32 @!p6 $0xFFFFFF80;
	p6 =	seq.s32 s14, $0x9D0  }
0xb7: {  	[tilespmem:s17], [sflag:$0x3] =	stream.linear.gather @!p4 [hbm4b:s13+s16], $0x80, $0x38;
	[tilespmem:$0x2C78] =	vst v63  }
.Ltmp3:
0xb8: {  	_ =	swait.ge @!p4 [sflag:s19], $0x80;
	(pc) =	sbr.rel @!p6 .LBB2_3-.Ltmp3, $4  }
0xb9: {  	s15 =	simm.s32 @!p4 $0x2;
	s16 =	sadd.s32 s18, s3;
	[sflag:s19] =	ssyncset.done @!p4 $0x0  }
0xba: {  	s18 =	simm.s32 @!p4 $0x80;
	[sflag:s19] =	ssyncadd.s32 @!p4 $0xFFFFFF80;
	s19 =	simm.s32 @!p4 $0x2900  }
0xbb: {  	[spmem:s2] =	stream.indirect.scatter.add.f32 @!p4 [tilespmem:s19], [sflag:$0x2], $0x1, s17, s18, $0xb8;
	[tilespmem:$0x2C78] =	vst v63  }
0xbc: {  	s13 =	sadd.s32 $0x100, s13;
	p5 =	sgt.u32 s16, $0x9C3;
	_ =	swait.ge @!p4 [sflag:s15], $0x80  }
0xbd: {  	s14 =	simm.s32 @!p5 $0x0  }
0xbe: {  	[sflag:s15] =	ssyncset.done @!p4 $0x0;
	p4 =	por p4, p4;
	p6 =	por p5, p5  }
0xbf: {  	s16 =	simm.s32 @!p5 $0x2880;
	s17 =	simm.s32 @!p6 $0x3;
	[sflag:s15] =	ssyncadd.s32 @!p4 $0xFFFFFF80  }
0xc0: {  	[tilespmem:s16], [sflag:$0x3] =	stream.linear.gather @!p6 [hbm4b:s13+s14], $0x80, $0x38;
	[tilespmem:$0x2C78] =	vst v63  }
0xc1: {  	_ =	swait.ge @!p6 [sflag:s17], $0x80  }
0xc2: {  	s15 =	simm.s32 @!p6 $0x2900;
	[sflag:s17] =	ssyncset.done @!p6 $0x0  }
0xc3: {  	s13 =	simm.s32 @!p6 $0x2;
	s14 =	simm.s32 @!p6 $0x80;
	[sflag:s17] =	ssyncadd.s32 @!p6 $0xFFFFFF80  }
0xc4: {  	[spmem:s2] =	stream.indirect.scatter.add.f32 @!p6 [tilespmem:s15], [sflag:$0x2], $0x1, s16, s14, $0xb8;
	[tilespmem:$0x2C78] =	vst v63  }
0xc5: {  	_ =	swait.ge @!p6 [sflag:s13], $0x80  }
0xc6: {  	p4 =	por p6, p6;
	[sflag:s13] =	ssyncset.done @!p6 $0x0  }
0xc7: {  	[sflag:s13] =	ssyncadd.s32 @!p4 $0xFFFFFF80  }
0xc8: {  	[bflag:$0x0] =	sbarrier.arrive $0xFFFF  }
0xc9: {  	[tilespmem:s6], [sflag:$0x3] =	stream.linear.gather [spmem:s25], $0x50, $0x38;
	[tilespmem:$0x2C78] =	vst v63  }
0xca: {  	_ =	swait.ge [sflag:s8], $0x50  }
0xcb: {  	[sflag:s8] =	ssyncset.done $0x0  }
0xcc: {  	s19 =	rddreg [dreg:$0x17];
	[sflag:s8] =	ssyncadd.s32 $0xFFFFFFB0  }
0xcd: {  	[hbm4b:s19+s4] =	stream.linear.scatter [tilespmem:s6], [sflag:$0x2], $0x50, $0x38;
	[tilespmem:$0x2C78] =	vst v63  }
0xce: {  	_ =	swait.ge [sflag:s7], $0x50  }
0xcf: {  	[sflag:s7] =	ssyncset.done $0x0  }
0xd0: {  	[sflag:s7] =	ssyncadd.s32 $0xFFFFFFB0  }
0xd1: {  	[tilespmem:s6], [sflag:$0x3] =	stream.linear.gather [spmem:s26], $0x50, $0x38;
	[tilespmem:$0x2C78] =	vst v63  }
0xd2: {  	_ =	swait.ge [sflag:s8], $0x50  }
0xd3: {  	[sflag:s8] =	ssyncset.done $0x0  }
0xd4: {  	s14 =	rddreg [dreg:$0x19];
	[sflag:s8] =	ssyncadd.s32 $0xFFFFFFB0  }
0xd5: {  	[hbm4b:s14+s4] =	stream.linear.scatter [tilespmem:s6], [sflag:$0x2], $0x50, $0x38;
	[tilespmem:$0x2C78] =	vst v63  }
0xd6: {  	_ =	swait.ge [sflag:s7], $0x50  }
0xd7: {  	[sflag:s7] =	ssyncset.done $0x0  }
0xd8: {  	[sflag:s7] =	ssyncadd.s32 $0xFFFFFFB0  }
0xd9: {  	[tilespmem:s6], [sflag:$0x3] =	stream.linear.gather [spmem:s28], $0x50, $0x38;
	[tilespmem:$0x2C78] =	vst v63  }
0xda: {  	_ =	swait.ge [sflag:s8], $0x50  }
0xdb: {  	[sflag:s8] =	ssyncset.done $0x0  }
0xdc: {  	s15 =	rddreg [dreg:$0x1b];
	[sflag:s8] =	ssyncadd.s32 $0xFFFFFFB0  }
0xdd: {  	[hbm4b:s15+s4] =	stream.linear.scatter [tilespmem:s6], [sflag:$0x2], $0x50, $0x38;
	[tilespmem:$0x2C78] =	vst v63  }
0xde: {  	_ =	swait.ge [sflag:s7], $0x50  }
0xdf: {  	[sflag:s7] =	ssyncset.done $0x0  }
0xe0: {  	[sflag:s7] =	ssyncadd.s32 $0xFFFFFFB0  }
0xe1: {  	[tilespmem:s6], [sflag:$0x3] =	stream.linear.gather [spmem:s29], $0x50, $0x38;
	[tilespmem:$0x2C78] =	vst v63  }
0xe2: {  	_ =	swait.ge [sflag:s8], $0x50  }
0xe3: {  	[sflag:s8] =	ssyncset.done $0x0  }
0xe4: {  	s16 =	rddreg [dreg:$0x1d];
	[sflag:s8] =	ssyncadd.s32 $0xFFFFFFB0  }
0xe5: {  	[hbm4b:s16+s4] =	stream.linear.scatter [tilespmem:s6], [sflag:$0x2], $0x50, $0x38;
	[tilespmem:$0x2C78] =	vst v63  }
0xe6: {  	_ =	swait.ge [sflag:s7], $0x50  }
0xe7: {  	[sflag:s7] =	ssyncset.done $0x0  }
0xe8: {  	[sflag:s7] =	ssyncadd.s32 $0xFFFFFFB0  }
0xe9: {  	[tilespmem:s6], [sflag:$0x3] =	stream.linear.gather [spmem:s30], $0x50, $0x38;
	[tilespmem:$0x2C78] =	vst v63  }
0xea: {  	_ =	swait.ge [sflag:s8], $0x50  }
0xeb: {  	[sflag:s8] =	ssyncset.done $0x0  }
0xec: {  	s17 =	rddreg [dreg:$0x1f];
	[sflag:s8] =	ssyncadd.s32 $0xFFFFFFB0  }
0xed: {  	[hbm4b:s17+s4] =	stream.linear.scatter [tilespmem:s6], [sflag:$0x2], $0x50, $0x38;
	[tilespmem:$0x2C78] =	vst v63  }
0xee: {  	_ =	swait.ge [sflag:s7], $0x50  }
0xef: {  	[sflag:s7] =	ssyncset.done $0x0  }
0xf0: {  	[sflag:s7] =	ssyncadd.s32 $0xFFFFFFB0  }
0xf1: {  	[tilespmem:s6], [sflag:$0x3] =	stream.linear.gather [spmem:s31], $0x50, $0x38;
	[tilespmem:$0x2C78] =	vst v63  }
0xf2: {  	_ =	swait.ge [sflag:s8], $0x50  }
0xf3: {  	s18 =	sld [smem:$0x7F9]  }
0xf4: {  	[sflag:s8] =	ssyncset.done $0x0  }
0xf5: {  	[sflag:s8] =	ssyncadd.s32 $0xFFFFFFB0  }
0xf6: {  	[hbm4b:s18+s4] =	stream.linear.scatter [tilespmem:s6], [sflag:$0x2], $0x50, $0x38;
	[tilespmem:$0x2C78] =	vst v63  }
0xf7: {  	_ =	swait.ge [sflag:s7], $0x50  }
0xf8: {  	[sflag:s7] =	ssyncset.done $0x0  }
0xf9: {  	[sflag:s7] =	ssyncadd.s32 $0xFFFFFFB0  }
0xfa: {  	[tilespmem:s6], [sflag:$0x3] =	stream.linear.gather [spmem:s0], $0x50, $0x38;
	[tilespmem:$0x2C78] =	vst v63  }
0xfb: {  	_ =	swait.ge [sflag:s8], $0x50  }
0xfc: {  	s19 =	sld [smem:$0x7FB]  }
0xfd: {  	[sflag:s8] =	ssyncset.done $0x0  }
0xfe: {  	[sflag:s8] =	ssyncadd.s32 $0xFFFFFFB0  }
0xff: {  	[hbm4b:s19+s4] =	stream.linear.scatter [tilespmem:s6], [sflag:$0x2], $0x50, $0x38;
	[tilespmem:$0x2C78] =	vst v63  }
.Ltmp4:
0x100: {  	_ = 	snop;
	(pc) =	sbr.rel @p3 .LBB2_8-.Ltmp4, $4  }
.Ltmp5:
0x101: {  	_ = 	snop;
	(pc) =	sbr.rel @!p3 .LBB2_9-.Ltmp5, $4  }
0x102: {  	_ =	swait.ge [sflag:s7], $0x50  }
0x103: {  	[sflag:s7] =	ssyncset.done $0x0  }
0x104: {  	s13 =	rddreg [dreg:$0x6];
	[sflag:s7] =	ssyncadd.s32 $0xFFFFFFB0  }
0x105: {  	_ = 	snop  }
.LBB2_5:
0x106: {  	s13 =	simm.s32 @!p5 $0x0  }
0x107: {  	s14 =	simm.s32 @!p5 $0x2880;
	s15 =	simm.s32 @!p4 $0x3;
	s16 =	rddreg [dreg:$0x13]  }
0x108: {  	[tilespmem:s14], [sflag:$0x3] =	stream.linear.gather @!p4 [hbm4b:s16+s13], $0x80, $0x38;
	[tilespmem:$0x2C78] =	vst v63  }
0x109: {  	_ =	swait.ge @!p4 [sflag:s15], $0x80  }
0x10a: {  	s19 =	sadd.s32 $0x10, s3;
	[sflag:s15] =	ssyncset.done @!p4 $0x0  }
0x10b: {  	s13 =	simm.s32 @!p4 $0x80;
	[sflag:s15] =	ssyncadd.s32 @!p4 $0xFFFFFF80;
	s15 =	simm.s32 @!p4 $0x2900  }
0x10c: {  	[spmem:s2] =	stream.indirect.scatter.add.f32 @!p4 [tilespmem:s15], [sflag:$0x2], $0x1, s14, s13, $0xb8;
	[tilespmem:$0x2C78] =	vst v63  }
0x10d: {  	p5 =	sgt.u32 s19, $0x9C3;
	s15 =	simm.s32 @!p4 $0x2  }
0x10e: {  	s14 =	simm.s32 $0x20;
	s13 =	sadd.s32 $0x100, s16;
	_ =	swait.ge @!p4 [sflag:s15], $0x80  }
.LBB2_6:
0x10f: {  	s16 =	simm.s32 @!p5 $0x0  }
0x110: {  	s17 =	simm.s32 @!p5 $0x2880;
	[sflag:s15] =	ssyncset.done @!p4 $0x0;
	s18 =	smov.u32 s14  }
0x111: {  	p6 =	por p4, p4;
	p4 =	por p5, p5;
	s14 =	sadd.s32 $0x10, s14  }
0x112: {  	s19 =	simm.s32 @!p4 $0x3;
	[sflag:s15] =	ssyncadd.s32 @!p6 $0xFFFFFF80;
	p6 =	seq.s32 s14, $0x9D0  }
0x113: {  	[tilespmem:s17], [sflag:$0x3] =	stream.linear.gather @!p4 [hbm4b:s13+s16], $0x80, $0x38;
	[tilespmem:$0x2C78] =	vst v63  }
.Ltmp6:
0x114: {  	_ =	swait.ge @!p4 [sflag:s19], $0x80;
	(pc) =	sbr.rel @!p6 .LBB2_6-.Ltmp6, $4  }
0x115: {  	s15 =	simm.s32 @!p4 $0x2;
	s16 =	sadd.s32 s18, s3;
	[sflag:s19] =	ssyncset.done @!p4 $0x0  }
0x116: {  	s18 =	simm.s32 @!p4 $0x80;
	[sflag:s19] =	ssyncadd.s32 @!p4 $0xFFFFFF80;
	s19 =	simm.s32 @!p4 $0x2900  }
0x117: {  	[spmem:s2] =	stream.indirect.scatter.add.f32 @!p4 [tilespmem:s19], [sflag:$0x2], $0x1, s17, s18, $0xb8;
	[tilespmem:$0x2C78] =	vst v63  }
0x118: {  	s13 =	sadd.s32 $0x100, s13;
	p5 =	sgt.u32 s16, $0x9C3;
	_ =	swait.ge @!p4 [sflag:s15], $0x80  }
0x119: {  	s14 =	simm.s32 @!p5 $0x0  }
0x11a: {  	[sflag:s15] =	ssyncset.done @!p4 $0x0;
	p4 =	por p4, p4;
	p6 =	por p5, p5  }
0x11b: {  	s16 =	simm.s32 @!p5 $0x2880;
	s17 =	simm.s32 @!p6 $0x3;
	[sflag:s15] =	ssyncadd.s32 @!p4 $0xFFFFFF80  }
0x11c: {  	[tilespmem:s16], [sflag:$0x3] =	stream.linear.gather @!p6 [hbm4b:s13+s14], $0x80, $0x38;
	[tilespmem:$0x2C78] =	vst v63  }
0x11d: {  	_ =	swait.ge @!p6 [sflag:s17], $0x80  }
0x11e: {  	s15 =	simm.s32 @!p6 $0x2900;
	[sflag:s17] =	ssyncset.done @!p6 $0x0  }
0x11f: {  	s13 =	simm.s32 @!p6 $0x2;
	s14 =	simm.s32 @!p6 $0x80;
	[sflag:s17] =	ssyncadd.s32 @!p6 $0xFFFFFF80  }
0x120: {  	[spmem:s2] =	stream.indirect.scatter.add.f32 @!p6 [tilespmem:s15], [sflag:$0x2], $0x1, s16, s14, $0xb8;
	[tilespmem:$0x2C78] =	vst v63  }
0x121: {  	_ =	swait.ge @!p6 [sflag:s13], $0x80  }
0x122: {  	p4 =	por p6, p6;
	[sflag:s13] =	ssyncset.done @!p6 $0x0  }
0x123: {  	[sflag:s13] =	ssyncadd.s32 @!p4 $0xFFFFFF80  }
0x124: {  	[bflag:$0x0] =	sbarrier.arrive $0xFFFF  }
0x125: {  	[tilespmem:s6], [sflag:$0x3] =	stream.linear.gather [spmem:s25], $0x50, $0x38;
	[tilespmem:$0x2C78] =	vst v63  }
0x126: {  	_ =	swait.ge [sflag:s8], $0x50  }
0x127: {  	[sflag:s8] =	ssyncset.done $0x0  }
0x128: {  	s19 =	rddreg [dreg:$0x16];
	[sflag:s8] =	ssyncadd.s32 $0xFFFFFFB0  }
0x129: {  	[hbm4b:s19+s4] =	stream.linear.scatter [tilespmem:s6], [sflag:$0x2], $0x50, $0x38;
	[tilespmem:$0x2C78] =	vst v63  }
0x12a: {  	_ =	swait.ge [sflag:s7], $0x50  }
0x12b: {  	[sflag:s7] =	ssyncset.done $0x0  }
0x12c: {  	[sflag:s7] =	ssyncadd.s32 $0xFFFFFFB0  }
0x12d: {  	[tilespmem:s6], [sflag:$0x3] =	stream.linear.gather [spmem:s26], $0x50, $0x38;
	[tilespmem:$0x2C78] =	vst v63  }
0x12e: {  	_ =	swait.ge [sflag:s8], $0x50  }
0x12f: {  	[sflag:s8] =	ssyncset.done $0x0  }
0x130: {  	s14 =	rddreg [dreg:$0x18];
	[sflag:s8] =	ssyncadd.s32 $0xFFFFFFB0  }
0x131: {  	[hbm4b:s14+s4] =	stream.linear.scatter [tilespmem:s6], [sflag:$0x2], $0x50, $0x38;
	[tilespmem:$0x2C78] =	vst v63  }
0x132: {  	_ =	swait.ge [sflag:s7], $0x50  }
0x133: {  	[sflag:s7] =	ssyncset.done $0x0  }
0x134: {  	[sflag:s7] =	ssyncadd.s32 $0xFFFFFFB0  }
0x135: {  	[tilespmem:s6], [sflag:$0x3] =	stream.linear.gather [spmem:s28], $0x50, $0x38;
	[tilespmem:$0x2C78] =	vst v63  }
0x136: {  	_ =	swait.ge [sflag:s8], $0x50  }
0x137: {  	[sflag:s8] =	ssyncset.done $0x0  }
0x138: {  	s15 =	rddreg [dreg:$0x1a];
	[sflag:s8] =	ssyncadd.s32 $0xFFFFFFB0  }
0x139: {  	[hbm4b:s15+s4] =	stream.linear.scatter [tilespmem:s6], [sflag:$0x2], $0x50, $0x38;
	[tilespmem:$0x2C78] =	vst v63  }
0x13a: {  	_ =	swait.ge [sflag:s7], $0x50  }
0x13b: {  	[sflag:s7] =	ssyncset.done $0x0  }
0x13c: {  	[sflag:s7] =	ssyncadd.s32 $0xFFFFFFB0  }
0x13d: {  	[tilespmem:s6], [sflag:$0x3] =	stream.linear.gather [spmem:s29], $0x50, $0x38;
	[tilespmem:$0x2C78] =	vst v63  }
0x13e: {  	_ =	swait.ge [sflag:s8], $0x50  }
0x13f: {  	[sflag:s8] =	ssyncset.done $0x0  }
0x140: {  	s16 =	rddreg [dreg:$0x1c];
	[sflag:s8] =	ssyncadd.s32 $0xFFFFFFB0  }
0x141: {  	[hbm4b:s16+s4] =	stream.linear.scatter [tilespmem:s6], [sflag:$0x2], $0x50, $0x38;
	[tilespmem:$0x2C78] =	vst v63  }
0x142: {  	_ =	swait.ge [sflag:s7], $0x50  }
0x143: {  	[sflag:s7] =	ssyncset.done $0x0  }
0x144: {  	[sflag:s7] =	ssyncadd.s32 $0xFFFFFFB0  }
0x145: {  	[tilespmem:s6], [sflag:$0x3] =	stream.linear.gather [spmem:s30], $0x50, $0x38;
	[tilespmem:$0x2C78] =	vst v63  }
0x146: {  	_ =	swait.ge [sflag:s8], $0x50  }
0x147: {  	[sflag:s8] =	ssyncset.done $0x0  }
0x148: {  	s17 =	rddreg [dreg:$0x1e];
	[sflag:s8] =	ssyncadd.s32 $0xFFFFFFB0  }
0x149: {  	[hbm4b:s17+s4] =	stream.linear.scatter [tilespmem:s6], [sflag:$0x2], $0x50, $0x38;
	[tilespmem:$0x2C78] =	vst v63  }
0x14a: {  	_ =	swait.ge [sflag:s7], $0x50  }
0x14b: {  	[sflag:s7] =	ssyncset.done $0x0  }
0x14c: {  	[sflag:s7] =	ssyncadd.s32 $0xFFFFFFB0  }
0x14d: {  	[tilespmem:s6], [sflag:$0x3] =	stream.linear.gather [spmem:s31], $0x50, $0x38;
	[tilespmem:$0x2C78] =	vst v63  }
0x14e: {  	_ =	swait.ge [sflag:s8], $0x50  }
0x14f: {  	s18 =	sld [smem:$0x7F8]  }
0x150: {  	[sflag:s8] =	ssyncset.done $0x0  }
0x151: {  	[sflag:s8] =	ssyncadd.s32 $0xFFFFFFB0  }
0x152: {  	[hbm4b:s18+s4] =	stream.linear.scatter [tilespmem:s6], [sflag:$0x2], $0x50, $0x38;
	[tilespmem:$0x2C78] =	vst v63  }
0x153: {  	_ =	swait.ge [sflag:s7], $0x50  }
0x154: {  	[sflag:s7] =	ssyncset.done $0x0  }
0x155: {  	[sflag:s7] =	ssyncadd.s32 $0xFFFFFFB0  }
0x156: {  	[tilespmem:s6], [sflag:$0x3] =	stream.linear.gather [spmem:s0], $0x50, $0x38;
	[tilespmem:$0x2C78] =	vst v63  }
0x157: {  	_ =	swait.ge [sflag:s8], $0x50  }
0x158: {  	s19 =	sld [smem:$0x7FA]  }
0x159: {  	[sflag:s8] =	ssyncset.done $0x0  }
0x15a: {  	[sflag:s8] =	ssyncadd.s32 $0xFFFFFFB0  }
0x15b: {  	[hbm4b:s19+s4] =	stream.linear.scatter [tilespmem:s6], [sflag:$0x2], $0x50, $0x38;
	[tilespmem:$0x2C78] =	vst v63  }
.Ltmp7:
0x15c: {  	_ = 	snop;
	(pc) =	sbr.rel @p2 .LBB2_9-.Ltmp7, $4  }
.Ltmp8:
0x15d: {  	_ = 	snop;
	(pc) =	sbr.rel @!p2 .LBB2_8-.Ltmp8, $4  }
0x15e: {  	_ =	swait.ge [sflag:s7], $0x50  }
0x15f: {  	[sflag:s7] =	ssyncset.done $0x0  }
0x160: {  	s13 =	rddreg [dreg:$0x7];
	[sflag:s7] =	ssyncadd.s32 $0xFFFFFFB0  }
0x161: {  	_ = 	snop  }
.LBB2_10:
0x162: {  	_ =	sfence.sel $0x180000  }
0x163: {  	[bflag:$0x0] =	sbarrier.arrive $0xFFFF  }
0x164: {  	_ =	strace $0x90000047  }
0x165: {  	[bflag:$0x2] =	sbarrier.arrive $0xFFFF  }
0x166: {  	p0 =	sne.s32 s3, $0x0;
	s0 =	rddreg [dreg:$0x5]  }
0x167: {  	s0 =	sadd.s32 @!p0 $0x100000, s0  }
0x168: {  	[sflag:s0] =	ssyncadd.tile.s32 @!p0 $0x1;
	_ =	shalt  }
.Lfunc_end2:
_tile_overlayer_lowered:
.L_overlay_start_2:
0x169: {  	(tag) =	ssettag $0x2  }
0x16a: {  	s0 =	rddreg [dreg:$0x0];
	s2 =	stileid.u32  }
0x16b: {  	s1 =	rddreg [dreg:$0x1];
	p0 =	sne.s32 s2, $0x0  }
0x16c: {  	s3 =	rddreg [dreg:$0x2];
	[bflag:$0x3] =	sbarrier.arrive $0xFFFF;
	s2 =	simm.s32 @!p0 $0x1C02  }
0x16d: {  	[timem:s3], [sflag:s2] =	dma.local @!p0 [hbm:s0], s1  }
0x16e: {  	s0 =	simm.s32 @!p0 $0x2  }
0x16f: {  	_ =	swait.ge @!p0 [sflag:s0], s1  }
0x170: {  	s1 =	ssub.s32 @!p0 $0x0, s1;
	[sflag:s0] =	ssyncset.done @!p0 $0x0  }
0x171: {  	[sflag:s0] =	ssyncadd.s32 @!p0 s1  }
0x172: {  	[bflag:$0x3] =	sbarrier.arrive $0xFFFF  }
0x173: {  	_ =	shalt  }

</sc_bundles>
